<compile_context>
chip_gen: v7x
topology: tpu7x:2x2x1
jax: 0.10.2.dev20260603
libtpu: 0.0.44.dev20260713+nightly
codegen_flags: <defaults>
</compile_context>

<pallas_src>
import jax
import jax.numpy as jnp
from jax import lax
from jax.experimental import pallas as pl
from jax.experimental.pallas import tpu as pltpu
from jax.experimental.pallas import tpu_sc as plsc

N = 10000
E = 320000
D_IN = 128
DIM = 32
G = 128

NC = 2
NS = 16
NW = NC * NS
EPW = E // NW
C = 80
K = 128
NG = K
EPWP = K * C
NP = N + 16
YP = N + 8
RPS = NP // NS

_MESH = dict(core_axis_name="c", subcore_axis_name="s")



def _hist_body(dst_hbm, out_hbm, idx_v, hist_v):
    c = lax.axis_index("c")
    s = lax.axis_index("s")
    w = s * NC + c
    ones = jnp.ones((16,), jnp.float32)
    zeros = jnp.zeros((16,), jnp.float32)
    for e in range(2):
        pltpu.sync_copy(dst_hbm.at[e, w], idx_v)

        def zbody(i, _):
            for u in range(5):
                hist_v[pl.ds((i * 5 + u) * 16, 16)] = zeros
            return 0

        lax.fori_loop(0, N // 80, zbody, 0)

        def body(i, _):
            for u in range(5):
                idx = idx_v[pl.ds((i * 5 + u) * 16, 16)]
                plsc.addupdate_scatter(hist_v, [idx], ones)
            return 0

        lax.fori_loop(0, EPW // 80, body, 0)
        pltpu.sync_copy(hist_v, out_hbm.at[e, w])


def _agg_body(ya_hbm, yb_hbm, ea_hbm, eb_hbm, z_hbm, sa_hbm, sb_hbm,
              idx_sa, idx_da, idx_sb, idx_db, bufs_a, bufs_b,
              acc_a, acc_b, gsem_a, gsem_b, ssem_a, ssem_b):
    c = lax.axis_index("c")
    s = lax.axis_index("s")
    w = s * NC + c
    my_rows = pl.ds(s * RPS, RPS)
    pltpu.sync_copy(z_hbm, acc_a.at[my_rows])
    pltpu.sync_copy(z_hbm, acc_b.at[my_rows])
    pltpu.sync_copy(ea_hbm.at[0, w], idx_sa)
    pltpu.sync_copy(ea_hbm.at[1, w], idx_da)
    pltpu.sync_copy(eb_hbm.at[0, w], idx_sb)
    pltpu.sync_copy(eb_hbm.at[1, w], idx_db)
    plsc.subcore_barrier()

    def gather(g, p):
        pltpu.async_copy(ya_hbm.at[idx_sa.at[g]], bufs_a[p], gsem_a[p])
        pltpu.async_copy(yb_hbm.at[idx_sb.at[g]], bufs_b[p], gsem_b[p])

    def gwait(p):
        pltpu.make_async_copy(ya_hbm.at[idx_sa.at[0]], bufs_a[p],
                              gsem_a[p]).wait()
        pltpu.make_async_copy(yb_hbm.at[idx_sb.at[0]], bufs_b[p],
                              gsem_b[p]).wait()

    def scatter(g, p):
        pltpu.make_async_copy(bufs_a[p], acc_a.at[idx_da.at[g]],
                              ssem_a[p]).start(add=True)
        pltpu.make_async_copy(bufs_b[p], acc_b.at[idx_db.at[g]],
                              ssem_b[p]).start(add=True)

    def swait(p):
        pltpu.make_async_copy(bufs_a[p], acc_a.at[idx_da.at[0]],
                              ssem_a[p]).wait()
        pltpu.make_async_copy(bufs_b[p], acc_b.at[idx_db.at[0]],
                              ssem_b[p]).wait()

    gather(0, 0)
    gather(1, 1)
    gwait(0); scatter(0, 0); gather(2, 2)
    gwait(1); scatter(1, 1); gather(3, 3)

    def steady(jj, _):
        for u in range(4):
            g = 4 * jj + 2 + u
            p = (2 + u) % 4
            pn = u % 4
            gwait(p)
            scatter(g, p)
            swait(pn)
            gather(g + 2, pn)
        return 0

    lax.fori_loop(0, (NG - 6) // 4 + 1, steady, 0)
    gwait(2); scatter(NG - 2, 2); swait(0)
    gwait(3); scatter(NG - 1, 3); swait(1)
    swait(2)
    swait(3)

    plsc.subcore_barrier()
    pltpu.sync_copy(acc_a.at[my_rows], sa_hbm.at[c, my_rows])
    pltpu.sync_copy(acc_b.at[my_rows], sb_hbm.at[c, my_rows])


def _sc_hist(dst2):
    return pl.kernel(
        _hist_body,
        out_type=jax.ShapeDtypeStruct((2, NW, N), jnp.float32),
        mesh=plsc.VectorSubcoreMesh(**_MESH),
        scratch_types=[
            pltpu.VMEM((EPW,), jnp.int32),
            pltpu.VMEM((N,), jnp.float32),
        ],
        compiler_params=pltpu.CompilerParams(needs_layout_passes=False,
                                             use_tc_tiling_on_sc=False),
    )(dst2)


def _sc_agg(ya, yb, ea, eb, zrows):
    return pl.kernel(
        _agg_body,
        out_type=(
            jax.ShapeDtypeStruct((NC, NP, DIM), jnp.float32),
            jax.ShapeDtypeStruct((NC, NP, DIM), jnp.float32),
        ),
        mesh=plsc.VectorSubcoreMesh(**_MESH),
        scratch_types=[
            pltpu.VMEM((K, C), jnp.int32),
            pltpu.VMEM((K, C), jnp.int32),
            pltpu.VMEM((K, C), jnp.int32),
            pltpu.VMEM((K, C), jnp.int32),
            [pltpu.VMEM((C, DIM), jnp.float32) for _ in range(4)],
            [pltpu.VMEM((C, DIM), jnp.float32) for _ in range(4)],
            pltpu.VMEM_SHARED((NP, DIM), jnp.float32),
            pltpu.VMEM_SHARED((NP, DIM), jnp.float32),
            [pltpu.SemaphoreType.DMA for _ in range(4)],
            [pltpu.SemaphoreType.DMA for _ in range(4)],
            [pltpu.SemaphoreType.DMA for _ in range(4)],
            [pltpu.SemaphoreType.DMA for _ in range(4)],
        ],
        compiler_params=pltpu.CompilerParams(needs_layout_passes=False,
                                             use_tc_tiling_on_sc=False),
    )(ya, yb, ea, eb, zrows)



def _mm(a, b):
    return jnp.dot(a, b, preferred_element_type=jnp.float32,
                   precision=lax.Precision.HIGHEST)


def _dense1_body(xt, w11t, w12t, dlp, dgp, y1t, y2t, dil, dig):
    dl = lax.rsqrt(jnp.sum(dlp[...], axis=0, keepdims=True) + 1.0)
    dg = lax.rsqrt(jnp.sum(dgp[...], axis=0, keepdims=True) + 1.0)
    dil[...] = dl
    dig[...] = dg
    xv = xt[...]
    y1t[...] = _mm(w11t[...], xv) * dl
    y2t[...] = _mm(w12t[...], xv) * dg


def _mlp_t(s1, y1, s2, y2, dl, dg, b1, b2, wa1, wa2, ba, wb, bb):
    x1 = jnp.maximum(dl * (s1[0] + s1[1] + y1) + b1[...], 0.0)
    x2 = jnp.maximum(dg * (s2[0] + s2[1] + y2) + b2[...], 0.0)
    t = jnp.maximum(_mm(wa1[...], x1) + _mm(wa2[...], x2) + ba[...], 0.0)
    return _mm(wb[...], t) + bb[...]


def _dense2_body(s1, y1, s2, y2, dil, dig, b1, b2, wa1, wa2, ba, wb, bb,
                 wc1, wc2, y3t, y4t):
    dl = dil[...]
    dg = dig[...]
    h = _mlp_t(s1, y1[...], s2, y2[...], dl, dg, b1, b2, wa1, wa2, ba, wb, bb)
    y3t[...] = _mm(wc1[...], h) * dl
    y4t[...] = _mm(wc2[...], h) * dg


def _dense3_body(s3, y3, s4, y4, dil, dig, b1, b2, wa1, wa2, ba, wb, bb,
                 batch_col, wlint, blin, out):
    h = _mlp_t(s3, y3[...], s4, y4[...], dil[...], dig[...],
               b1, b2, wa1, wa2, ba, wb, bb)
    seg = (batch_col[...] == lax.broadcasted_iota(jnp.int32, (N, G), 1))
    pooled = _mm(h, seg.astype(jnp.float32))
    out[...] = _mm(wlint[...], pooled) + blin[...]


def _tc(body, out_shapes):
    return pl.pallas_call(body, out_shape=out_shapes)



@jax.jit
def kernel(x, edge_index_local, edge_index_global, batch,
           W_c11, b_c11, W_c12, b_c12, W_m1a, b_m1a, W_m1b, b_m1b,
           W_c21, b_c21, W_c22, b_c22, W_m2a, b_m2a, W_m2b, b_m2b,
           W_lin, b_lin):
    f32 = jnp.float32
    dst2 = jnp.stack([edge_index_local[1], edge_index_global[1]]
                     ).reshape(2, NW, EPW)
    pad = ((0, 0), (0, 0), (0, EPWP - EPW))
    ea = jnp.pad(edge_index_local.reshape(2, NW, EPW), pad,
                 constant_values=N).reshape(2, NW, K, C)
    eb = jnp.pad(edge_index_global.reshape(2, NW, EPW), pad,
                 constant_values=N).reshape(2, NW, K, C)
    zrows = jnp.zeros((RPS, DIM), f32)

    deg = _sc_hist(dst2)

    y1t, y2t, dil, dig = _tc(_dense1_body, (
        jax.ShapeDtypeStruct((DIM, N), f32),
        jax.ShapeDtypeStruct((DIM, N), f32),
        jax.ShapeDtypeStruct((1, N), f32),
        jax.ShapeDtypeStruct((1, N), f32),
    ))(x.T, W_c11.T, W_c12.T, deg[0], deg[1])

    ypad = ((0, YP - N), (0, 0))
    y1, y2 = jnp.pad(y1t.T, ypad), jnp.pad(y2t.T, ypad)
    s1, s2 = _sc_agg(y1, y2, ea, eb, zrows)

    yy = (jax.ShapeDtypeStruct((DIM, N), f32),) * 2
    y3t, y4t = _tc(_dense2_body, yy)(
        s1[:, :N].transpose(0, 2, 1), y1t,
        s2[:, :N].transpose(0, 2, 1), y2t, dil, dig,
        b_c11.reshape(DIM, 1), b_c12.reshape(DIM, 1),
        W_m1a[:DIM].T, W_m1a[DIM:].T, b_m1a.reshape(DIM, 1),
        W_m1b.T, b_m1b.reshape(DIM, 1), W_c21.T, W_c22.T)

    s3, s4 = _sc_agg(jnp.pad(y3t.T, ypad), jnp.pad(y4t.T, ypad),
                     ea, eb, zrows)

    out = _tc(_dense3_body, jax.ShapeDtypeStruct((1, G), f32))(
        s3[:, :N].transpose(0, 2, 1), y3t,
        s4[:, :N].transpose(0, 2, 1), y4t, dil, dig,
        b_c21.reshape(DIM, 1), b_c22.reshape(DIM, 1),
        W_m2a[:DIM].T, W_m2a[DIM:].T, b_m2a.reshape(DIM, 1),
        W_m2b.T, b_m2b.reshape(DIM, 1),
        batch.reshape(N, 1), W_lin.T, b_lin.reshape(1, 1))
    return out.reshape(G)

# --- scband reference (transcript-rebuilt; emitter-appended) ---
"""Pipeline reference for scband-gcnconv-two-aggregators-net-67508295958856 (READ-ONLY COPY).

The authoritative reference and input builder live on the scoring server;
editing this copy changes nothing except your own understanding.
"""

import jax, jax.numpy as jnp
import numpy as np

N = 10000
E = 320000
D_IN = 128
DIM = 32
G = 128

def _lin_init(k, fan_in, fan_out):
    s = 1.0 / np.sqrt(fan_in)
    return jax.random.uniform(k, (fan_in, fan_out), minval=-s, maxval=s, dtype=jnp.float32)

def setup_inputs(seed: int = 0):
    key = jax.random.key(seed)
    ks = jax.random.split(key, 16)
    inp = {}
    inp["x"] = jax.random.normal(ks[0], (N, D_IN), dtype=jnp.float32)
    inp["edge_index_local"] = jax.random.randint(ks[1], (2, E), 0, N, dtype=jnp.int32)
    inp["edge_index_global"] = jax.random.randint(ks[2], (2, E), 0, N, dtype=jnp.int32)
    inp["batch"] = jnp.sort(jax.random.randint(ks[3], (N,), 0, G, dtype=jnp.int32))
    inp["W_c11"] = _lin_init(ks[4], D_IN, DIM); inp["b_c11"] = jnp.zeros((DIM,), jnp.float32)
    inp["W_c12"] = _lin_init(ks[5], D_IN, DIM); inp["b_c12"] = jnp.zeros((DIM,), jnp.float32)
    inp["W_m1a"] = _lin_init(ks[6], 2 * DIM, DIM); inp["b_m1a"] = jnp.zeros((DIM,), jnp.float32)
    inp["W_m1b"] = _lin_init(ks[7], DIM, DIM); inp["b_m1b"] = jnp.zeros((DIM,), jnp.float32)
    inp["W_c21"] = _lin_init(ks[8], DIM, DIM); inp["b_c21"] = jnp.zeros((DIM,), jnp.float32)
    inp["W_c22"] = _lin_init(ks[9], DIM, DIM); inp["b_c22"] = jnp.zeros((DIM,), jnp.float32)
    inp["W_m2a"] = _lin_init(ks[10], 2 * DIM, DIM); inp["b_m2a"] = jnp.zeros((DIM,), jnp.float32)
    inp["W_m2b"] = _lin_init(ks[11], DIM, DIM); inp["b_m2b"] = jnp.zeros((DIM,), jnp.float32)
    inp["W_lin"] = _lin_init(ks[12], DIM, 1); inp["b_lin"] = jnp.zeros((1,), jnp.float32)
    return inp

def _gcn_conv(x, edge_index, W, b):
    # PyG GCNConv: add self-loops, symmetric normalization, aggregate at dst (edge_index[1])
    loop = jnp.arange(N, dtype=edge_index.dtype)
    src = jnp.concatenate([edge_index[0], loop])
    dst = jnp.concatenate([edge_index[1], loop])
    deg = jnp.zeros((N,), x.dtype).at[dst].add(1.0)
    dinv = jnp.where(deg > 0, 1.0 / jnp.sqrt(deg), 0.0)
    norm = dinv[src] * dinv[dst]
    xw = x @ W
    out = jnp.zeros((N, W.shape[1]), x.dtype).at[dst].add(xw[src] * norm[:, None])
    return out + b

def reference(x, edge_index_local, edge_index_global, batch, W_c11, b_c11, W_c12, b_c12, W_m1a, b_m1a, W_m1b, b_m1b, W_c21, b_c21, W_c22, b_c22, W_m2a, b_m2a, W_m2b, b_m2b, W_lin, b_lin):
    x1 = jax.nn.relu(_gcn_conv(x, edge_index_local, W_c11, b_c11))
    x2 = jax.nn.relu(_gcn_conv(x, edge_index_global, W_c12, b_c12))
    h = jnp.concatenate([x1, x2], axis=-1)
    h = jax.nn.relu(h @ W_m1a + b_m1a) @ W_m1b + b_m1b
    x1 = jax.nn.relu(_gcn_conv(h, edge_index_local, W_c21, b_c21))
    x2 = jax.nn.relu(_gcn_conv(h, edge_index_global, W_c22, b_c22))
    h = jnp.concatenate([x1, x2], axis=-1)
    h = jax.nn.relu(h @ W_m2a + b_m2a) @ W_m2b + b_m2b
    pooled = jnp.zeros((G, h.shape[1]), h.dtype).at[batch].add(h)  # global_add_pool
    out = pooled @ W_lin + b_lin
    return out.squeeze(-1)

if __name__ == "__main__":
    import jax
    _d = setup_inputs()
    print(jax.jit(kernel)(*tuple(_d.values())))

</pallas_src>

<mosaic_0001>
#map = affine_map<(d0, d1) -> (0, 0)>
#map1 = affine_map<(d0, d1) -> (0, 0, 0, 0)>
#map2 = affine_map<(d0, d1) -> (0, 0, 0)>
module attributes {stable_mosaic.version = 14 : i64} {
  func.func @_agg_body(%arg0: i32, %arg1: i32, %arg2: memref<10008x32xf32, #tpu.memory_space<hbm>>, %arg3: memref<10008x32xf32, #tpu.memory_space<hbm>>, %arg4: memref<2x32x128x80xi32, #tpu.memory_space<hbm>>, %arg5: memref<2x32x128x80xi32, #tpu.memory_space<hbm>>, %arg6: memref<626x32xf32, #tpu.memory_space<hbm>>, %arg7: memref<2x10016x32xf32, #tpu.memory_space<hbm>>, %arg8: memref<2x10016x32xf32, #tpu.memory_space<hbm>>, %arg9: memref<128x80xi32, #tpu.memory_space<vmem>>, %arg10: memref<128x80xi32, #tpu.memory_space<vmem>>, %arg11: memref<128x80xi32, #tpu.memory_space<vmem>>, %arg12: memref<128x80xi32, #tpu.memory_space<vmem>>, %arg13: memref<80x32xf32, #tpu.memory_space<vmem>>, %arg14: memref<80x32xf32, #tpu.memory_space<vmem>>, %arg15: memref<80x32xf32, #tpu.memory_space<vmem>>, %arg16: memref<80x32xf32, #tpu.memory_space<vmem>>, %arg17: memref<80x32xf32, #tpu.memory_space<vmem>>, %arg18: memref<80x32xf32, #tpu.memory_space<vmem>>, %arg19: memref<80x32xf32, #tpu.memory_space<vmem>>, %arg20: memref<80x32xf32, #tpu.memory_space<vmem>>, %arg21: memref<10016x32xf32, #tpu.memory_space<vmem_shared>>, %arg22: memref<10016x32xf32, #tpu.memory_space<vmem_shared>>, %arg23: memref<!tpu.dma_semaphore, #tpu.memory_space<semaphore_mem>>, %arg24: memref<!tpu.dma_semaphore, #tpu.memory_space<semaphore_mem>>, %arg25: memref<!tpu.dma_semaphore, #tpu.memory_space<semaphore_mem>>, %arg26: memref<!tpu.dma_semaphore, #tpu.memory_space<semaphore_mem>>, %arg27: memref<!tpu.dma_semaphore, #tpu.memory_space<semaphore_mem>>, %arg28: memref<!tpu.dma_semaphore, #tpu.memory_space<semaphore_mem>>, %arg29: memref<!tpu.dma_semaphore, #tpu.memory_space<semaphore_mem>>, %arg30: memref<!tpu.dma_semaphore, #tpu.memory_space<semaphore_mem>>, %arg31: memref<!tpu.dma_semaphore, #tpu.memory_space<semaphore_mem>>, %arg32: memref<!tpu.dma_semaphore, #tpu.memory_space<semaphore_mem>>, %arg33: memref<!tpu.dma_semaphore, #tpu.memory_space<semaphore_mem>>, %arg34: memref<!tpu.dma_semaphore, #tpu.memory_space<semaphore_mem>>, %arg35: memref<!tpu.dma_semaphore, #tpu.memory_space<semaphore_mem>>, %arg36: memref<!tpu.dma_semaphore, #tpu.memory_space<semaphore_mem>>, %arg37: memref<!tpu.dma_semaphore, #tpu.memory_space<semaphore_mem>>, %arg38: memref<!tpu.dma_semaphore, #tpu.memory_space<semaphore_mem>>) attributes {dimension_semantics = [#tpu.dimension_semantics<core_parallel>, #tpu.dimension_semantics<subcore_parallel>], iteration_bounds = array<i64: 2, 16>, scalar_prefetch = 0 : i64, scratch_operands = 30 : i64, tpu.core_type = #tpu.core_type<sc_vector_subcore>, window_params = [{transform_indices = #map}, {transform_indices = #map}, {transform_indices = #map1}, {transform_indices = #map1}, {transform_indices = #map}, {transform_indices = #map2}, {transform_indices = #map2}]} {
    %mul3A = arith.constant 2 : i32
    %mul3A_0 = arith.muli %arg1, %mul3A : i32
    %add3A = arith.addi %mul3A_0, %arg0 : i32
    %mul3A_1 = arith.constant 626 : i32
    %mul3A_2 = arith.muli %arg1, %mul3A_1 : i32
    "tpu.region"() ({
      %run_scoped3A_235 = tpu.sem_alloc : memref<!tpu.dma_semaphore, #tpu.memory_space<semaphore_mem>>
      %dma_start3A_236 = arith.constant 0 : i32
      %dma_start3A_237 = tpu.memref_slice %arg21[%mul3A_2, %dma_start3A_236] : memref<10016x32xf32, #tpu.memory_space<vmem_shared>> -> memref<626x32xf32, #tpu.memory_space<vmem_shared>>
      tpu.enqueue_dma source(%arg6 : memref<626x32xf32, #tpu.memory_space<hbm>>) target(%dma_start3A_237 : memref<626x32xf32, #tpu.memory_space<vmem_shared>>) target_semaphore(%run_scoped3A_235 : memref<!tpu.dma_semaphore, #tpu.memory_space<semaphore_mem>>)
      %dma_wait3A_238 = arith.constant 0 : i32
      %dma_wait3A_239 = tpu.memref_slice %arg21[%mul3A_2, %dma_wait3A_238] : memref<10016x32xf32, #tpu.memory_space<vmem_shared>> -> memref<626x32xf32, #tpu.memory_space<vmem_shared>>
      tpu.wait_dma2 semaphore(%run_scoped3A_235 : memref<!tpu.dma_semaphore, #tpu.memory_space<semaphore_mem>>) src(%arg6 : memref<626x32xf32, #tpu.memory_space<hbm>>) dst(%dma_wait3A_239 : memref<626x32xf32, #tpu.memory_space<vmem_shared>>)
      tpu.yield
    }) : () -> ()
    "tpu.region"() ({
      %run_scoped3A_235 = tpu.sem_alloc : memref<!tpu.dma_semaphore, #tpu.memory_space<semaphore_mem>>
      %dma_start3A_236 = arith.constant 0 : i32
      %dma_start3A_237 = tpu.memref_slice %arg22[%mul3A_2, %dma_start3A_236] : memref<10016x32xf32, #tpu.memory_space<vmem_shared>> -> memref<626x32xf32, #tpu.memory_space<vmem_shared>>
      tpu.enqueue_dma source(%arg6 : memref<626x32xf32, #tpu.memory_space<hbm>>) target(%dma_start3A_237 : memref<626x32xf32, #tpu.memory_space<vmem_shared>>) target_semaphore(%run_scoped3A_235 : memref<!tpu.dma_semaphore, #tpu.memory_space<semaphore_mem>>)
      %dma_wait3A_238 = arith.constant 0 : i32
      %dma_wait3A_239 = tpu.memref_slice %arg22[%mul3A_2, %dma_wait3A_238] : memref<10016x32xf32, #tpu.memory_space<vmem_shared>> -> memref<626x32xf32, #tpu.memory_space<vmem_shared>>
      tpu.wait_dma2 semaphore(%run_scoped3A_235 : memref<!tpu.dma_semaphore, #tpu.memory_space<semaphore_mem>>) src(%arg6 : memref<626x32xf32, #tpu.memory_space<hbm>>) dst(%dma_wait3A_239 : memref<626x32xf32, #tpu.memory_space<vmem_shared>>)
      tpu.yield
    }) : () -> ()
    %run_scoped3A = arith.constant 0 : i32
    "tpu.region"() ({
      %run_scoped3A_235 = tpu.sem_alloc : memref<!tpu.dma_semaphore, #tpu.memory_space<semaphore_mem>>
      %dma_start3A_236 = arith.constant 0 : i32
      %dma_start3A_237 = arith.constant 0 : i32
      %dma_start3A_238 = tpu.memref_slice %arg4[%run_scoped3A, %add3A, %dma_start3A_236, %dma_start3A_237] : memref<2x32x128x80xi32, #tpu.memory_space<hbm>> -> memref<1x1x128x80xi32, #tpu.memory_space<hbm>>
      %dma_start3A_239 = tpu.memref_squeeze %dma_start3A_238 : memref<1x1x128x80xi32, #tpu.memory_space<hbm>> -> memref<128x80xi32, #tpu.memory_space<hbm>>
      %dma_start3A_240 = arith.constant 0 : i32
      %dma_start3A_241 = arith.constant 0 : i32
      %dma_start3A_242 = tpu.memref_slice %arg4[%run_scoped3A, %add3A, %dma_start3A_240, %dma_start3A_241] : memref<2x32x128x80xi32, #tpu.memory_space<hbm>> -> memref<1x1x128x80xi32, #tpu.memory_space<hbm>>
      %dma_start3A_243 = tpu.memref_squeeze %dma_start3A_242 : memref<1x1x128x80xi32, #tpu.memory_space<hbm>> -> memref<128x80xi32, #tpu.memory_space<hbm>>
      tpu.enqueue_dma source(%dma_start3A_243 : memref<128x80xi32, #tpu.memory_space<hbm>>) target(%arg9 : memref<128x80xi32, #tpu.memory_space<vmem>>) target_semaphore(%run_scoped3A_235 : memref<!tpu.dma_semaphore, #tpu.memory_space<semaphore_mem>>)
      %dma_wait3A_244 = arith.constant 0 : i32
      %dma_wait3A_245 = arith.constant 0 : i32
      %dma_wait3A_246 = tpu.memref_slice %arg4[%run_scoped3A, %add3A, %dma_wait3A_244, %dma_wait3A_245] : memref<2x32x128x80xi32, #tpu.memory_space<hbm>> -> memref<1x1x128x80xi32, #tpu.memory_space<hbm>>
      %dma_wait3A_247 = tpu.memref_squeeze %dma_wait3A_246 : memref<1x1x128x80xi32, #tpu.memory_space<hbm>> -> memref<128x80xi32, #tpu.memory_space<hbm>>
      %dma_wait3A_248 = arith.constant 0 : i32
      %dma_wait3A_249 = arith.constant 0 : i32
      %dma_wait3A_250 = tpu.memref_slice %arg4[%run_scoped3A, %add3A, %dma_wait3A_248, %dma_wait3A_249] : memref<2x32x128x80xi32, #tpu.memory_space<hbm>> -> memref<1x1x128x80xi32, #tpu.memory_space<hbm>>
      %dma_wait3A_251 = tpu.memref_squeeze %dma_wait3A_250 : memref<1x1x128x80xi32, #tpu.memory_space<hbm>> -> memref<128x80xi32, #tpu.memory_space<hbm>>
      tpu.wait_dma2 semaphore(%run_scoped3A_235 : memref<!tpu.dma_semaphore, #tpu.memory_space<semaphore_mem>>) src(%dma_wait3A_251 : memref<128x80xi32, #tpu.memory_space<hbm>>) dst(%arg9 : memref<128x80xi32, #tpu.memory_space<vmem>>)
      tpu.yield
    }) : () -> ()
    %run_scoped3A_3 = arith.constant 1 : i32
    "tpu.region"() ({
      %run_scoped3A_235 = tpu.sem_alloc : memref<!tpu.dma_semaphore, #tpu.memory_space<semaphore_mem>>
      %dma_start3A_236 = arith.constant 0 : i32
      %dma_start3A_237 = arith.constant 0 : i32
      %dma_start3A_238 = tpu.memref_slice %arg4[%run_scoped3A_3, %add3A, %dma_start3A_236, %dma_start3A_237] : memref<2x32x128x80xi32, #tpu.memory_space<hbm>> -> memref<1x1x128x80xi32, #tpu.memory_space<hbm>>
      %dma_start3A_239 = tpu.memref_squeeze %dma_start3A_238 : memref<1x1x128x80xi32, #tpu.memory_space<hbm>> -> memref<128x80xi32, #tpu.memory_space<hbm>>
      %dma_start3A_240 = arith.constant 0 : i32
      %dma_start3A_241 = arith.constant 0 : i32
      %dma_start3A_242 = tpu.memref_slice %arg4[%run_scoped3A_3, %add3A, %dma_start3A_240, %dma_start3A_241] : memref<2x32x128x80xi32, #tpu.memory_space<hbm>> -> memref<1x1x128x80xi32, #tpu.memory_space<hbm>>
      %dma_start3A_243 = tpu.memref_squeeze %dma_start3A_242 : memref<1x1x128x80xi32, #tpu.memory_space<hbm>> -> memref<128x80xi32, #tpu.memory_space<hbm>>
      tpu.enqueue_dma source(%dma_start3A_243 : memref<128x80xi32, #tpu.memory_space<hbm>>) target(%arg10 : memref<128x80xi32, #tpu.memory_space<vmem>>) target_semaphore(%run_scoped3A_235 : memref<!tpu.dma_semaphore, #tpu.memory_space<semaphore_mem>>)
      %dma_wait3A_244 = arith.constant 0 : i32
      %dma_wait3A_245 = arith.constant 0 : i32
      %dma_wait3A_246 = tpu.memref_slice %arg4[%run_scoped3A_3, %add3A, %dma_wait3A_244, %dma_wait3A_245] : memref<2x32x128x80xi32, #tpu.memory_space<hbm>> -> memref<1x1x128x80xi32, #tpu.memory_space<hbm>>
      %dma_wait3A_247 = tpu.memref_squeeze %dma_wait3A_246 : memref<1x1x128x80xi32, #tpu.memory_space<hbm>> -> memref<128x80xi32, #tpu.memory_space<hbm>>
      %dma_wait3A_248 = arith.constant 0 : i32
      %dma_wait3A_249 = arith.constant 0 : i32
      %dma_wait3A_250 = tpu.memref_slice %arg4[%run_scoped3A_3, %add3A, %dma_wait3A_248, %dma_wait3A_249] : memref<2x32x128x80xi32, #tpu.memory_space<hbm>> -> memref<1x1x128x80xi32, #tpu.memory_space<hbm>>
      %dma_wait3A_251 = tpu.memref_squeeze %dma_wait3A_250 : memref<1x1x128x80xi32, #tpu.memory_space<hbm>> -> memref<128x80xi32, #tpu.memory_space<hbm>>
      tpu.wait_dma2 semaphore(%run_scoped3A_235 : memref<!tpu.dma_semaphore, #tpu.memory_space<semaphore_mem>>) src(%dma_wait3A_251 : memref<128x80xi32, #tpu.memory_space<hbm>>) dst(%arg10 : memref<128x80xi32, #tpu.memory_space<vmem>>)
      tpu.yield
    }) : () -> ()
    %run_scoped3A_4 = arith.constant 0 : i32
    "tpu.region"() ({
      %run_scoped3A_235 = tpu.sem_alloc : memref<!tpu.dma_semaphore, #tpu.memory_space<semaphore_mem>>
      %dma_start3A_236 = arith.constant 0 : i32
      %dma_start3A_237 = arith.constant 0 : i32
      %dma_start3A_238 = tpu.memref_slice %arg5[%run_scoped3A_4, %add3A, %dma_start3A_236, %dma_start3A_237] : memref<2x32x128x80xi32, #tpu.memory_space<hbm>> -> memref<1x1x128x80xi32, #tpu.memory_space<hbm>>
      %dma_start3A_239 = tpu.memref_squeeze %dma_start3A_238 : memref<1x1x128x80xi32, #tpu.memory_space<hbm>> -> memref<128x80xi32, #tpu.memory_space<hbm>>
      %dma_start3A_240 = arith.constant 0 : i32
      %dma_start3A_241 = arith.constant 0 : i32
      %dma_start3A_242 = tpu.memref_slice %arg5[%run_scoped3A_4, %add3A, %dma_start3A_240, %dma_start3A_241] : memref<2x32x128x80xi32, #tpu.memory_space<hbm>> -> memref<1x1x128x80xi32, #tpu.memory_space<hbm>>
      %dma_start3A_243 = tpu.memref_squeeze %dma_start3A_242 : memref<1x1x128x80xi32, #tpu.memory_space<hbm>> -> memref<128x80xi32, #tpu.memory_space<hbm>>
      tpu.enqueue_dma source(%dma_start3A_243 : memref<128x80xi32, #tpu.memory_space<hbm>>) target(%arg11 : memref<128x80xi32, #tpu.memory_space<vmem>>) target_semaphore(%run_scoped3A_235 : memref<!tpu.dma_semaphore, #tpu.memory_space<semaphore_mem>>)
      %dma_wait3A_244 = arith.constant 0 : i32
      %dma_wait3A_245 = arith.constant 0 : i32
      %dma_wait3A_246 = tpu.memref_slice %arg5[%run_scoped3A_4, %add3A, %dma_wait3A_244, %dma_wait3A_245] : memref<2x32x128x80xi32, #tpu.memory_space<hbm>> -> memref<1x1x128x80xi32, #tpu.memory_space<hbm>>
      %dma_wait3A_247 = tpu.memref_squeeze %dma_wait3A_246 : memref<1x1x128x80xi32, #tpu.memory_space<hbm>> -> memref<128x80xi32, #tpu.memory_space<hbm>>
      %dma_wait3A_248 = arith.constant 0 : i32
      %dma_wait3A_249 = arith.constant 0 : i32
      %dma_wait3A_250 = tpu.memref_slice %arg5[%run_scoped3A_4, %add3A, %dma_wait3A_248, %dma_wait3A_249] : memref<2x32x128x80xi32, #tpu.memory_space<hbm>> -> memref<1x1x128x80xi32, #tpu.memory_space<hbm>>
      %dma_wait3A_251 = tpu.memref_squeeze %dma_wait3A_250 : memref<1x1x128x80xi32, #tpu.memory_space<hbm>> -> memref<128x80xi32, #tpu.memory_space<hbm>>
      tpu.wait_dma2 semaphore(%run_scoped3A_235 : memref<!tpu.dma_semaphore, #tpu.memory_space<semaphore_mem>>) src(%dma_wait3A_251 : memref<128x80xi32, #tpu.memory_space<hbm>>) dst(%arg11 : memref<128x80xi32, #tpu.memory_space<vmem>>)
      tpu.yield
    }) : () -> ()
    %run_scoped3A_5 = arith.constant 1 : i32
    "tpu.region"() ({
      %run_scoped3A_235 = tpu.sem_alloc : memref<!tpu.dma_semaphore, #tpu.memory_space<semaphore_mem>>
      %dma_start3A_236 = arith.constant 0 : i32
      %dma_start3A_237 = arith.constant 0 : i32
      %dma_start3A_238 = tpu.memref_slice %arg5[%run_scoped3A_5, %add3A, %dma_start3A_236, %dma_start3A_237] : memref<2x32x128x80xi32, #tpu.memory_space<hbm>> -> memref<1x1x128x80xi32, #tpu.memory_space<hbm>>
      %dma_start3A_239 = tpu.memref_squeeze %dma_start3A_238 : memref<1x1x128x80xi32, #tpu.memory_space<hbm>> -> memref<128x80xi32, #tpu.memory_space<hbm>>
      %dma_start3A_240 = arith.constant 0 : i32
      %dma_start3A_241 = arith.constant 0 : i32
      %dma_start3A_242 = tpu.memref_slice %arg5[%run_scoped3A_5, %add3A, %dma_start3A_240, %dma_start3A_241] : memref<2x32x128x80xi32, #tpu.memory_space<hbm>> -> memref<1x1x128x80xi32, #tpu.memory_space<hbm>>
      %dma_start3A_243 = tpu.memref_squeeze %dma_start3A_242 : memref<1x1x128x80xi32, #tpu.memory_space<hbm>> -> memref<128x80xi32, #tpu.memory_space<hbm>>
      tpu.enqueue_dma source(%dma_start3A_243 : memref<128x80xi32, #tpu.memory_space<hbm>>) target(%arg12 : memref<128x80xi32, #tpu.memory_space<vmem>>) target_semaphore(%run_scoped3A_235 : memref<!tpu.dma_semaphore, #tpu.memory_space<semaphore_mem>>)
      %dma_wait3A_244 = arith.constant 0 : i32
      %dma_wait3A_245 = arith.constant 0 : i32
      %dma_wait3A_246 = tpu.memref_slice %arg5[%run_scoped3A_5, %add3A, %dma_wait3A_244, %dma_wait3A_245] : memref<2x32x128x80xi32, #tpu.memory_space<hbm>> -> memref<1x1x128x80xi32, #tpu.memory_space<hbm>>
      %dma_wait3A_247 = tpu.memref_squeeze %dma_wait3A_246 : memref<1x1x128x80xi32, #tpu.memory_space<hbm>> -> memref<128x80xi32, #tpu.memory_space<hbm>>
      %dma_wait3A_248 = arith.constant 0 : i32
      %dma_wait3A_249 = arith.constant 0 : i32
      %dma_wait3A_250 = tpu.memref_slice %arg5[%run_scoped3A_5, %add3A, %dma_wait3A_248, %dma_wait3A_249] : memref<2x32x128x80xi32, #tpu.memory_space<hbm>> -> memref<1x1x128x80xi32, #tpu.memory_space<hbm>>
      %dma_wait3A_251 = tpu.memref_squeeze %dma_wait3A_250 : memref<1x1x128x80xi32, #tpu.memory_space<hbm>> -> memref<128x80xi32, #tpu.memory_space<hbm>>
      tpu.wait_dma2 semaphore(%run_scoped3A_235 : memref<!tpu.dma_semaphore, #tpu.memory_space<semaphore_mem>>) src(%dma_wait3A_251 : memref<128x80xi32, #tpu.memory_space<hbm>>) dst(%arg12 : memref<128x80xi32, #tpu.memory_space<vmem>>)
      tpu.yield
    }) : () -> ()
    %barrier3A = arith.constant 0 : index
    tpu.barrier barrier_id(%barrier3A)
    %dma_start3A = arith.constant 0 : i32
    %dma_start3A_6 = arith.constant 0 : i32
    %dma_start3A_7 = tpu.memref_slice %arg9[%dma_start3A, %dma_start3A_6] : memref<128x80xi32, #tpu.memory_space<vmem>> -> memref<1x80xi32, #tpu.memory_space<vmem>>
    %dma_start3A_8 = tpu.memref_squeeze %dma_start3A_7 : memref<1x80xi32, #tpu.memory_space<vmem>> -> memref<80xi32, #tpu.memory_space<vmem>>
    %dma_start3A_9 = arith.constant 0 : i32
    %dma_start3A_10 = arith.constant 0 : i32
    %dma_start3A_11 = tpu.memref_slice %arg2[%dma_start3A_9, %dma_start3A_10] : memref<10008x32xf32, #tpu.memory_space<hbm>> -> memref<10008x32xf32, #tpu.memory_space<hbm>>
    tpu.enqueue_indirect_dma source(%dma_start3A_11 : memref<10008x32xf32, #tpu.memory_space<hbm>>) target(%arg13 : memref<80x32xf32, #tpu.memory_space<vmem>>) offsets(%dma_start3A_8 : memref<80xi32, #tpu.memory_space<vmem>>) semaphore(%arg23 : memref<!tpu.dma_semaphore, #tpu.memory_space<semaphore_mem>>)
    %dma_start3A_12 = arith.constant 0 : i32
    %dma_start3A_13 = arith.constant 0 : i32
    %dma_start3A_14 = tpu.memref_slice %arg11[%dma_start3A_12, %dma_start3A_13] : memref<128x80xi32, #tpu.memory_space<vmem>> -> memref<1x80xi32, #tpu.memory_space<vmem>>
    %dma_start3A_15 = tpu.memref_squeeze %dma_start3A_14 : memref<1x80xi32, #tpu.memory_space<vmem>> -> memref<80xi32, #tpu.memory_space<vmem>>
    %dma_start3A_16 = arith.constant 0 : i32
    %dma_start3A_17 = arith.constant 0 : i32
    %dma_start3A_18 = tpu.memref_slice %arg3[%dma_start3A_16, %dma_start3A_17] : memref<10008x32xf32, #tpu.memory_space<hbm>> -> memref<10008x32xf32, #tpu.memory_space<hbm>>
    tpu.enqueue_indirect_dma source(%dma_start3A_18 : memref<10008x32xf32, #tpu.memory_space<hbm>>) target(%arg17 : memref<80x32xf32, #tpu.memory_space<vmem>>) offsets(%dma_start3A_15 : memref<80xi32, #tpu.memory_space<vmem>>) semaphore(%arg27 : memref<!tpu.dma_semaphore, #tpu.memory_space<semaphore_mem>>)
    %dma_start3A_19 = arith.constant 1 : i32
    %dma_start3A_20 = arith.constant 0 : i32
    %dma_start3A_21 = tpu.memref_slice %arg9[%dma_start3A_19, %dma_start3A_20] : memref<128x80xi32, #tpu.memory_space<vmem>> -> memref<1x80xi32, #tpu.memory_space<vmem>>
    %dma_start3A_22 = tpu.memref_squeeze %dma_start3A_21 : memref<1x80xi32, #tpu.memory_space<vmem>> -> memref<80xi32, #tpu.memory_space<vmem>>
    %dma_start3A_23 = arith.constant 0 : i32
    %dma_start3A_24 = arith.constant 0 : i32
    %dma_start3A_25 = tpu.memref_slice %arg2[%dma_start3A_23, %dma_start3A_24] : memref<10008x32xf32, #tpu.memory_space<hbm>> -> memref<10008x32xf32, #tpu.memory_space<hbm>>
    tpu.enqueue_indirect_dma source(%dma_start3A_25 : memref<10008x32xf32, #tpu.memory_space<hbm>>) target(%arg14 : memref<80x32xf32, #tpu.memory_space<vmem>>) offsets(%dma_start3A_22 : memref<80xi32, #tpu.memory_space<vmem>>) semaphore(%arg24 : memref<!tpu.dma_semaphore, #tpu.memory_space<semaphore_mem>>)
    %dma_start3A_26 = arith.constant 1 : i32
    %dma_start3A_27 = arith.constant 0 : i32
    %dma_start3A_28 = tpu.memref_slice %arg11[%dma_start3A_26, %dma_start3A_27] : memref<128x80xi32, #tpu.memory_space<vmem>> -> memref<1x80xi32, #tpu.memory_space<vmem>>
    %dma_start3A_29 = tpu.memref_squeeze %dma_start3A_28 : memref<1x80xi32, #tpu.memory_space<vmem>> -> memref<80xi32, #tpu.memory_space<vmem>>
    %dma_start3A_30 = arith.constant 0 : i32
    %dma_start3A_31 = arith.constant 0 : i32
    %dma_start3A_32 = tpu.memref_slice %arg3[%dma_start3A_30, %dma_start3A_31] : memref<10008x32xf32, #tpu.memory_space<hbm>> -> memref<10008x32xf32, #tpu.memory_space<hbm>>
    tpu.enqueue_indirect_dma source(%dma_start3A_32 : memref<10008x32xf32, #tpu.memory_space<hbm>>) target(%arg18 : memref<80x32xf32, #tpu.memory_space<vmem>>) offsets(%dma_start3A_29 : memref<80xi32, #tpu.memory_space<vmem>>) semaphore(%arg28 : memref<!tpu.dma_semaphore, #tpu.memory_space<semaphore_mem>>)
    %dma_wait3A = arith.constant 0 : i32
    %dma_wait3A_33 = arith.constant 0 : i32
    %dma_wait3A_34 = tpu.memref_slice %arg9[%dma_wait3A, %dma_wait3A_33] : memref<128x80xi32, #tpu.memory_space<vmem>> -> memref<1x80xi32, #tpu.memory_space<vmem>>
    %dma_wait3A_35 = tpu.memref_squeeze %dma_wait3A_34 : memref<1x80xi32, #tpu.memory_space<vmem>> -> memref<80xi32, #tpu.memory_space<vmem>>
    %dma_wait3A_36 = arith.constant 0 : i32
    %dma_wait3A_37 = arith.constant 0 : i32
    %dma_wait3A_38 = tpu.memref_slice %arg2[%dma_wait3A_36, %dma_wait3A_37] : memref<10008x32xf32, #tpu.memory_space<hbm>> -> memref<10008x32xf32, #tpu.memory_space<hbm>>
    tpu.wait_indirect_dma semaphore(%arg23 : memref<!tpu.dma_semaphore, #tpu.memory_space<semaphore_mem>>) src(%dma_wait3A_38 : memref<10008x32xf32, #tpu.memory_space<hbm>>) dst(%arg13 : memref<80x32xf32, #tpu.memory_space<vmem>>)
    %dma_wait3A_39 = arith.constant 0 : i32
    %dma_wait3A_40 = arith.constant 0 : i32
    %dma_wait3A_41 = tpu.memref_slice %arg11[%dma_wait3A_39, %dma_wait3A_40] : memref<128x80xi32, #tpu.memory_space<vmem>> -> memref<1x80xi32, #tpu.memory_space<vmem>>
    %dma_wait3A_42 = tpu.memref_squeeze %dma_wait3A_41 : memref<1x80xi32, #tpu.memory_space<vmem>> -> memref<80xi32, #tpu.memory_space<vmem>>
    %dma_wait3A_43 = arith.constant 0 : i32
    %dma_wait3A_44 = arith.constant 0 : i32
    %dma_wait3A_45 = tpu.memref_slice %arg3[%dma_wait3A_43, %dma_wait3A_44] : memref<10008x32xf32, #tpu.memory_space<hbm>> -> memref<10008x32xf32, #tpu.memory_space<hbm>>
    tpu.wait_indirect_dma semaphore(%arg27 : memref<!tpu.dma_semaphore, #tpu.memory_space<semaphore_mem>>) src(%dma_wait3A_45 : memref<10008x32xf32, #tpu.memory_space<hbm>>) dst(%arg17 : memref<80x32xf32, #tpu.memory_space<vmem>>)
    %dma_start3A_46 = arith.constant 0 : i32
    %dma_start3A_47 = arith.constant 0 : i32
    %dma_start3A_48 = tpu.memref_slice %arg10[%dma_start3A_46, %dma_start3A_47] : memref<128x80xi32, #tpu.memory_space<vmem>> -> memref<1x80xi32, #tpu.memory_space<vmem>>
    %dma_start3A_49 = tpu.memref_squeeze %dma_start3A_48 : memref<1x80xi32, #tpu.memory_space<vmem>> -> memref<80xi32, #tpu.memory_space<vmem>>
    %dma_start3A_50 = arith.constant 0 : i32
    %dma_start3A_51 = arith.constant 0 : i32
    %dma_start3A_52 = tpu.memref_slice %arg21[%dma_start3A_50, %dma_start3A_51] : memref<10016x32xf32, #tpu.memory_space<vmem_shared>> -> memref<10016x32xf32, #tpu.memory_space<vmem_shared>>
    tpu.enqueue_indirect_dma source(%arg13 : memref<80x32xf32, #tpu.memory_space<vmem>>) target(%dma_start3A_52 : memref<10016x32xf32, #tpu.memory_space<vmem_shared>>) offsets(%dma_start3A_49 : memref<80xi32, #tpu.memory_space<vmem>>) semaphore(%arg31 : memref<!tpu.dma_semaphore, #tpu.memory_space<semaphore_mem>>) {add = true}
    %dma_start3A_53 = arith.constant 0 : i32
    %dma_start3A_54 = arith.constant 0 : i32
    %dma_start3A_55 = tpu.memref_slice %arg12[%dma_start3A_53, %dma_start3A_54] : memref<128x80xi32, #tpu.memory_space<vmem>> -> memref<1x80xi32, #tpu.memory_space<vmem>>
    %dma_start3A_56 = tpu.memref_squeeze %dma_start3A_55 : memref<1x80xi32, #tpu.memory_space<vmem>> -> memref<80xi32, #tpu.memory_space<vmem>>
    %dma_start3A_57 = arith.constant 0 : i32
    %dma_start3A_58 = arith.constant 0 : i32
    %dma_start3A_59 = tpu.memref_slice %arg22[%dma_start3A_57, %dma_start3A_58] : memref<10016x32xf32, #tpu.memory_space<vmem_shared>> -> memref<10016x32xf32, #tpu.memory_space<vmem_shared>>
    tpu.enqueue_indirect_dma source(%arg17 : memref<80x32xf32, #tpu.memory_space<vmem>>) target(%dma_start3A_59 : memref<10016x32xf32, #tpu.memory_space<vmem_shared>>) offsets(%dma_start3A_56 : memref<80xi32, #tpu.memory_space<vmem>>) semaphore(%arg35 : memref<!tpu.dma_semaphore, #tpu.memory_space<semaphore_mem>>) {add = true}
    %dma_start3A_60 = arith.constant 2 : i32
    %dma_start3A_61 = arith.constant 0 : i32
    %dma_start3A_62 = tpu.memref_slice %arg9[%dma_start3A_60, %dma_start3A_61] : memref<128x80xi32, #tpu.memory_space<vmem>> -> memref<1x80xi32, #tpu.memory_space<vmem>>
    %dma_start3A_63 = tpu.memref_squeeze %dma_start3A_62 : memref<1x80xi32, #tpu.memory_space<vmem>> -> memref<80xi32, #tpu.memory_space<vmem>>
    %dma_start3A_64 = arith.constant 0 : i32
    %dma_start3A_65 = arith.constant 0 : i32
    %dma_start3A_66 = tpu.memref_slice %arg2[%dma_start3A_64, %dma_start3A_65] : memref<10008x32xf32, #tpu.memory_space<hbm>> -> memref<10008x32xf32, #tpu.memory_space<hbm>>
    tpu.enqueue_indirect_dma source(%dma_start3A_66 : memref<10008x32xf32, #tpu.memory_space<hbm>>) target(%arg15 : memref<80x32xf32, #tpu.memory_space<vmem>>) offsets(%dma_start3A_63 : memref<80xi32, #tpu.memory_space<vmem>>) semaphore(%arg25 : memref<!tpu.dma_semaphore, #tpu.memory_space<semaphore_mem>>)
    %dma_start3A_67 = arith.constant 2 : i32
    %dma_start3A_68 = arith.constant 0 : i32
    %dma_start3A_69 = tpu.memref_slice %arg11[%dma_start3A_67, %dma_start3A_68] : memref<128x80xi32, #tpu.memory_space<vmem>> -> memref<1x80xi32, #tpu.memory_space<vmem>>
    %dma_start3A_70 = tpu.memref_squeeze %dma_start3A_69 : memref<1x80xi32, #tpu.memory_space<vmem>> -> memref<80xi32, #tpu.memory_space<vmem>>
    %dma_start3A_71 = arith.constant 0 : i32
    %dma_start3A_72 = arith.constant 0 : i32
    %dma_start3A_73 = tpu.memref_slice %arg3[%dma_start3A_71, %dma_start3A_72] : memref<10008x32xf32, #tpu.memory_space<hbm>> -> memref<10008x32xf32, #tpu.memory_space<hbm>>
    tpu.enqueue_indirect_dma source(%dma_start3A_73 : memref<10008x32xf32, #tpu.memory_space<hbm>>) target(%arg19 : memref<80x32xf32, #tpu.memory_space<vmem>>) offsets(%dma_start3A_70 : memref<80xi32, #tpu.memory_space<vmem>>) semaphore(%arg29 : memref<!tpu.dma_semaphore, #tpu.memory_space<semaphore_mem>>)
    %dma_wait3A_74 = arith.constant 0 : i32
    %dma_wait3A_75 = arith.constant 0 : i32
    %dma_wait3A_76 = tpu.memref_slice %arg9[%dma_wait3A_74, %dma_wait3A_75] : memref<128x80xi32, #tpu.memory_space<vmem>> -> memref<1x80xi32, #tpu.memory_space<vmem>>
    %dma_wait3A_77 = tpu.memref_squeeze %dma_wait3A_76 : memref<1x80xi32, #tpu.memory_space<vmem>> -> memref<80xi32, #tpu.memory_space<vmem>>
    %dma_wait3A_78 = arith.constant 0 : i32
    %dma_wait3A_79 = arith.constant 0 : i32
    %dma_wait3A_80 = tpu.memref_slice %arg2[%dma_wait3A_78, %dma_wait3A_79] : memref<10008x32xf32, #tpu.memory_space<hbm>> -> memref<10008x32xf32, #tpu.memory_space<hbm>>
    tpu.wait_indirect_dma semaphore(%arg24 : memref<!tpu.dma_semaphore, #tpu.memory_space<semaphore_mem>>) src(%dma_wait3A_80 : memref<10008x32xf32, #tpu.memory_space<hbm>>) dst(%arg14 : memref<80x32xf32, #tpu.memory_space<vmem>>)
    %dma_wait3A_81 = arith.constant 0 : i32
    %dma_wait3A_82 = arith.constant 0 : i32
    %dma_wait3A_83 = tpu.memref_slice %arg11[%dma_wait3A_81, %dma_wait3A_82] : memref<128x80xi32, #tpu.memory_space<vmem>> -> memref<1x80xi32, #tpu.memory_space<vmem>>
    %dma_wait3A_84 = tpu.memref_squeeze %dma_wait3A_83 : memref<1x80xi32, #tpu.memory_space<vmem>> -> memref<80xi32, #tpu.memory_space<vmem>>
    %dma_wait3A_85 = arith.constant 0 : i32
    %dma_wait3A_86 = arith.constant 0 : i32
    %dma_wait3A_87 = tpu.memref_slice %arg3[%dma_wait3A_85, %dma_wait3A_86] : memref<10008x32xf32, #tpu.memory_space<hbm>> -> memref<10008x32xf32, #tpu.memory_space<hbm>>
    tpu.wait_indirect_dma semaphore(%arg28 : memref<!tpu.dma_semaphore, #tpu.memory_space<semaphore_mem>>) src(%dma_wait3A_87 : memref<10008x32xf32, #tpu.memory_space<hbm>>) dst(%arg18 : memref<80x32xf32, #tpu.memory_space<vmem>>)
    %dma_start3A_88 = arith.constant 1 : i32
    %dma_start3A_89 = arith.constant 0 : i32
    %dma_start3A_90 = tpu.memref_slice %arg10[%dma_start3A_88, %dma_start3A_89] : memref<128x80xi32, #tpu.memory_space<vmem>> -> memref<1x80xi32, #tpu.memory_space<vmem>>
    %dma_start3A_91 = tpu.memref_squeeze %dma_start3A_90 : memref<1x80xi32, #tpu.memory_space<vmem>> -> memref<80xi32, #tpu.memory_space<vmem>>
    %dma_start3A_92 = arith.constant 0 : i32
    %dma_start3A_93 = arith.constant 0 : i32
    %dma_start3A_94 = tpu.memref_slice %arg21[%dma_start3A_92, %dma_start3A_93] : memref<10016x32xf32, #tpu.memory_space<vmem_shared>> -> memref<10016x32xf32, #tpu.memory_space<vmem_shared>>
    tpu.enqueue_indirect_dma source(%arg14 : memref<80x32xf32, #tpu.memory_space<vmem>>) target(%dma_start3A_94 : memref<10016x32xf32, #tpu.memory_space<vmem_shared>>) offsets(%dma_start3A_91 : memref<80xi32, #tpu.memory_space<vmem>>) semaphore(%arg32 : memref<!tpu.dma_semaphore, #tpu.memory_space<semaphore_mem>>) {add = true}
    %dma_start3A_95 = arith.constant 1 : i32
    %dma_start3A_96 = arith.constant 0 : i32
    %dma_start3A_97 = tpu.memref_slice %arg12[%dma_start3A_95, %dma_start3A_96] : memref<128x80xi32, #tpu.memory_space<vmem>> -> memref<1x80xi32, #tpu.memory_space<vmem>>
    %dma_start3A_98 = tpu.memref_squeeze %dma_start3A_97 : memref<1x80xi32, #tpu.memory_space<vmem>> -> memref<80xi32, #tpu.memory_space<vmem>>
    %dma_start3A_99 = arith.constant 0 : i32
    %dma_start3A_100 = arith.constant 0 : i32
    %dma_start3A_101 = tpu.memref_slice %arg22[%dma_start3A_99, %dma_start3A_100] : memref<10016x32xf32, #tpu.memory_space<vmem_shared>> -> memref<10016x32xf32, #tpu.memory_space<vmem_shared>>
    tpu.enqueue_indirect_dma source(%arg18 : memref<80x32xf32, #tpu.memory_space<vmem>>) target(%dma_start3A_101 : memref<10016x32xf32, #tpu.memory_space<vmem_shared>>) offsets(%dma_start3A_98 : memref<80xi32, #tpu.memory_space<vmem>>) semaphore(%arg36 : memref<!tpu.dma_semaphore, #tpu.memory_space<semaphore_mem>>) {add = true}
    %dma_start3A_102 = arith.constant 3 : i32
    %dma_start3A_103 = arith.constant 0 : i32
    %dma_start3A_104 = tpu.memref_slice %arg9[%dma_start3A_102, %dma_start3A_103] : memref<128x80xi32, #tpu.memory_space<vmem>> -> memref<1x80xi32, #tpu.memory_space<vmem>>
    %dma_start3A_105 = tpu.memref_squeeze %dma_start3A_104 : memref<1x80xi32, #tpu.memory_space<vmem>> -> memref<80xi32, #tpu.memory_space<vmem>>
    %dma_start3A_106 = arith.constant 0 : i32
    %dma_start3A_107 = arith.constant 0 : i32
    %dma_start3A_108 = tpu.memref_slice %arg2[%dma_start3A_106, %dma_start3A_107] : memref<10008x32xf32, #tpu.memory_space<hbm>> -> memref<10008x32xf32, #tpu.memory_space<hbm>>
    tpu.enqueue_indirect_dma source(%dma_start3A_108 : memref<10008x32xf32, #tpu.memory_space<hbm>>) target(%arg16 : memref<80x32xf32, #tpu.memory_space<vmem>>) offsets(%dma_start3A_105 : memref<80xi32, #tpu.memory_space<vmem>>) semaphore(%arg26 : memref<!tpu.dma_semaphore, #tpu.memory_space<semaphore_mem>>)
    %dma_start3A_109 = arith.constant 3 : i32
    %dma_start3A_110 = arith.constant 0 : i32
    %dma_start3A_111 = tpu.memref_slice %arg11[%dma_start3A_109, %dma_start3A_110] : memref<128x80xi32, #tpu.memory_space<vmem>> -> memref<1x80xi32, #tpu.memory_space<vmem>>
    %dma_start3A_112 = tpu.memref_squeeze %dma_start3A_111 : memref<1x80xi32, #tpu.memory_space<vmem>> -> memref<80xi32, #tpu.memory_space<vmem>>
    %dma_start3A_113 = arith.constant 0 : i32
    %dma_start3A_114 = arith.constant 0 : i32
    %dma_start3A_115 = tpu.memref_slice %arg3[%dma_start3A_113, %dma_start3A_114] : memref<10008x32xf32, #tpu.memory_space<hbm>> -> memref<10008x32xf32, #tpu.memory_space<hbm>>
    tpu.enqueue_indirect_dma source(%dma_start3A_115 : memref<10008x32xf32, #tpu.memory_space<hbm>>) target(%arg20 : memref<80x32xf32, #tpu.memory_space<vmem>>) offsets(%dma_start3A_112 : memref<80xi32, #tpu.memory_space<vmem>>) semaphore(%arg30 : memref<!tpu.dma_semaphore, #tpu.memory_space<semaphore_mem>>)
    %scan3A = arith.constant 0 : i32
    %scan3A_116 = arith.constant 0 : i32
    %scan3A_117 = arith.constant 31 : i32
    %scan3A_118 = arith.addi %scan3A_116, %scan3A_117 : i32
    %scan3A_119 = arith.constant 1 : i32
    %scan3A_120 = scf.for %scan3A_235 = %scan3A_116 to %scan3A_118 step %scan3A_119 iter_args(%scan3A_236 = %scan3A) -> (i32)  : i32 {
      %mul3A_237 = arith.constant 4 : i32
      %mul3A_238 = arith.muli %mul3A_237, %scan3A_235 : i32
      %add3A_239 = arith.constant 2 : i32
      %add3A_240 = arith.addi %mul3A_238, %add3A_239 : i32
      %add3A_241 = arith.constant 0 : i32
      %add3A_242 = arith.addi %add3A_240, %add3A_241 : i32
      %dma_wait3A_243 = arith.constant 0 : i32
      %dma_wait3A_244 = arith.constant 0 : i32
      %dma_wait3A_245 = tpu.memref_slice %arg9[%dma_wait3A_243, %dma_wait3A_244] : memref<128x80xi32, #tpu.memory_space<vmem>> -> memref<1x80xi32, #tpu.memory_space<vmem>>
      %dma_wait3A_246 = tpu.memref_squeeze %dma_wait3A_245 : memref<1x80xi32, #tpu.memory_space<vmem>> -> memref<80xi32, #tpu.memory_space<vmem>>
      %dma_wait3A_247 = arith.constant 0 : i32
      %dma_wait3A_248 = arith.constant 0 : i32
      %dma_wait3A_249 = tpu.memref_slice %arg2[%dma_wait3A_247, %dma_wait3A_248] : memref<10008x32xf32, #tpu.memory_space<hbm>> -> memref<10008x32xf32, #tpu.memory_space<hbm>>
      tpu.wait_indirect_dma semaphore(%arg25 : memref<!tpu.dma_semaphore, #tpu.memory_space<semaphore_mem>>) src(%dma_wait3A_249 : memref<10008x32xf32, #tpu.memory_space<hbm>>) dst(%arg15 : memref<80x32xf32, #tpu.memory_space<vmem>>)
      %dma_wait3A_250 = arith.constant 0 : i32
      %dma_wait3A_251 = arith.constant 0 : i32
      %dma_wait3A_252 = tpu.memref_slice %arg11[%dma_wait3A_250, %dma_wait3A_251] : memref<128x80xi32, #tpu.memory_space<vmem>> -> memref<1x80xi32, #tpu.memory_space<vmem>>
      %dma_wait3A_253 = tpu.memref_squeeze %dma_wait3A_252 : memref<1x80xi32, #tpu.memory_space<vmem>> -> memref<80xi32, #tpu.memory_space<vmem>>
      %dma_wait3A_254 = arith.constant 0 : i32
      %dma_wait3A_255 = arith.constant 0 : i32
      %dma_wait3A_256 = tpu.memref_slice %arg3[%dma_wait3A_254, %dma_wait3A_255] : memref<10008x32xf32, #tpu.memory_space<hbm>> -> memref<10008x32xf32, #tpu.memory_space<hbm>>
      tpu.wait_indirect_dma semaphore(%arg29 : memref<!tpu.dma_semaphore, #tpu.memory_space<semaphore_mem>>) src(%dma_wait3A_256 : memref<10008x32xf32, #tpu.memory_space<hbm>>) dst(%arg19 : memref<80x32xf32, #tpu.memory_space<vmem>>)
      %dma_start3A_257 = arith.constant 0 : i32
      %dma_start3A_258 = tpu.memref_slice %arg10[%add3A_242, %dma_start3A_257] : memref<128x80xi32, #tpu.memory_space<vmem>> -> memref<1x80xi32, #tpu.memory_space<vmem>>
      %dma_start3A_259 = tpu.memref_squeeze %dma_start3A_258 : memref<1x80xi32, #tpu.memory_space<vmem>> -> memref<80xi32, #tpu.memory_space<vmem>>
      %dma_start3A_260 = arith.constant 0 : i32
      %dma_start3A_261 = arith.constant 0 : i32
      %dma_start3A_262 = tpu.memref_slice %arg21[%dma_start3A_260, %dma_start3A_261] : memref<10016x32xf32, #tpu.memory_space<vmem_shared>> -> memref<10016x32xf32, #tpu.memory_space<vmem_shared>>
      tpu.enqueue_indirect_dma source(%arg15 : memref<80x32xf32, #tpu.memory_space<vmem>>) target(%dma_start3A_262 : memref<10016x32xf32, #tpu.memory_space<vmem_shared>>) offsets(%dma_start3A_259 : memref<80xi32, #tpu.memory_space<vmem>>) semaphore(%arg33 : memref<!tpu.dma_semaphore, #tpu.memory_space<semaphore_mem>>) {add = true}
      %dma_start3A_263 = arith.constant 0 : i32
      %dma_start3A_264 = tpu.memref_slice %arg12[%add3A_242, %dma_start3A_263] : memref<128x80xi32, #tpu.memory_space<vmem>> -> memref<1x80xi32, #tpu.memory_space<vmem>>
      %dma_start3A_265 = tpu.memref_squeeze %dma_start3A_264 : memref<1x80xi32, #tpu.memory_space<vmem>> -> memref<80xi32, #tpu.memory_space<vmem>>
      %dma_start3A_266 = arith.constant 0 : i32
      %dma_start3A_267 = arith.constant 0 : i32
      %dma_start3A_268 = tpu.memref_slice %arg22[%dma_start3A_266, %dma_start3A_267] : memref<10016x32xf32, #tpu.memory_space<vmem_shared>> -> memref<10016x32xf32, #tpu.memory_space<vmem_shared>>
      tpu.enqueue_indirect_dma source(%arg19 : memref<80x32xf32, #tpu.memory_space<vmem>>) target(%dma_start3A_268 : memref<10016x32xf32, #tpu.memory_space<vmem_shared>>) offsets(%dma_start3A_265 : memref<80xi32, #tpu.memory_space<vmem>>) semaphore(%arg37 : memref<!tpu.dma_semaphore, #tpu.memory_space<semaphore_mem>>) {add = true}
      %dma_wait3A_269 = arith.constant 0 : i32
      %dma_wait3A_270 = arith.constant 0 : i32
      %dma_wait3A_271 = tpu.memref_slice %arg10[%dma_wait3A_269, %dma_wait3A_270] : memref<128x80xi32, #tpu.memory_space<vmem>> -> memref<1x80xi32, #tpu.memory_space<vmem>>
      %dma_wait3A_272 = tpu.memref_squeeze %dma_wait3A_271 : memref<1x80xi32, #tpu.memory_space<vmem>> -> memref<80xi32, #tpu.memory_space<vmem>>
      %dma_wait3A_273 = arith.constant 0 : i32
      %dma_wait3A_274 = arith.constant 0 : i32
      %dma_wait3A_275 = tpu.memref_slice %arg21[%dma_wait3A_273, %dma_wait3A_274] : memref<10016x32xf32, #tpu.memory_space<vmem_shared>> -> memref<10016x32xf32, #tpu.memory_space<vmem_shared>>
      tpu.wait_indirect_dma semaphore(%arg31 : memref<!tpu.dma_semaphore, #tpu.memory_space<semaphore_mem>>) src(%arg13 : memref<80x32xf32, #tpu.memory_space<vmem>>) dst(%dma_wait3A_275 : memref<10016x32xf32, #tpu.memory_space<vmem_shared>>)
      %dma_wait3A_276 = arith.constant 0 : i32
      %dma_wait3A_277 = arith.constant 0 : i32
      %dma_wait3A_278 = tpu.memref_slice %arg12[%dma_wait3A_276, %dma_wait3A_277] : memref<128x80xi32, #tpu.memory_space<vmem>> -> memref<1x80xi32, #tpu.memory_space<vmem>>
      %dma_wait3A_279 = tpu.memref_squeeze %dma_wait3A_278 : memref<1x80xi32, #tpu.memory_space<vmem>> -> memref<80xi32, #tpu.memory_space<vmem>>
      %dma_wait3A_280 = arith.constant 0 : i32
      %dma_wait3A_281 = arith.constant 0 : i32
      %dma_wait3A_282 = tpu.memref_slice %arg22[%dma_wait3A_280, %dma_wait3A_281] : memref<10016x32xf32, #tpu.memory_space<vmem_shared>> -> memref<10016x32xf32, #tpu.memory_space<vmem_shared>>
      tpu.wait_indirect_dma semaphore(%arg35 : memref<!tpu.dma_semaphore, #tpu.memory_space<semaphore_mem>>) src(%arg17 : memref<80x32xf32, #tpu.memory_space<vmem>>) dst(%dma_wait3A_282 : memref<10016x32xf32, #tpu.memory_space<vmem_shared>>)
      %add3A_283 = arith.constant 2 : i32
      %add3A_284 = arith.addi %add3A_242, %add3A_283 : i32
      %dma_start3A_285 = arith.constant 0 : i32
      %dma_start3A_286 = tpu.memref_slice %arg9[%add3A_284, %dma_start3A_285] : memref<128x80xi32, #tpu.memory_space<vmem>> -> memref<1x80xi32, #tpu.memory_space<vmem>>
      %dma_start3A_287 = tpu.memref_squeeze %dma_start3A_286 : memref<1x80xi32, #tpu.memory_space<vmem>> -> memref<80xi32, #tpu.memory_space<vmem>>
      %dma_start3A_288 = arith.constant 0 : i32
      %dma_start3A_289 = arith.constant 0 : i32
      %dma_start3A_290 = tpu.memref_slice %arg2[%dma_start3A_288, %dma_start3A_289] : memref<10008x32xf32, #tpu.memory_space<hbm>> -> memref<10008x32xf32, #tpu.memory_space<hbm>>
      tpu.enqueue_indirect_dma source(%dma_start3A_290 : memref<10008x32xf32, #tpu.memory_space<hbm>>) target(%arg13 : memref<80x32xf32, #tpu.memory_space<vmem>>) offsets(%dma_start3A_287 : memref<80xi32, #tpu.memory_space<vmem>>) semaphore(%arg23 : memref<!tpu.dma_semaphore, #tpu.memory_space<semaphore_mem>>)
      %dma_start3A_291 = arith.constant 0 : i32
      %dma_start3A_292 = tpu.memref_slice %arg11[%add3A_284, %dma_start3A_291] : memref<128x80xi32, #tpu.memory_space<vmem>> -> memref<1x80xi32, #tpu.memory_space<vmem>>
      %dma_start3A_293 = tpu.memref_squeeze %dma_start3A_292 : memref<1x80xi32, #tpu.memory_space<vmem>> -> memref<80xi32, #tpu.memory_space<vmem>>
      %dma_start3A_294 = arith.constant 0 : i32
      %dma_start3A_295 = arith.constant 0 : i32
      %dma_start3A_296 = tpu.memref_slice %arg3[%dma_start3A_294, %dma_start3A_295] : memref<10008x32xf32, #tpu.memory_space<hbm>> -> memref<10008x32xf32, #tpu.memory_space<hbm>>
      tpu.enqueue_indirect_dma source(%dma_start3A_296 : memref<10008x32xf32, #tpu.memory_space<hbm>>) target(%arg17 : memref<80x32xf32, #tpu.memory_space<vmem>>) offsets(%dma_start3A_293 : memref<80xi32, #tpu.memory_space<vmem>>) semaphore(%arg27 : memref<!tpu.dma_semaphore, #tpu.memory_space<semaphore_mem>>)
      %mul3A_297 = arith.constant 4 : i32
      %mul3A_298 = arith.muli %mul3A_297, %scan3A_235 : i32
      %add3A_299 = arith.constant 2 : i32
      %add3A_300 = arith.addi %mul3A_298, %add3A_299 : i32
      %add3A_301 = arith.constant 1 : i32
      %add3A_302 = arith.addi %add3A_300, %add3A_301 : i32
      %dma_wait3A_303 = arith.constant 0 : i32
      %dma_wait3A_304 = arith.constant 0 : i32
      %dma_wait3A_305 = tpu.memref_slice %arg9[%dma_wait3A_303, %dma_wait3A_304] : memref<128x80xi32, #tpu.memory_space<vmem>> -> memref<1x80xi32, #tpu.memory_space<vmem>>
      %dma_wait3A_306 = tpu.memref_squeeze %dma_wait3A_305 : memref<1x80xi32, #tpu.memory_space<vmem>> -> memref<80xi32, #tpu.memory_space<vmem>>
      %dma_wait3A_307 = arith.constant 0 : i32
      %dma_wait3A_308 = arith.constant 0 : i32
      %dma_wait3A_309 = tpu.memref_slice %arg2[%dma_wait3A_307, %dma_wait3A_308] : memref<10008x32xf32, #tpu.memory_space<hbm>> -> memref<10008x32xf32, #tpu.memory_space<hbm>>
      tpu.wait_indirect_dma semaphore(%arg26 : memref<!tpu.dma_semaphore, #tpu.memory_space<semaphore_mem>>) src(%dma_wait3A_309 : memref<10008x32xf32, #tpu.memory_space<hbm>>) dst(%arg16 : memref<80x32xf32, #tpu.memory_space<vmem>>)
      %dma_wait3A_310 = arith.constant 0 : i32
      %dma_wait3A_311 = arith.constant 0 : i32
      %dma_wait3A_312 = tpu.memref_slice %arg11[%dma_wait3A_310, %dma_wait3A_311] : memref<128x80xi32, #tpu.memory_space<vmem>> -> memref<1x80xi32, #tpu.memory_space<vmem>>
      %dma_wait3A_313 = tpu.memref_squeeze %dma_wait3A_312 : memref<1x80xi32, #tpu.memory_space<vmem>> -> memref<80xi32, #tpu.memory_space<vmem>>
      %dma_wait3A_314 = arith.constant 0 : i32
      %dma_wait3A_315 = arith.constant 0 : i32
      %dma_wait3A_316 = tpu.memref_slice %arg3[%dma_wait3A_314, %dma_wait3A_315] : memref<10008x32xf32, #tpu.memory_space<hbm>> -> memref<10008x32xf32, #tpu.memory_space<hbm>>
      tpu.wait_indirect_dma semaphore(%arg30 : memref<!tpu.dma_semaphore, #tpu.memory_space<semaphore_mem>>) src(%dma_wait3A_316 : memref<10008x32xf32, #tpu.memory_space<hbm>>) dst(%arg20 : memref<80x32xf32, #tpu.memory_space<vmem>>)
      %dma_start3A_317 = arith.constant 0 : i32
      %dma_start3A_318 = tpu.memref_slice %arg10[%add3A_302, %dma_start3A_317] : memref<128x80xi32, #tpu.memory_space<vmem>> -> memref<1x80xi32, #tpu.memory_space<vmem>>
      %dma_start3A_319 = tpu.memref_squeeze %dma_start3A_318 : memref<1x80xi32, #tpu.memory_space<vmem>> -> memref<80xi32, #tpu.memory_space<vmem>>
      %dma_start3A_320 = arith.constant 0 : i32
      %dma_start3A_321 = arith.constant 0 : i32
      %dma_start3A_322 = tpu.memref_slice %arg21[%dma_start3A_320, %dma_start3A_321] : memref<10016x32xf32, #tpu.memory_space<vmem_shared>> -> memref<10016x32xf32, #tpu.memory_space<vmem_shared>>
      tpu.enqueue_indirect_dma source(%arg16 : memref<80x32xf32, #tpu.memory_space<vmem>>) target(%dma_start3A_322 : memref<10016x32xf32, #tpu.memory_space<vmem_shared>>) offsets(%dma_start3A_319 : memref<80xi32, #tpu.memory_space<vmem>>) semaphore(%arg34 : memref<!tpu.dma_semaphore, #tpu.memory_space<semaphore_mem>>) {add = true}
      %dma_start3A_323 = arith.constant 0 : i32
      %dma_start3A_324 = tpu.memref_slice %arg12[%add3A_302, %dma_start3A_323] : memref<128x80xi32, #tpu.memory_space<vmem>> -> memref<1x80xi32, #tpu.memory_space<vmem>>
      %dma_start3A_325 = tpu.memref_squeeze %dma_start3A_324 : memref<1x80xi32, #tpu.memory_space<vmem>> -> memref<80xi32, #tpu.memory_space<vmem>>
      %dma_start3A_326 = arith.constant 0 : i32
      %dma_start3A_327 = arith.constant 0 : i32
      %dma_start3A_328 = tpu.memref_slice %arg22[%dma_start3A_326, %dma_start3A_327] : memref<10016x32xf32, #tpu.memory_space<vmem_shared>> -> memref<10016x32xf32, #tpu.memory_space<vmem_shared>>
      tpu.enqueue_indirect_dma source(%arg20 : memref<80x32xf32, #tpu.memory_space<vmem>>) target(%dma_start3A_328 : memref<10016x32xf32, #tpu.memory_space<vmem_shared>>) offsets(%dma_start3A_325 : memref<80xi32, #tpu.memory_space<vmem>>) semaphore(%arg38 : memref<!tpu.dma_semaphore, #tpu.memory_space<semaphore_mem>>) {add = true}
      %dma_wait3A_329 = arith.constant 0 : i32
      %dma_wait3A_330 = arith.constant 0 : i32
      %dma_wait3A_331 = tpu.memref_slice %arg10[%dma_wait3A_329, %dma_wait3A_330] : memref<128x80xi32, #tpu.memory_space<vmem>> -> memref<1x80xi32, #tpu.memory_space<vmem>>
      %dma_wait3A_332 = tpu.memref_squeeze %dma_wait3A_331 : memref<1x80xi32, #tpu.memory_space<vmem>> -> memref<80xi32, #tpu.memory_space<vmem>>
      %dma_wait3A_333 = arith.constant 0 : i32
      %dma_wait3A_334 = arith.constant 0 : i32
      %dma_wait3A_335 = tpu.memref_slice %arg21[%dma_wait3A_333, %dma_wait3A_334] : memref<10016x32xf32, #tpu.memory_space<vmem_shared>> -> memref<10016x32xf32, #tpu.memory_space<vmem_shared>>
      tpu.wait_indirect_dma semaphore(%arg32 : memref<!tpu.dma_semaphore, #tpu.memory_space<semaphore_mem>>) src(%arg14 : memref<80x32xf32, #tpu.memory_space<vmem>>) dst(%dma_wait3A_335 : memref<10016x32xf32, #tpu.memory_space<vmem_shared>>)
      %dma_wait3A_336 = arith.constant 0 : i32
      %dma_wait3A_337 = arith.constant 0 : i32
      %dma_wait3A_338 = tpu.memref_slice %arg12[%dma_wait3A_336, %dma_wait3A_337] : memref<128x80xi32, #tpu.memory_space<vmem>> -> memref<1x80xi32, #tpu.memory_space<vmem>>
      %dma_wait3A_339 = tpu.memref_squeeze %dma_wait3A_338 : memref<1x80xi32, #tpu.memory_space<vmem>> -> memref<80xi32, #tpu.memory_space<vmem>>
      %dma_wait3A_340 = arith.constant 0 : i32
      %dma_wait3A_341 = arith.constant 0 : i32
      %dma_wait3A_342 = tpu.memref_slice %arg22[%dma_wait3A_340, %dma_wait3A_341] : memref<10016x32xf32, #tpu.memory_space<vmem_shared>> -> memref<10016x32xf32, #tpu.memory_space<vmem_shared>>
      tpu.wait_indirect_dma semaphore(%arg36 : memref<!tpu.dma_semaphore, #tpu.memory_space<semaphore_mem>>) src(%arg18 : memref<80x32xf32, #tpu.memory_space<vmem>>) dst(%dma_wait3A_342 : memref<10016x32xf32, #tpu.memory_space<vmem_shared>>)
      %add3A_343 = arith.constant 2 : i32
      %add3A_344 = arith.addi %add3A_302, %add3A_343 : i32
      %dma_start3A_345 = arith.constant 0 : i32
      %dma_start3A_346 = tpu.memref_slice %arg9[%add3A_344, %dma_start3A_345] : memref<128x80xi32, #tpu.memory_space<vmem>> -> memref<1x80xi32, #tpu.memory_space<vmem>>
      %dma_start3A_347 = tpu.memref_squeeze %dma_start3A_346 : memref<1x80xi32, #tpu.memory_space<vmem>> -> memref<80xi32, #tpu.memory_space<vmem>>
      %dma_start3A_348 = arith.constant 0 : i32
      %dma_start3A_349 = arith.constant 0 : i32
      %dma_start3A_350 = tpu.memref_slice %arg2[%dma_start3A_348, %dma_start3A_349] : memref<10008x32xf32, #tpu.memory_space<hbm>> -> memref<10008x32xf32, #tpu.memory_space<hbm>>
      tpu.enqueue_indirect_dma source(%dma_start3A_350 : memref<10008x32xf32, #tpu.memory_space<hbm>>) target(%arg14 : memref<80x32xf32, #tpu.memory_space<vmem>>) offsets(%dma_start3A_347 : memref<80xi32, #tpu.memory_space<vmem>>) semaphore(%arg24 : memref<!tpu.dma_semaphore, #tpu.memory_space<semaphore_mem>>)
      %dma_start3A_351 = arith.constant 0 : i32
      %dma_start3A_352 = tpu.memref_slice %arg11[%add3A_344, %dma_start3A_351] : memref<128x80xi32, #tpu.memory_space<vmem>> -> memref<1x80xi32, #tpu.memory_space<vmem>>
      %dma_start3A_353 = tpu.memref_squeeze %dma_start3A_352 : memref<1x80xi32, #tpu.memory_space<vmem>> -> memref<80xi32, #tpu.memory_space<vmem>>
      %dma_start3A_354 = arith.constant 0 : i32
      %dma_start3A_355 = arith.constant 0 : i32
      %dma_start3A_356 = tpu.memref_slice %arg3[%dma_start3A_354, %dma_start3A_355] : memref<10008x32xf32, #tpu.memory_space<hbm>> -> memref<10008x32xf32, #tpu.memory_space<hbm>>
      tpu.enqueue_indirect_dma source(%dma_start3A_356 : memref<10008x32xf32, #tpu.memory_space<hbm>>) target(%arg18 : memref<80x32xf32, #tpu.memory_space<vmem>>) offsets(%dma_start3A_353 : memref<80xi32, #tpu.memory_space<vmem>>) semaphore(%arg28 : memref<!tpu.dma_semaphore, #tpu.memory_space<semaphore_mem>>)
      %mul3A_357 = arith.constant 4 : i32
      %mul3A_358 = arith.muli %mul3A_357, %scan3A_235 : i32
      %add3A_359 = arith.constant 2 : i32
      %add3A_360 = arith.addi %mul3A_358, %add3A_359 : i32
      %add3A_361 = arith.constant 2 : i32
      %add3A_362 = arith.addi %add3A_360, %add3A_361 : i32
      %dma_wait3A_363 = arith.constant 0 : i32
      %dma_wait3A_364 = arith.constant 0 : i32
      %dma_wait3A_365 = tpu.memref_slice %arg9[%dma_wait3A_363, %dma_wait3A_364] : memref<128x80xi32, #tpu.memory_space<vmem>> -> memref<1x80xi32, #tpu.memory_space<vmem>>
      %dma_wait3A_366 = tpu.memref_squeeze %dma_wait3A_365 : memref<1x80xi32, #tpu.memory_space<vmem>> -> memref<80xi32, #tpu.memory_space<vmem>>
      %dma_wait3A_367 = arith.constant 0 : i32
      %dma_wait3A_368 = arith.constant 0 : i32
      %dma_wait3A_369 = tpu.memref_slice %arg2[%dma_wait3A_367, %dma_wait3A_368] : memref<10008x32xf32, #tpu.memory_space<hbm>> -> memref<10008x32xf32, #tpu.memory_space<hbm>>
      tpu.wait_indirect_dma semaphore(%arg23 : memref<!tpu.dma_semaphore, #tpu.memory_space<semaphore_mem>>) src(%dma_wait3A_369 : memref<10008x32xf32, #tpu.memory_space<hbm>>) dst(%arg13 : memref<80x32xf32, #tpu.memory_space<vmem>>)
      %dma_wait3A_370 = arith.constant 0 : i32
      %dma_wait3A_371 = arith.constant 0 : i32
      %dma_wait3A_372 = tpu.memref_slice %arg11[%dma_wait3A_370, %dma_wait3A_371] : memref<128x80xi32, #tpu.memory_space<vmem>> -> memref<1x80xi32, #tpu.memory_space<vmem>>
      %dma_wait3A_373 = tpu.memref_squeeze %dma_wait3A_372 : memref<1x80xi32, #tpu.memory_space<vmem>> -> memref<80xi32, #tpu.memory_space<vmem>>
      %dma_wait3A_374 = arith.constant 0 : i32
      %dma_wait3A_375 = arith.constant 0 : i32
      %dma_wait3A_376 = tpu.memref_slice %arg3[%dma_wait3A_374, %dma_wait3A_375] : memref<10008x32xf32, #tpu.memory_space<hbm>> -> memref<10008x32xf32, #tpu.memory_space<hbm>>
      tpu.wait_indirect_dma semaphore(%arg27 : memref<!tpu.dma_semaphore, #tpu.memory_space<semaphore_mem>>) src(%dma_wait3A_376 : memref<10008x32xf32, #tpu.memory_space<hbm>>) dst(%arg17 : memref<80x32xf32, #tpu.memory_space<vmem>>)
      %dma_start3A_377 = arith.constant 0 : i32
      %dma_start3A_378 = tpu.memref_slice %arg10[%add3A_362, %dma_start3A_377] : memref<128x80xi32, #tpu.memory_space<vmem>> -> memref<1x80xi32, #tpu.memory_space<vmem>>
      %dma_start3A_379 = tpu.memref_squeeze %dma_start3A_378 : memref<1x80xi32, #tpu.memory_space<vmem>> -> memref<80xi32, #tpu.memory_space<vmem>>
      %dma_start3A_380 = arith.constant 0 : i32
      %dma_start3A_381 = arith.constant 0 : i32
      %dma_start3A_382 = tpu.memref_slice %arg21[%dma_start3A_380, %dma_start3A_381] : memref<10016x32xf32, #tpu.memory_space<vmem_shared>> -> memref<10016x32xf32, #tpu.memory_space<vmem_shared>>
      tpu.enqueue_indirect_dma source(%arg13 : memref<80x32xf32, #tpu.memory_space<vmem>>) target(%dma_start3A_382 : memref<10016x32xf32, #tpu.memory_space<vmem_shared>>) offsets(%dma_start3A_379 : memref<80xi32, #tpu.memory_space<vmem>>) semaphore(%arg31 : memref<!tpu.dma_semaphore, #tpu.memory_space<semaphore_mem>>) {add = true}
      %dma_start3A_383 = arith.constant 0 : i32
      %dma_start3A_384 = tpu.memref_slice %arg12[%add3A_362, %dma_start3A_383] : memref<128x80xi32, #tpu.memory_space<vmem>> -> memref<1x80xi32, #tpu.memory_space<vmem>>
      %dma_start3A_385 = tpu.memref_squeeze %dma_start3A_384 : memref<1x80xi32, #tpu.memory_space<vmem>> -> memref<80xi32, #tpu.memory_space<vmem>>
      %dma_start3A_386 = arith.constant 0 : i32
      %dma_start3A_387 = arith.constant 0 : i32
      %dma_start3A_388 = tpu.memref_slice %arg22[%dma_start3A_386, %dma_start3A_387] : memref<10016x32xf32, #tpu.memory_space<vmem_shared>> -> memref<10016x32xf32, #tpu.memory_space<vmem_shared>>
      tpu.enqueue_indirect_dma source(%arg17 : memref<80x32xf32, #tpu.memory_space<vmem>>) target(%dma_start3A_388 : memref<10016x32xf32, #tpu.memory_space<vmem_shared>>) offsets(%dma_start3A_385 : memref<80xi32, #tpu.memory_space<vmem>>) semaphore(%arg35 : memref<!tpu.dma_semaphore, #tpu.memory_space<semaphore_mem>>) {add = true}
      %dma_wait3A_389 = arith.constant 0 : i32
      %dma_wait3A_390 = arith.constant 0 : i32
      %dma_wait3A_391 = tpu.memref_slice %arg10[%dma_wait3A_389, %dma_wait3A_390] : memref<128x80xi32, #tpu.memory_space<vmem>> -> memref<1x80xi32, #tpu.memory_space<vmem>>
      %dma_wait3A_392 = tpu.memref_squeeze %dma_wait3A_391 : memref<1x80xi32, #tpu.memory_space<vmem>> -> memref<80xi32, #tpu.memory_space<vmem>>
      %dma_wait3A_393 = arith.constant 0 : i32
      %dma_wait3A_394 = arith.constant 0 : i32
      %dma_wait3A_395 = tpu.memref_slice %arg21[%dma_wait3A_393, %dma_wait3A_394] : memref<10016x32xf32, #tpu.memory_space<vmem_shared>> -> memref<10016x32xf32, #tpu.memory_space<vmem_shared>>
      tpu.wait_indirect_dma semaphore(%arg33 : memref<!tpu.dma_semaphore, #tpu.memory_space<semaphore_mem>>) src(%arg15 : memref<80x32xf32, #tpu.memory_space<vmem>>) dst(%dma_wait3A_395 : memref<10016x32xf32, #tpu.memory_space<vmem_shared>>)
      %dma_wait3A_396 = arith.constant 0 : i32
      %dma_wait3A_397 = arith.constant 0 : i32
      %dma_wait3A_398 = tpu.memref_slice %arg12[%dma_wait3A_396, %dma_wait3A_397] : memref<128x80xi32, #tpu.memory_space<vmem>> -> memref<1x80xi32, #tpu.memory_space<vmem>>
      %dma_wait3A_399 = tpu.memref_squeeze %dma_wait3A_398 : memref<1x80xi32, #tpu.memory_space<vmem>> -> memref<80xi32, #tpu.memory_space<vmem>>
      %dma_wait3A_400 = arith.constant 0 : i32
      %dma_wait3A_401 = arith.constant 0 : i32
      %dma_wait3A_402 = tpu.memref_slice %arg22[%dma_wait3A_400, %dma_wait3A_401] : memref<10016x32xf32, #tpu.memory_space<vmem_shared>> -> memref<10016x32xf32, #tpu.memory_space<vmem_shared>>
      tpu.wait_indirect_dma semaphore(%arg37 : memref<!tpu.dma_semaphore, #tpu.memory_space<semaphore_mem>>) src(%arg19 : memref<80x32xf32, #tpu.memory_space<vmem>>) dst(%dma_wait3A_402 : memref<10016x32xf32, #tpu.memory_space<vmem_shared>>)
      %add3A_403 = arith.constant 2 : i32
      %add3A_404 = arith.addi %add3A_362, %add3A_403 : i32
      %dma_start3A_405 = arith.constant 0 : i32
      %dma_start3A_406 = tpu.memref_slice %arg9[%add3A_404, %dma_start3A_405] : memref<128x80xi32, #tpu.memory_space<vmem>> -> memref<1x80xi32, #tpu.memory_space<vmem>>
      %dma_start3A_407 = tpu.memref_squeeze %dma_start3A_406 : memref<1x80xi32, #tpu.memory_space<vmem>> -> memref<80xi32, #tpu.memory_space<vmem>>
      %dma_start3A_408 = arith.constant 0 : i32
      %dma_start3A_409 = arith.constant 0 : i32
      %dma_start3A_410 = tpu.memref_slice %arg2[%dma_start3A_408, %dma_start3A_409] : memref<10008x32xf32, #tpu.memory_space<hbm>> -> memref<10008x32xf32, #tpu.memory_space<hbm>>
      tpu.enqueue_indirect_dma source(%dma_start3A_410 : memref<10008x32xf32, #tpu.memory_space<hbm>>) target(%arg15 : memref<80x32xf32, #tpu.memory_space<vmem>>) offsets(%dma_start3A_407 : memref<80xi32, #tpu.memory_space<vmem>>) semaphore(%arg25 : memref<!tpu.dma_semaphore, #tpu.memory_space<semaphore_mem>>)
      %dma_start3A_411 = arith.constant 0 : i32
      %dma_start3A_412 = tpu.memref_slice %arg11[%add3A_404, %dma_start3A_411] : memref<128x80xi32, #tpu.memory_space<vmem>> -> memref<1x80xi32, #tpu.memory_space<vmem>>
      %dma_start3A_413 = tpu.memref_squeeze %dma_start3A_412 : memref<1x80xi32, #tpu.memory_space<vmem>> -> memref<80xi32, #tpu.memory_space<vmem>>
      %dma_start3A_414 = arith.constant 0 : i32
      %dma_start3A_415 = arith.constant 0 : i32
      %dma_start3A_416 = tpu.memref_slice %arg3[%dma_start3A_414, %dma_start3A_415] : memref<10008x32xf32, #tpu.memory_space<hbm>> -> memref<10008x32xf32, #tpu.memory_space<hbm>>
      tpu.enqueue_indirect_dma source(%dma_start3A_416 : memref<10008x32xf32, #tpu.memory_space<hbm>>) target(%arg19 : memref<80x32xf32, #tpu.memory_space<vmem>>) offsets(%dma_start3A_413 : memref<80xi32, #tpu.memory_space<vmem>>) semaphore(%arg29 : memref<!tpu.dma_semaphore, #tpu.memory_space<semaphore_mem>>)
      %mul3A_417 = arith.constant 4 : i32
      %mul3A_418 = arith.muli %mul3A_417, %scan3A_235 : i32
      %add3A_419 = arith.constant 2 : i32
      %add3A_420 = arith.addi %mul3A_418, %add3A_419 : i32
      %add3A_421 = arith.constant 3 : i32
      %add3A_422 = arith.addi %add3A_420, %add3A_421 : i32
      %dma_wait3A_423 = arith.constant 0 : i32
      %dma_wait3A_424 = arith.constant 0 : i32
      %dma_wait3A_425 = tpu.memref_slice %arg9[%dma_wait3A_423, %dma_wait3A_424] : memref<128x80xi32, #tpu.memory_space<vmem>> -> memref<1x80xi32, #tpu.memory_space<vmem>>
      %dma_wait3A_426 = tpu.memref_squeeze %dma_wait3A_425 : memref<1x80xi32, #tpu.memory_space<vmem>> -> memref<80xi32, #tpu.memory_space<vmem>>
      %dma_wait3A_427 = arith.constant 0 : i32
      %dma_wait3A_428 = arith.constant 0 : i32
      %dma_wait3A_429 = tpu.memref_slice %arg2[%dma_wait3A_427, %dma_wait3A_428] : memref<10008x32xf32, #tpu.memory_space<hbm>> -> memref<10008x32xf32, #tpu.memory_space<hbm>>
      tpu.wait_indirect_dma semaphore(%arg24 : memref<!tpu.dma_semaphore, #tpu.memory_space<semaphore_mem>>) src(%dma_wait3A_429 : memref<10008x32xf32, #tpu.memory_space<hbm>>) dst(%arg14 : memref<80x32xf32, #tpu.memory_space<vmem>>)
      %dma_wait3A_430 = arith.constant 0 : i32
      %dma_wait3A_431 = arith.constant 0 : i32
      %dma_wait3A_432 = tpu.memref_slice %arg11[%dma_wait3A_430, %dma_wait3A_431] : memref<128x80xi32, #tpu.memory_space<vmem>> -> memref<1x80xi32, #tpu.memory_space<vmem>>
      %dma_wait3A_433 = tpu.memref_squeeze %dma_wait3A_432 : memref<1x80xi32, #tpu.memory_space<vmem>> -> memref<80xi32, #tpu.memory_space<vmem>>
      %dma_wait3A_434 = arith.constant 0 : i32
      %dma_wait3A_435 = arith.constant 0 : i32
      %dma_wait3A_436 = tpu.memref_slice %arg3[%dma_wait3A_434, %dma_wait3A_435] : memref<10008x32xf32, #tpu.memory_space<hbm>> -> memref<10008x32xf32, #tpu.memory_space<hbm>>
      tpu.wait_indirect_dma semaphore(%arg28 : memref<!tpu.dma_semaphore, #tpu.memory_space<semaphore_mem>>) src(%dma_wait3A_436 : memref<10008x32xf32, #tpu.memory_space<hbm>>) dst(%arg18 : memref<80x32xf32, #tpu.memory_space<vmem>>)
      %dma_start3A_437 = arith.constant 0 : i32
      %dma_start3A_438 = tpu.memref_slice %arg10[%add3A_422, %dma_start3A_437] : memref<128x80xi32, #tpu.memory_space<vmem>> -> memref<1x80xi32, #tpu.memory_space<vmem>>
      %dma_start3A_439 = tpu.memref_squeeze %dma_start3A_438 : memref<1x80xi32, #tpu.memory_space<vmem>> -> memref<80xi32, #tpu.memory_space<vmem>>
      %dma_start3A_440 = arith.constant 0 : i32
      %dma_start3A_441 = arith.constant 0 : i32
      %dma_start3A_442 = tpu.memref_slice %arg21[%dma_start3A_440, %dma_start3A_441] : memref<10016x32xf32, #tpu.memory_space<vmem_shared>> -> memref<10016x32xf32, #tpu.memory_space<vmem_shared>>
      tpu.enqueue_indirect_dma source(%arg14 : memref<80x32xf32, #tpu.memory_space<vmem>>) target(%dma_start3A_442 : memref<10016x32xf32, #tpu.memory_space<vmem_shared>>) offsets(%dma_start3A_439 : memref<80xi32, #tpu.memory_space<vmem>>) semaphore(%arg32 : memref<!tpu.dma_semaphore, #tpu.memory_space<semaphore_mem>>) {add = true}
      %dma_start3A_443 = arith.constant 0 : i32
      %dma_start3A_444 = tpu.memref_slice %arg12[%add3A_422, %dma_start3A_443] : memref<128x80xi32, #tpu.memory_space<vmem>> -> memref<1x80xi32, #tpu.memory_space<vmem>>
      %dma_start3A_445 = tpu.memref_squeeze %dma_start3A_444 : memref<1x80xi32, #tpu.memory_space<vmem>> -> memref<80xi32, #tpu.memory_space<vmem>>
      %dma_start3A_446 = arith.constant 0 : i32
      %dma_start3A_447 = arith.constant 0 : i32
      %dma_start3A_448 = tpu.memref_slice %arg22[%dma_start3A_446, %dma_start3A_447] : memref<10016x32xf32, #tpu.memory_space<vmem_shared>> -> memref<10016x32xf32, #tpu.memory_space<vmem_shared>>
      tpu.enqueue_indirect_dma source(%arg18 : memref<80x32xf32, #tpu.memory_space<vmem>>) target(%dma_start3A_448 : memref<10016x32xf32, #tpu.memory_space<vmem_shared>>) offsets(%dma_start3A_445 : memref<80xi32, #tpu.memory_space<vmem>>) semaphore(%arg36 : memref<!tpu.dma_semaphore, #tpu.memory_space<semaphore_mem>>) {add = true}
      %dma_wait3A_449 = arith.constant 0 : i32
      %dma_wait3A_450 = arith.constant 0 : i32
      %dma_wait3A_451 = tpu.memref_slice %arg10[%dma_wait3A_449, %dma_wait3A_450] : memref<128x80xi32, #tpu.memory_space<vmem>> -> memref<1x80xi32, #tpu.memory_space<vmem>>
      %dma_wait3A_452 = tpu.memref_squeeze %dma_wait3A_451 : memref<1x80xi32, #tpu.memory_space<vmem>> -> memref<80xi32, #tpu.memory_space<vmem>>
      %dma_wait3A_453 = arith.constant 0 : i32
      %dma_wait3A_454 = arith.constant 0 : i32
      %dma_wait3A_455 = tpu.memref_slice %arg21[%dma_wait3A_453, %dma_wait3A_454] : memref<10016x32xf32, #tpu.memory_space<vmem_shared>> -> memref<10016x32xf32, #tpu.memory_space<vmem_shared>>
      tpu.wait_indirect_dma semaphore(%arg34 : memref<!tpu.dma_semaphore, #tpu.memory_space<semaphore_mem>>) src(%arg16 : memref<80x32xf32, #tpu.memory_space<vmem>>) dst(%dma_wait3A_455 : memref<10016x32xf32, #tpu.memory_space<vmem_shared>>)
      %dma_wait3A_456 = arith.constant 0 : i32
      %dma_wait3A_457 = arith.constant 0 : i32
      %dma_wait3A_458 = tpu.memref_slice %arg12[%dma_wait3A_456, %dma_wait3A_457] : memref<128x80xi32, #tpu.memory_space<vmem>> -> memref<1x80xi32, #tpu.memory_space<vmem>>
      %dma_wait3A_459 = tpu.memref_squeeze %dma_wait3A_458 : memref<1x80xi32, #tpu.memory_space<vmem>> -> memref<80xi32, #tpu.memory_space<vmem>>
      %dma_wait3A_460 = arith.constant 0 : i32
      %dma_wait3A_461 = arith.constant 0 : i32
      %dma_wait3A_462 = tpu.memref_slice %arg22[%dma_wait3A_460, %dma_wait3A_461] : memref<10016x32xf32, #tpu.memory_space<vmem_shared>> -> memref<10016x32xf32, #tpu.memory_space<vmem_shared>>
      tpu.wait_indirect_dma semaphore(%arg38 : memref<!tpu.dma_semaphore, #tpu.memory_space<semaphore_mem>>) src(%arg20 : memref<80x32xf32, #tpu.memory_space<vmem>>) dst(%dma_wait3A_462 : memref<10016x32xf32, #tpu.memory_space<vmem_shared>>)
      %add3A_463 = arith.constant 2 : i32
      %add3A_464 = arith.addi %add3A_422, %add3A_463 : i32
      %dma_start3A_465 = arith.constant 0 : i32
      %dma_start3A_466 = tpu.memref_slice %arg9[%add3A_464, %dma_start3A_465] : memref<128x80xi32, #tpu.memory_space<vmem>> -> memref<1x80xi32, #tpu.memory_space<vmem>>
      %dma_start3A_467 = tpu.memref_squeeze %dma_start3A_466 : memref<1x80xi32, #tpu.memory_space<vmem>> -> memref<80xi32, #tpu.memory_space<vmem>>
      %dma_start3A_468 = arith.constant 0 : i32
      %dma_start3A_469 = arith.constant 0 : i32
      %dma_start3A_470 = tpu.memref_slice %arg2[%dma_start3A_468, %dma_start3A_469] : memref<10008x32xf32, #tpu.memory_space<hbm>> -> memref<10008x32xf32, #tpu.memory_space<hbm>>
      tpu.enqueue_indirect_dma source(%dma_start3A_470 : memref<10008x32xf32, #tpu.memory_space<hbm>>) target(%arg16 : memref<80x32xf32, #tpu.memory_space<vmem>>) offsets(%dma_start3A_467 : memref<80xi32, #tpu.memory_space<vmem>>) semaphore(%arg26 : memref<!tpu.dma_semaphore, #tpu.memory_space<semaphore_mem>>)
      %dma_start3A_471 = arith.constant 0 : i32
      %dma_start3A_472 = tpu.memref_slice %arg11[%add3A_464, %dma_start3A_471] : memref<128x80xi32, #tpu.memory_space<vmem>> -> memref<1x80xi32, #tpu.memory_space<vmem>>
      %dma_start3A_473 = tpu.memref_squeeze %dma_start3A_472 : memref<1x80xi32, #tpu.memory_space<vmem>> -> memref<80xi32, #tpu.memory_space<vmem>>
      %dma_start3A_474 = arith.constant 0 : i32
      %dma_start3A_475 = arith.constant 0 : i32
      %dma_start3A_476 = tpu.memref_slice %arg3[%dma_start3A_474, %dma_start3A_475] : memref<10008x32xf32, #tpu.memory_space<hbm>> -> memref<10008x32xf32, #tpu.memory_space<hbm>>
      tpu.enqueue_indirect_dma source(%dma_start3A_476 : memref<10008x32xf32, #tpu.memory_space<hbm>>) target(%arg20 : memref<80x32xf32, #tpu.memory_space<vmem>>) offsets(%dma_start3A_473 : memref<80xi32, #tpu.memory_space<vmem>>) semaphore(%arg30 : memref<!tpu.dma_semaphore, #tpu.memory_space<semaphore_mem>>)
      %scan3A_477 = arith.constant 0 : i32
      scf.yield %scan3A_477 : i32
    }
    %scan3A_121 = arith.constant 31 : i32
    %dma_wait3A_122 = arith.constant 0 : i32
    %dma_wait3A_123 = arith.constant 0 : i32
    %dma_wait3A_124 = tpu.memref_slice %arg9[%dma_wait3A_122, %dma_wait3A_123] : memref<128x80xi32, #tpu.memory_space<vmem>> -> memref<1x80xi32, #tpu.memory_space<vmem>>
    %dma_wait3A_125 = tpu.memref_squeeze %dma_wait3A_124 : memref<1x80xi32, #tpu.memory_space<vmem>> -> memref<80xi32, #tpu.memory_space<vmem>>
    %dma_wait3A_126 = arith.constant 0 : i32
    %dma_wait3A_127 = arith.constant 0 : i32
    %dma_wait3A_128 = tpu.memref_slice %arg2[%dma_wait3A_126, %dma_wait3A_127] : memref<10008x32xf32, #tpu.memory_space<hbm>> -> memref<10008x32xf32, #tpu.memory_space<hbm>>
    tpu.wait_indirect_dma semaphore(%arg25 : memref<!tpu.dma_semaphore, #tpu.memory_space<semaphore_mem>>) src(%dma_wait3A_128 : memref<10008x32xf32, #tpu.memory_space<hbm>>) dst(%arg15 : memref<80x32xf32, #tpu.memory_space<vmem>>)
    %dma_wait3A_129 = arith.constant 0 : i32
    %dma_wait3A_130 = arith.constant 0 : i32
    %dma_wait3A_131 = tpu.memref_slice %arg11[%dma_wait3A_129, %dma_wait3A_130] : memref<128x80xi32, #tpu.memory_space<vmem>> -> memref<1x80xi32, #tpu.memory_space<vmem>>
    %dma_wait3A_132 = tpu.memref_squeeze %dma_wait3A_131 : memref<1x80xi32, #tpu.memory_space<vmem>> -> memref<80xi32, #tpu.memory_space<vmem>>
    %dma_wait3A_133 = arith.constant 0 : i32
    %dma_wait3A_134 = arith.constant 0 : i32
    %dma_wait3A_135 = tpu.memref_slice %arg3[%dma_wait3A_133, %dma_wait3A_134] : memref<10008x32xf32, #tpu.memory_space<hbm>> -> memref<10008x32xf32, #tpu.memory_space<hbm>>
    tpu.wait_indirect_dma semaphore(%arg29 : memref<!tpu.dma_semaphore, #tpu.memory_space<semaphore_mem>>) src(%dma_wait3A_135 : memref<10008x32xf32, #tpu.memory_space<hbm>>) dst(%arg19 : memref<80x32xf32, #tpu.memory_space<vmem>>)
    %dma_start3A_136 = arith.constant 126 : i32
    %dma_start3A_137 = arith.constant 0 : i32
    %dma_start3A_138 = tpu.memref_slice %arg10[%dma_start3A_136, %dma_start3A_137] : memref<128x80xi32, #tpu.memory_space<vmem>> -> memref<1x80xi32, #tpu.memory_space<vmem>>
    %dma_start3A_139 = tpu.memref_squeeze %dma_start3A_138 : memref<1x80xi32, #tpu.memory_space<vmem>> -> memref<80xi32, #tpu.memory_space<vmem>>
    %dma_start3A_140 = arith.constant 0 : i32
    %dma_start3A_141 = arith.constant 0 : i32
    %dma_start3A_142 = tpu.memref_slice %arg21[%dma_start3A_140, %dma_start3A_141] : memref<10016x32xf32, #tpu.memory_space<vmem_shared>> -> memref<10016x32xf32, #tpu.memory_space<vmem_shared>>
    tpu.enqueue_indirect_dma source(%arg15 : memref<80x32xf32, #tpu.memory_space<vmem>>) target(%dma_start3A_142 : memref<10016x32xf32, #tpu.memory_space<vmem_shared>>) offsets(%dma_start3A_139 : memref<80xi32, #tpu.memory_space<vmem>>) semaphore(%arg33 : memref<!tpu.dma_semaphore, #tpu.memory_space<semaphore_mem>>) {add = true}
    %dma_start3A_143 = arith.constant 126 : i32
    %dma_start3A_144 = arith.constant 0 : i32
    %dma_start3A_145 = tpu.memref_slice %arg12[%dma_start3A_143, %dma_start3A_144] : memref<128x80xi32, #tpu.memory_space<vmem>> -> memref<1x80xi32, #tpu.memory_space<vmem>>
    %dma_start3A_146 = tpu.memref_squeeze %dma_start3A_145 : memref<1x80xi32, #tpu.memory_space<vmem>> -> memref<80xi32, #tpu.memory_space<vmem>>
    %dma_start3A_147 = arith.constant 0 : i32
    %dma_start3A_148 = arith.constant 0 : i32
    %dma_start3A_149 = tpu.memref_slice %arg22[%dma_start3A_147, %dma_start3A_148] : memref<10016x32xf32, #tpu.memory_space<vmem_shared>> -> memref<10016x32xf32, #tpu.memory_space<vmem_shared>>
    tpu.enqueue_indirect_dma source(%arg19 : memref<80x32xf32, #tpu.memory_space<vmem>>) target(%dma_start3A_149 : memref<10016x32xf32, #tpu.memory_space<vmem_shared>>) offsets(%dma_start3A_146 : memref<80xi32, #tpu.memory_space<vmem>>) semaphore(%arg37 : memref<!tpu.dma_semaphore, #tpu.memory_space<semaphore_mem>>) {add = true}
    %dma_wait3A_150 = arith.constant 0 : i32
    %dma_wait3A_151 = arith.constant 0 : i32
    %dma_wait3A_152 = tpu.memref_slice %arg10[%dma_wait3A_150, %dma_wait3A_151] : memref<128x80xi32, #tpu.memory_space<vmem>> -> memref<1x80xi32, #tpu.memory_space<vmem>>
    %dma_wait3A_153 = tpu.memref_squeeze %dma_wait3A_152 : memref<1x80xi32, #tpu.memory_space<vmem>> -> memref<80xi32, #tpu.memory_space<vmem>>
    %dma_wait3A_154 = arith.constant 0 : i32
    %dma_wait3A_155 = arith.constant 0 : i32
    %dma_wait3A_156 = tpu.memref_slice %arg21[%dma_wait3A_154, %dma_wait3A_155] : memref<10016x32xf32, #tpu.memory_space<vmem_shared>> -> memref<10016x32xf32, #tpu.memory_space<vmem_shared>>
    tpu.wait_indirect_dma semaphore(%arg31 : memref<!tpu.dma_semaphore, #tpu.memory_space<semaphore_mem>>) src(%arg13 : memref<80x32xf32, #tpu.memory_space<vmem>>) dst(%dma_wait3A_156 : memref<10016x32xf32, #tpu.memory_space<vmem_shared>>)
    %dma_wait3A_157 = arith.constant 0 : i32
    %dma_wait3A_158 = arith.constant 0 : i32
    %dma_wait3A_159 = tpu.memref_slice %arg12[%dma_wait3A_157, %dma_wait3A_158] : memref<128x80xi32, #tpu.memory_space<vmem>> -> memref<1x80xi32, #tpu.memory_space<vmem>>
    %dma_wait3A_160 = tpu.memref_squeeze %dma_wait3A_159 : memref<1x80xi32, #tpu.memory_space<vmem>> -> memref<80xi32, #tpu.memory_space<vmem>>
    %dma_wait3A_161 = arith.constant 0 : i32
    %dma_wait3A_162 = arith.constant 0 : i32
    %dma_wait3A_163 = tpu.memref_slice %arg22[%dma_wait3A_161, %dma_wait3A_162] : memref<10016x32xf32, #tpu.memory_space<vmem_shared>> -> memref<10016x32xf32, #tpu.memory_space<vmem_shared>>
    tpu.wait_indirect_dma semaphore(%arg35 : memref<!tpu.dma_semaphore, #tpu.memory_space<semaphore_mem>>) src(%arg17 : memref<80x32xf32, #tpu.memory_space<vmem>>) dst(%dma_wait3A_163 : memref<10016x32xf32, #tpu.memory_space<vmem_shared>>)
    %dma_wait3A_164 = arith.constant 0 : i32
    %dma_wait3A_165 = arith.constant 0 : i32
    %dma_wait3A_166 = tpu.memref_slice %arg9[%dma_wait3A_164, %dma_wait3A_165] : memref<128x80xi32, #tpu.memory_space<vmem>> -> memref<1x80xi32, #tpu.memory_space<vmem>>
    %dma_wait3A_167 = tpu.memref_squeeze %dma_wait3A_166 : memref<1x80xi32, #tpu.memory_space<vmem>> -> memref<80xi32, #tpu.memory_space<vmem>>
    %dma_wait3A_168 = arith.constant 0 : i32
    %dma_wait3A_169 = arith.constant 0 : i32
    %dma_wait3A_170 = tpu.memref_slice %arg2[%dma_wait3A_168, %dma_wait3A_169] : memref<10008x32xf32, #tpu.memory_space<hbm>> -> memref<10008x32xf32, #tpu.memory_space<hbm>>
    tpu.wait_indirect_dma semaphore(%arg26 : memref<!tpu.dma_semaphore, #tpu.memory_space<semaphore_mem>>) src(%dma_wait3A_170 : memref<10008x32xf32, #tpu.memory_space<hbm>>) dst(%arg16 : memref<80x32xf32, #tpu.memory_space<vmem>>)
    %dma_wait3A_171 = arith.constant 0 : i32
    %dma_wait3A_172 = arith.constant 0 : i32
    %dma_wait3A_173 = tpu.memref_slice %arg11[%dma_wait3A_171, %dma_wait3A_172] : memref<128x80xi32, #tpu.memory_space<vmem>> -> memref<1x80xi32, #tpu.memory_space<vmem>>
    %dma_wait3A_174 = tpu.memref_squeeze %dma_wait3A_173 : memref<1x80xi32, #tpu.memory_space<vmem>> -> memref<80xi32, #tpu.memory_space<vmem>>
    %dma_wait3A_175 = arith.constant 0 : i32
    %dma_wait3A_176 = arith.constant 0 : i32
    %dma_wait3A_177 = tpu.memref_slice %arg3[%dma_wait3A_175, %dma_wait3A_176] : memref<10008x32xf32, #tpu.memory_space<hbm>> -> memref<10008x32xf32, #tpu.memory_space<hbm>>
    tpu.wait_indirect_dma semaphore(%arg30 : memref<!tpu.dma_semaphore, #tpu.memory_space<semaphore_mem>>) src(%dma_wait3A_177 : memref<10008x32xf32, #tpu.memory_space<hbm>>) dst(%arg20 : memref<80x32xf32, #tpu.memory_space<vmem>>)
    %dma_start3A_178 = arith.constant 127 : i32
    %dma_start3A_179 = arith.constant 0 : i32
    %dma_start3A_180 = tpu.memref_slice %arg10[%dma_start3A_178, %dma_start3A_179] : memref<128x80xi32, #tpu.memory_space<vmem>> -> memref<1x80xi32, #tpu.memory_space<vmem>>
    %dma_start3A_181 = tpu.memref_squeeze %dma_start3A_180 : memref<1x80xi32, #tpu.memory_space<vmem>> -> memref<80xi32, #tpu.memory_space<vmem>>
    %dma_start3A_182 = arith.constant 0 : i32
    %dma_start3A_183 = arith.constant 0 : i32
    %dma_start3A_184 = tpu.memref_slice %arg21[%dma_start3A_182, %dma_start3A_183] : memref<10016x32xf32, #tpu.memory_space<vmem_shared>> -> memref<10016x32xf32, #tpu.memory_space<vmem_shared>>
    tpu.enqueue_indirect_dma source(%arg16 : memref<80x32xf32, #tpu.memory_space<vmem>>) target(%dma_start3A_184 : memref<10016x32xf32, #tpu.memory_space<vmem_shared>>) offsets(%dma_start3A_181 : memref<80xi32, #tpu.memory_space<vmem>>) semaphore(%arg34 : memref<!tpu.dma_semaphore, #tpu.memory_space<semaphore_mem>>) {add = true}
    %dma_start3A_185 = arith.constant 127 : i32
    %dma_start3A_186 = arith.constant 0 : i32
    %dma_start3A_187 = tpu.memref_slice %arg12[%dma_start3A_185, %dma_start3A_186] : memref<128x80xi32, #tpu.memory_space<vmem>> -> memref<1x80xi32, #tpu.memory_space<vmem>>
    %dma_start3A_188 = tpu.memref_squeeze %dma_start3A_187 : memref<1x80xi32, #tpu.memory_space<vmem>> -> memref<80xi32, #tpu.memory_space<vmem>>
    %dma_start3A_189 = arith.constant 0 : i32
    %dma_start3A_190 = arith.constant 0 : i32
    %dma_start3A_191 = tpu.memref_slice %arg22[%dma_start3A_189, %dma_start3A_190] : memref<10016x32xf32, #tpu.memory_space<vmem_shared>> -> memref<10016x32xf32, #tpu.memory_space<vmem_shared>>
    tpu.enqueue_indirect_dma source(%arg20 : memref<80x32xf32, #tpu.memory_space<vmem>>) target(%dma_start3A_191 : memref<10016x32xf32, #tpu.memory_space<vmem_shared>>) offsets(%dma_start3A_188 : memref<80xi32, #tpu.memory_space<vmem>>) semaphore(%arg38 : memref<!tpu.dma_semaphore, #tpu.memory_space<semaphore_mem>>) {add = true}
    %dma_wait3A_192 = arith.constant 0 : i32
    %dma_wait3A_193 = arith.constant 0 : i32
    %dma_wait3A_194 = tpu.memref_slice %arg10[%dma_wait3A_192, %dma_wait3A_193] : memref<128x80xi32, #tpu.memory_space<vmem>> -> memref<1x80xi32, #tpu.memory_space<vmem>>
    %dma_wait3A_195 = tpu.memref_squeeze %dma_wait3A_194 : memref<1x80xi32, #tpu.memory_space<vmem>> -> memref<80xi32, #tpu.memory_space<vmem>>
    %dma_wait3A_196 = arith.constant 0 : i32
    %dma_wait3A_197 = arith.constant 0 : i32
    %dma_wait3A_198 = tpu.memref_slice %arg21[%dma_wait3A_196, %dma_wait3A_197] : memref<10016x32xf32, #tpu.memory_space<vmem_shared>> -> memref<10016x32xf32, #tpu.memory_space<vmem_shared>>
    tpu.wait_indirect_dma semaphore(%arg32 : memref<!tpu.dma_semaphore, #tpu.memory_space<semaphore_mem>>) src(%arg14 : memref<80x32xf32, #tpu.memory_space<vmem>>) dst(%dma_wait3A_198 : memref<10016x32xf32, #tpu.memory_space<vmem_shared>>)
    %dma_wait3A_199 = arith.constant 0 : i32
    %dma_wait3A_200 = arith.constant 0 : i32
    %dma_wait3A_201 = tpu.memref_slice %arg12[%dma_wait3A_199, %dma_wait3A_200] : memref<128x80xi32, #tpu.memory_space<vmem>> -> memref<1x80xi32, #tpu.memory_space<vmem>>
    %dma_wait3A_202 = tpu.memref_squeeze %dma_wait3A_201 : memref<1x80xi32, #tpu.memory_space<vmem>> -> memref<80xi32, #tpu.memory_space<vmem>>
    %dma_wait3A_203 = arith.constant 0 : i32
    %dma_wait3A_204 = arith.constant 0 : i32
    %dma_wait3A_205 = tpu.memref_slice %arg22[%dma_wait3A_203, %dma_wait3A_204] : memref<10016x32xf32, #tpu.memory_space<vmem_shared>> -> memref<10016x32xf32, #tpu.memory_space<vmem_shared>>
    tpu.wait_indirect_dma semaphore(%arg36 : memref<!tpu.dma_semaphore, #tpu.memory_space<semaphore_mem>>) src(%arg18 : memref<80x32xf32, #tpu.memory_space<vmem>>) dst(%dma_wait3A_205 : memref<10016x32xf32, #tpu.memory_space<vmem_shared>>)
    %dma_wait3A_206 = arith.constant 0 : i32
    %dma_wait3A_207 = arith.constant 0 : i32
    %dma_wait3A_208 = tpu.memref_slice %arg10[%dma_wait3A_206, %dma_wait3A_207] : memref<128x80xi32, #tpu.memory_space<vmem>> -> memref<1x80xi32, #tpu.memory_space<vmem>>
    %dma_wait3A_209 = tpu.memref_squeeze %dma_wait3A_208 : memref<1x80xi32, #tpu.memory_space<vmem>> -> memref<80xi32, #tpu.memory_space<vmem>>
    %dma_wait3A_210 = arith.constant 0 : i32
    %dma_wait3A_211 = arith.constant 0 : i32
    %dma_wait3A_212 = tpu.memref_slice %arg21[%dma_wait3A_210, %dma_wait3A_211] : memref<10016x32xf32, #tpu.memory_space<vmem_shared>> -> memref<10016x32xf32, #tpu.memory_space<vmem_shared>>
    tpu.wait_indirect_dma semaphore(%arg33 : memref<!tpu.dma_semaphore, #tpu.memory_space<semaphore_mem>>) src(%arg15 : memref<80x32xf32, #tpu.memory_space<vmem>>) dst(%dma_wait3A_212 : memref<10016x32xf32, #tpu.memory_space<vmem_shared>>)
    %dma_wait3A_213 = arith.constant 0 : i32
    %dma_wait3A_214 = arith.constant 0 : i32
    %dma_wait3A_215 = tpu.memref_slice %arg12[%dma_wait3A_213, %dma_wait3A_214] : memref<128x80xi32, #tpu.memory_space<vmem>> -> memref<1x80xi32, #tpu.memory_space<vmem>>
    %dma_wait3A_216 = tpu.memref_squeeze %dma_wait3A_215 : memref<1x80xi32, #tpu.memory_space<vmem>> -> memref<80xi32, #tpu.memory_space<vmem>>
    %dma_wait3A_217 = arith.constant 0 : i32
    %dma_wait3A_218 = arith.constant 0 : i32
    %dma_wait3A_219 = tpu.memref_slice %arg22[%dma_wait3A_217, %dma_wait3A_218] : memref<10016x32xf32, #tpu.memory_space<vmem_shared>> -> memref<10016x32xf32, #tpu.memory_space<vmem_shared>>
    tpu.wait_indirect_dma semaphore(%arg37 : memref<!tpu.dma_semaphore, #tpu.memory_space<semaphore_mem>>) src(%arg19 : memref<80x32xf32, #tpu.memory_space<vmem>>) dst(%dma_wait3A_219 : memref<10016x32xf32, #tpu.memory_space<vmem_shared>>)
    %dma_wait3A_220 = arith.constant 0 : i32
    %dma_wait3A_221 = arith.constant 0 : i32
    %dma_wait3A_222 = tpu.memref_slice %arg10[%dma_wait3A_220, %dma_wait3A_221] : memref<128x80xi32, #tpu.memory_space<vmem>> -> memref<1x80xi32, #tpu.memory_space<vmem>>
    %dma_wait3A_223 = tpu.memref_squeeze %dma_wait3A_222 : memref<1x80xi32, #tpu.memory_space<vmem>> -> memref<80xi32, #tpu.memory_space<vmem>>
    %dma_wait3A_224 = arith.constant 0 : i32
    %dma_wait3A_225 = arith.constant 0 : i32
    %dma_wait3A_226 = tpu.memref_slice %arg21[%dma_wait3A_224, %dma_wait3A_225] : memref<10016x32xf32, #tpu.memory_space<vmem_shared>> -> memref<10016x32xf32, #tpu.memory_space<vmem_shared>>
    tpu.wait_indirect_dma semaphore(%arg34 : memref<!tpu.dma_semaphore, #tpu.memory_space<semaphore_mem>>) src(%arg16 : memref<80x32xf32, #tpu.memory_space<vmem>>) dst(%dma_wait3A_226 : memref<10016x32xf32, #tpu.memory_space<vmem_shared>>)
    %dma_wait3A_227 = arith.constant 0 : i32
    %dma_wait3A_228 = arith.constant 0 : i32
    %dma_wait3A_229 = tpu.memref_slice %arg12[%dma_wait3A_227, %dma_wait3A_228] : memref<128x80xi32, #tpu.memory_space<vmem>> -> memref<1x80xi32, #tpu.memory_space<vmem>>
    %dma_wait3A_230 = tpu.memref_squeeze %dma_wait3A_229 : memref<1x80xi32, #tpu.memory_space<vmem>> -> memref<80xi32, #tpu.memory_space<vmem>>
    %dma_wait3A_231 = arith.constant 0 : i32
    %dma_wait3A_232 = arith.constant 0 : i32
    %dma_wait3A_233 = tpu.memref_slice %arg22[%dma_wait3A_231, %dma_wait3A_232] : memref<10016x32xf32, #tpu.memory_space<vmem_shared>> -> memref<10016x32xf32, #tpu.memory_space<vmem_shared>>
    tpu.wait_indirect_dma semaphore(%arg38 : memref<!tpu.dma_semaphore, #tpu.memory_space<semaphore_mem>>) src(%arg20 : memref<80x32xf32, #tpu.memory_space<vmem>>) dst(%dma_wait3A_233 : memref<10016x32xf32, #tpu.memory_space<vmem_shared>>)
    %barrier3A_234 = arith.constant 0 : index
    tpu.barrier barrier_id(%barrier3A_234)
    "tpu.region"() ({
      %run_scoped3A_235 = tpu.sem_alloc : memref<!tpu.dma_semaphore, #tpu.memory_space<semaphore_mem>>
      %dma_start3A_236 = arith.constant 0 : i32
      %dma_start3A_237 = tpu.memref_slice %arg7[%arg0, %mul3A_2, %dma_start3A_236] : memref<2x10016x32xf32, #tpu.memory_space<hbm>> -> memref<1x626x32xf32, #tpu.memory_space<hbm>>
      %dma_start3A_238 = tpu.memref_squeeze %dma_start3A_237 : memref<1x626x32xf32, #tpu.memory_space<hbm>> -> memref<626x32xf32, #tpu.memory_space<hbm>>
      %dma_start3A_239 = arith.constant 0 : i32
      %dma_start3A_240 = tpu.memref_slice %arg21[%mul3A_2, %dma_start3A_239] : memref<10016x32xf32, #tpu.memory_space<vmem_shared>> -> memref<626x32xf32, #tpu.memory_space<vmem_shared>>
      tpu.enqueue_dma source(%dma_start3A_240 : memref<626x32xf32, #tpu.memory_space<vmem_shared>>) target(%dma_start3A_238 : memref<626x32xf32, #tpu.memory_space<hbm>>) target_semaphore(%run_scoped3A_235 : memref<!tpu.dma_semaphore, #tpu.memory_space<semaphore_mem>>)
      %dma_wait3A_241 = arith.constant 0 : i32
      %dma_wait3A_242 = tpu.memref_slice %arg7[%arg0, %mul3A_2, %dma_wait3A_241] : memref<2x10016x32xf32, #tpu.memory_space<hbm>> -> memref<1x626x32xf32, #tpu.memory_space<hbm>>
      %dma_wait3A_243 = tpu.memref_squeeze %dma_wait3A_242 : memref<1x626x32xf32, #tpu.memory_space<hbm>> -> memref<626x32xf32, #tpu.memory_space<hbm>>
      %dma_wait3A_244 = arith.constant 0 : i32
      %dma_wait3A_245 = tpu.memref_slice %arg21[%mul3A_2, %dma_wait3A_244] : memref<10016x32xf32, #tpu.memory_space<vmem_shared>> -> memref<626x32xf32, #tpu.memory_space<vmem_shared>>
      tpu.wait_dma2 semaphore(%run_scoped3A_235 : memref<!tpu.dma_semaphore, #tpu.memory_space<semaphore_mem>>) src(%dma_wait3A_245 : memref<626x32xf32, #tpu.memory_space<vmem_shared>>) dst(%dma_wait3A_243 : memref<626x32xf32, #tpu.memory_space<hbm>>)
      tpu.yield
    }) : () -> ()
    "tpu.region"() ({
      %run_scoped3A_235 = tpu.sem_alloc : memref<!tpu.dma_semaphore, #tpu.memory_space<semaphore_mem>>
      %dma_start3A_236 = arith.constant 0 : i32
      %dma_start3A_237 = tpu.memref_slice %arg8[%arg0, %mul3A_2, %dma_start3A_236] : memref<2x10016x32xf32, #tpu.memory_space<hbm>> -> memref<1x626x32xf32, #tpu.memory_space<hbm>>
      %dma_start3A_238 = tpu.memref_squeeze %dma_start3A_237 : memref<1x626x32xf32, #tpu.memory_space<hbm>> -> memref<626x32xf32, #tpu.memory_space<hbm>>
      %dma_start3A_239 = arith.constant 0 : i32
      %dma_start3A_240 = tpu.memref_slice %arg22[%mul3A_2, %dma_start3A_239] : memref<10016x32xf32, #tpu.memory_space<vmem_shared>> -> memref<626x32xf32, #tpu.memory_space<vmem_shared>>
      tpu.enqueue_dma source(%dma_start3A_240 : memref<626x32xf32, #tpu.memory_space<vmem_shared>>) target(%dma_start3A_238 : memref<626x32xf32, #tpu.memory_space<hbm>>) target_semaphore(%run_scoped3A_235 : memref<!tpu.dma_semaphore, #tpu.memory_space<semaphore_mem>>)
      %dma_wait3A_241 = arith.constant 0 : i32
      %dma_wait3A_242 = tpu.memref_slice %arg8[%arg0, %mul3A_2, %dma_wait3A_241] : memref<2x10016x32xf32, #tpu.memory_space<hbm>> -> memref<1x626x32xf32, #tpu.memory_space<hbm>>
      %dma_wait3A_243 = tpu.memref_squeeze %dma_wait3A_242 : memref<1x626x32xf32, #tpu.memory_space<hbm>> -> memref<626x32xf32, #tpu.memory_space<hbm>>
      %dma_wait3A_244 = arith.constant 0 : i32
      %dma_wait3A_245 = tpu.memref_slice %arg22[%mul3A_2, %dma_wait3A_244] : memref<10016x32xf32, #tpu.memory_space<vmem_shared>> -> memref<626x32xf32, #tpu.memory_space<vmem_shared>>
      tpu.wait_dma2 semaphore(%run_scoped3A_235 : memref<!tpu.dma_semaphore, #tpu.memory_space<semaphore_mem>>) src(%dma_wait3A_245 : memref<626x32xf32, #tpu.memory_space<vmem_shared>>) dst(%dma_wait3A_243 : memref<626x32xf32, #tpu.memory_space<hbm>>)
      tpu.yield
    }) : () -> ()
    return
  }
}

#map = affine_map<(d0, d1) -> (0, 0, 0)>
module attributes {stable_mosaic.version = 14 : i64} {
  func.func @_hist_body(%arg0: i32, %arg1: i32, %arg2: memref<2x32x10000xi32, #tpu.memory_space<hbm>>, %arg3: memref<2x32x10000xf32, #tpu.memory_space<hbm>>, %arg4: memref<10000xi32, #tpu.memory_space<vmem>>, %arg5: memref<10000xf32, #tpu.memory_space<vmem>>) attributes {dimension_semantics = [#tpu.dimension_semantics<core_parallel>, #tpu.dimension_semantics<subcore_parallel>], iteration_bounds = array<i64: 2, 16>, scalar_prefetch = 0 : i64, scratch_operands = 2 : i64, tpu.core_type = #tpu.core_type<sc_vector_subcore>, window_params = [{transform_indices = #map}, {transform_indices = #map}]} {
    %mul3A = arith.constant 2 : i32
    %mul3A_0 = arith.muli %arg1, %mul3A : i32
    %add3A = arith.addi %mul3A_0, %arg0 : i32
    %broadcast_in_dim3A = arith.constant 1.000000e+00 : f32
    %broadcast_in_dim3A_1 = vector.broadcast %broadcast_in_dim3A : f32 to vector<16xf32>
    %broadcast_in_dim3A_2 = arith.constant 0.000000e+00 : f32
    %broadcast_in_dim3A_3 = vector.broadcast %broadcast_in_dim3A_2 : f32 to vector<16xf32>
    %run_scoped3A = arith.constant 0 : i32
    "tpu.region"() ({
      %run_scoped3A_34 = tpu.sem_alloc : memref<!tpu.dma_semaphore, #tpu.memory_space<semaphore_mem>>
      %dma_start3A = arith.constant 0 : i32
      %dma_start3A_35 = tpu.memref_slice %arg2[%run_scoped3A, %add3A, %dma_start3A] : memref<2x32x10000xi32, #tpu.memory_space<hbm>> -> memref<1x1x10000xi32, #tpu.memory_space<hbm>>
      %dma_start3A_36 = tpu.memref_squeeze %dma_start3A_35 : memref<1x1x10000xi32, #tpu.memory_space<hbm>> -> memref<10000xi32, #tpu.memory_space<hbm>>
      %dma_start3A_37 = arith.constant 0 : i32
      %dma_start3A_38 = tpu.memref_slice %arg2[%run_scoped3A, %add3A, %dma_start3A_37] : memref<2x32x10000xi32, #tpu.memory_space<hbm>> -> memref<1x1x10000xi32, #tpu.memory_space<hbm>>
      %dma_start3A_39 = tpu.memref_squeeze %dma_start3A_38 : memref<1x1x10000xi32, #tpu.memory_space<hbm>> -> memref<10000xi32, #tpu.memory_space<hbm>>
      tpu.enqueue_dma source(%dma_start3A_39 : memref<10000xi32, #tpu.memory_space<hbm>>) target(%arg4 : memref<10000xi32, #tpu.memory_space<vmem>>) target_semaphore(%run_scoped3A_34 : memref<!tpu.dma_semaphore, #tpu.memory_space<semaphore_mem>>)
      %dma_wait3A = arith.constant 0 : i32
      %dma_wait3A_40 = tpu.memref_slice %arg2[%run_scoped3A, %add3A, %dma_wait3A] : memref<2x32x10000xi32, #tpu.memory_space<hbm>> -> memref<1x1x10000xi32, #tpu.memory_space<hbm>>
      %dma_wait3A_41 = tpu.memref_squeeze %dma_wait3A_40 : memref<1x1x10000xi32, #tpu.memory_space<hbm>> -> memref<10000xi32, #tpu.memory_space<hbm>>
      %dma_wait3A_42 = arith.constant 0 : i32
      %dma_wait3A_43 = tpu.memref_slice %arg2[%run_scoped3A, %add3A, %dma_wait3A_42] : memref<2x32x10000xi32, #tpu.memory_space<hbm>> -> memref<1x1x10000xi32, #tpu.memory_space<hbm>>
      %dma_wait3A_44 = tpu.memref_squeeze %dma_wait3A_43 : memref<1x1x10000xi32, #tpu.memory_space<hbm>> -> memref<10000xi32, #tpu.memory_space<hbm>>
      tpu.wait_dma2 semaphore(%run_scoped3A_34 : memref<!tpu.dma_semaphore, #tpu.memory_space<semaphore_mem>>) src(%dma_wait3A_44 : memref<10000xi32, #tpu.memory_space<hbm>>) dst(%arg4 : memref<10000xi32, #tpu.memory_space<vmem>>)
      tpu.yield
    }) : () -> ()
    %scan3A = arith.constant 0 : i32
    %scan3A_4 = arith.constant 0 : i32
    %scan3A_5 = arith.constant 125 : i32
    %scan3A_6 = arith.addi %scan3A_4, %scan3A_5 : i32
    %scan3A_7 = arith.constant 1 : i32
    %scan3A_8 = scf.for %scan3A_34 = %scan3A_4 to %scan3A_6 step %scan3A_7 iter_args(%scan3A_35 = %scan3A) -> (i32)  : i32 {
      %mul3A_36 = arith.constant 5 : i32
      %mul3A_37 = arith.muli %scan3A_34, %mul3A_36 : i32
      %add3A_38 = arith.constant 0 : i32
      %add3A_39 = arith.addi %mul3A_37, %add3A_38 : i32
      %mul3A_40 = arith.constant 16 : i32
      %mul3A_41 = arith.muli %add3A_39, %mul3A_40 : i32
      %swap3A = arith.index_cast %mul3A_41 : i32 to index
      %swap3A_42 = tpu.vector_load %arg5[%swap3A] {strides = array<i32>} : memref<10000xf32, #tpu.memory_space<vmem>>, vector<16xf32>,
      tpu.vector_store %arg5[%swap3A], %broadcast_in_dim3A_3 {strides = array<i32>} : memref<10000xf32, #tpu.memory_space<vmem>>, vector<16xf32>,
      %mul3A_43 = arith.constant 5 : i32
      %mul3A_44 = arith.muli %scan3A_34, %mul3A_43 : i32
      %add3A_45 = arith.constant 1 : i32
      %add3A_46 = arith.addi %mul3A_44, %add3A_45 : i32
      %mul3A_47 = arith.constant 16 : i32
      %mul3A_48 = arith.muli %add3A_46, %mul3A_47 : i32
      %swap3A_49 = arith.index_cast %mul3A_48 : i32 to index
      %swap3A_50 = tpu.vector_load %arg5[%swap3A_49] {strides = array<i32>} : memref<10000xf32, #tpu.memory_space<vmem>>, vector<16xf32>,
      tpu.vector_store %arg5[%swap3A_49], %broadcast_in_dim3A_3 {strides = array<i32>} : memref<10000xf32, #tpu.memory_space<vmem>>, vector<16xf32>,
      %mul3A_51 = arith.constant 5 : i32
      %mul3A_52 = arith.muli %scan3A_34, %mul3A_51 : i32
      %add3A_53 = arith.constant 2 : i32
      %add3A_54 = arith.addi %mul3A_52, %add3A_53 : i32
      %mul3A_55 = arith.constant 16 : i32
      %mul3A_56 = arith.muli %add3A_54, %mul3A_55 : i32
      %swap3A_57 = arith.index_cast %mul3A_56 : i32 to index
      %swap3A_58 = tpu.vector_load %arg5[%swap3A_57] {strides = array<i32>} : memref<10000xf32, #tpu.memory_space<vmem>>, vector<16xf32>,
      tpu.vector_store %arg5[%swap3A_57], %broadcast_in_dim3A_3 {strides = array<i32>} : memref<10000xf32, #tpu.memory_space<vmem>>, vector<16xf32>,
      %mul3A_59 = arith.constant 5 : i32
      %mul3A_60 = arith.muli %scan3A_34, %mul3A_59 : i32
      %add3A_61 = arith.constant 3 : i32
      %add3A_62 = arith.addi %mul3A_60, %add3A_61 : i32
      %mul3A_63 = arith.constant 16 : i32
      %mul3A_64 = arith.muli %add3A_62, %mul3A_63 : i32
      %swap3A_65 = arith.index_cast %mul3A_64 : i32 to index
      %swap3A_66 = tpu.vector_load %arg5[%swap3A_65] {strides = array<i32>} : memref<10000xf32, #tpu.memory_space<vmem>>, vector<16xf32>,
      tpu.vector_store %arg5[%swap3A_65], %broadcast_in_dim3A_3 {strides = array<i32>} : memref<10000xf32, #tpu.memory_space<vmem>>, vector<16xf32>,
      %mul3A_67 = arith.constant 5 : i32
      %mul3A_68 = arith.muli %scan3A_34, %mul3A_67 : i32
      %add3A_69 = arith.constant 4 : i32
      %add3A_70 = arith.addi %mul3A_68, %add3A_69 : i32
      %mul3A_71 = arith.constant 16 : i32
      %mul3A_72 = arith.muli %add3A_70, %mul3A_71 : i32
      %swap3A_73 = arith.index_cast %mul3A_72 : i32 to index
      %swap3A_74 = tpu.vector_load %arg5[%swap3A_73] {strides = array<i32>} : memref<10000xf32, #tpu.memory_space<vmem>>, vector<16xf32>,
      tpu.vector_store %arg5[%swap3A_73], %broadcast_in_dim3A_3 {strides = array<i32>} : memref<10000xf32, #tpu.memory_space<vmem>>, vector<16xf32>,
      %scan3A_75 = arith.constant 0 : i32
      scf.yield %scan3A_75 : i32
    }
    %scan3A_9 = arith.constant 125 : i32
    %scan3A_10 = arith.constant 0 : i32
    %scan3A_11 = arith.constant 0 : i32
    %scan3A_12 = arith.constant 125 : i32
    %scan3A_13 = arith.addi %scan3A_11, %scan3A_12 : i32
    %scan3A_14 = arith.constant 1 : i32
    %scan3A_15 = scf.for %scan3A_34 = %scan3A_11 to %scan3A_13 step %scan3A_14 iter_args(%scan3A_35 = %scan3A_10) -> (i32)  : i32 {
      %mul3A_36 = arith.constant 5 : i32
      %mul3A_37 = arith.muli %scan3A_34, %mul3A_36 : i32
      %add3A_38 = arith.constant 0 : i32
      %add3A_39 = arith.addi %mul3A_37, %add3A_38 : i32
      %mul3A_40 = arith.constant 16 : i32
      %mul3A_41 = arith.muli %add3A_39, %mul3A_40 : i32
      %get3A = arith.index_cast %mul3A_41 : i32 to index
      %get3A_42 = tpu.vector_load %arg4[%get3A] {strides = array<i32>} : memref<10000xi32, #tpu.memory_space<vmem>>, vector<16xi32>,
      tpu.vector_store_idx %arg5[%get3A_42], %broadcast_in_dim3A_1 {add = true} : memref<10000xf32, #tpu.memory_space<vmem>>[vector<16xi32>], vector<16xf32>,
      %mul3A_43 = arith.constant 5 : i32
      %mul3A_44 = arith.muli %scan3A_34, %mul3A_43 : i32
      %add3A_45 = arith.constant 1 : i32
      %add3A_46 = arith.addi %mul3A_44, %add3A_45 : i32
      %mul3A_47 = arith.constant 16 : i32
      %mul3A_48 = arith.muli %add3A_46, %mul3A_47 : i32
      %get3A_49 = arith.index_cast %mul3A_48 : i32 to index
      %get3A_50 = tpu.vector_load %arg4[%get3A_49] {strides = array<i32>} : memref<10000xi32, #tpu.memory_space<vmem>>, vector<16xi32>,
      tpu.vector_store_idx %arg5[%get3A_50], %broadcast_in_dim3A_1 {add = true} : memref<10000xf32, #tpu.memory_space<vmem>>[vector<16xi32>], vector<16xf32>,
      %mul3A_51 = arith.constant 5 : i32
      %mul3A_52 = arith.muli %scan3A_34, %mul3A_51 : i32
      %add3A_53 = arith.constant 2 : i32
      %add3A_54 = arith.addi %mul3A_52, %add3A_53 : i32
      %mul3A_55 = arith.constant 16 : i32
      %mul3A_56 = arith.muli %add3A_54, %mul3A_55 : i32
      %get3A_57 = arith.index_cast %mul3A_56 : i32 to index
      %get3A_58 = tpu.vector_load %arg4[%get3A_57] {strides = array<i32>} : memref<10000xi32, #tpu.memory_space<vmem>>, vector<16xi32>,
      tpu.vector_store_idx %arg5[%get3A_58], %broadcast_in_dim3A_1 {add = true} : memref<10000xf32, #tpu.memory_space<vmem>>[vector<16xi32>], vector<16xf32>,
      %mul3A_59 = arith.constant 5 : i32
      %mul3A_60 = arith.muli %scan3A_34, %mul3A_59 : i32
      %add3A_61 = arith.constant 3 : i32
      %add3A_62 = arith.addi %mul3A_60, %add3A_61 : i32
      %mul3A_63 = arith.constant 16 : i32
      %mul3A_64 = arith.muli %add3A_62, %mul3A_63 : i32
      %get3A_65 = arith.index_cast %mul3A_64 : i32 to index
      %get3A_66 = tpu.vector_load %arg4[%get3A_65] {strides = array<i32>} : memref<10000xi32, #tpu.memory_space<vmem>>, vector<16xi32>,
      tpu.vector_store_idx %arg5[%get3A_66], %broadcast_in_dim3A_1 {add = true} : memref<10000xf32, #tpu.memory_space<vmem>>[vector<16xi32>], vector<16xf32>,
      %mul3A_67 = arith.constant 5 : i32
      %mul3A_68 = arith.muli %scan3A_34, %mul3A_67 : i32
      %add3A_69 = arith.constant 4 : i32
      %add3A_70 = arith.addi %mul3A_68, %add3A_69 : i32
      %mul3A_71 = arith.constant 16 : i32
      %mul3A_72 = arith.muli %add3A_70, %mul3A_71 : i32
      %get3A_73 = arith.index_cast %mul3A_72 : i32 to index
      %get3A_74 = tpu.vector_load %arg4[%get3A_73] {strides = array<i32>} : memref<10000xi32, #tpu.memory_space<vmem>>, vector<16xi32>,
      tpu.vector_store_idx %arg5[%get3A_74], %broadcast_in_dim3A_1 {add = true} : memref<10000xf32, #tpu.memory_space<vmem>>[vector<16xi32>], vector<16xf32>,
      %scan3A_75 = arith.constant 0 : i32
      scf.yield %scan3A_75 : i32
    }
    %scan3A_16 = arith.constant 125 : i32
    %run_scoped3A_17 = arith.constant 0 : i32
    "tpu.region"() ({
      %run_scoped3A_34 = tpu.sem_alloc : memref<!tpu.dma_semaphore, #tpu.memory_space<semaphore_mem>>
      %dma_start3A = arith.constant 0 : i32
      %dma_start3A_35 = tpu.memref_slice %arg3[%run_scoped3A_17, %add3A, %dma_start3A] : memref<2x32x10000xf32, #tpu.memory_space<hbm>> -> memref<1x1x10000xf32, #tpu.memory_space<hbm>>
      %dma_start3A_36 = tpu.memref_squeeze %dma_start3A_35 : memref<1x1x10000xf32, #tpu.memory_space<hbm>> -> memref<10000xf32, #tpu.memory_space<hbm>>
      %dma_start3A_37 = arith.constant 0 : i32
      %dma_start3A_38 = tpu.memref_slice %arg3[%run_scoped3A_17, %add3A, %dma_start3A_37] : memref<2x32x10000xf32, #tpu.memory_space<hbm>> -> memref<1x1x10000xf32, #tpu.memory_space<hbm>>
      %dma_start3A_39 = tpu.memref_squeeze %dma_start3A_38 : memref<1x1x10000xf32, #tpu.memory_space<hbm>> -> memref<10000xf32, #tpu.memory_space<hbm>>
      tpu.enqueue_dma source(%arg5 : memref<10000xf32, #tpu.memory_space<vmem>>) target(%dma_start3A_39 : memref<10000xf32, #tpu.memory_space<hbm>>) target_semaphore(%run_scoped3A_34 : memref<!tpu.dma_semaphore, #tpu.memory_space<semaphore_mem>>)
      %dma_wait3A = arith.constant 0 : i32
      %dma_wait3A_40 = tpu.memref_slice %arg3[%run_scoped3A_17, %add3A, %dma_wait3A] : memref<2x32x10000xf32, #tpu.memory_space<hbm>> -> memref<1x1x10000xf32, #tpu.memory_space<hbm>>
      %dma_wait3A_41 = tpu.memref_squeeze %dma_wait3A_40 : memref<1x1x10000xf32, #tpu.memory_space<hbm>> -> memref<10000xf32, #tpu.memory_space<hbm>>
      %dma_wait3A_42 = arith.constant 0 : i32
      %dma_wait3A_43 = tpu.memref_slice %arg3[%run_scoped3A_17, %add3A, %dma_wait3A_42] : memref<2x32x10000xf32, #tpu.memory_space<hbm>> -> memref<1x1x10000xf32, #tpu.memory_space<hbm>>
      %dma_wait3A_44 = tpu.memref_squeeze %dma_wait3A_43 : memref<1x1x10000xf32, #tpu.memory_space<hbm>> -> memref<10000xf32, #tpu.memory_space<hbm>>
      tpu.wait_dma2 semaphore(%run_scoped3A_34 : memref<!tpu.dma_semaphore, #tpu.memory_space<semaphore_mem>>) src(%arg5 : memref<10000xf32, #tpu.memory_space<vmem>>) dst(%dma_wait3A_44 : memref<10000xf32, #tpu.memory_space<hbm>>)
      tpu.yield
    }) : () -> ()
    %run_scoped3A_18 = arith.constant 1 : i32
    "tpu.region"() ({
      %run_scoped3A_34 = tpu.sem_alloc : memref<!tpu.dma_semaphore, #tpu.memory_space<semaphore_mem>>
      %dma_start3A = arith.constant 0 : i32
      %dma_start3A_35 = tpu.memref_slice %arg2[%run_scoped3A_18, %add3A, %dma_start3A] : memref<2x32x10000xi32, #tpu.memory_space<hbm>> -> memref<1x1x10000xi32, #tpu.memory_space<hbm>>
      %dma_start3A_36 = tpu.memref_squeeze %dma_start3A_35 : memref<1x1x10000xi32, #tpu.memory_space<hbm>> -> memref<10000xi32, #tpu.memory_space<hbm>>
      %dma_start3A_37 = arith.constant 0 : i32
      %dma_start3A_38 = tpu.memref_slice %arg2[%run_scoped3A_18, %add3A, %dma_start3A_37] : memref<2x32x10000xi32, #tpu.memory_space<hbm>> -> memref<1x1x10000xi32, #tpu.memory_space<hbm>>
      %dma_start3A_39 = tpu.memref_squeeze %dma_start3A_38 : memref<1x1x10000xi32, #tpu.memory_space<hbm>> -> memref<10000xi32, #tpu.memory_space<hbm>>
      tpu.enqueue_dma source(%dma_start3A_39 : memref<10000xi32, #tpu.memory_space<hbm>>) target(%arg4 : memref<10000xi32, #tpu.memory_space<vmem>>) target_semaphore(%run_scoped3A_34 : memref<!tpu.dma_semaphore, #tpu.memory_space<semaphore_mem>>)
      %dma_wait3A = arith.constant 0 : i32
      %dma_wait3A_40 = tpu.memref_slice %arg2[%run_scoped3A_18, %add3A, %dma_wait3A] : memref<2x32x10000xi32, #tpu.memory_space<hbm>> -> memref<1x1x10000xi32, #tpu.memory_space<hbm>>
      %dma_wait3A_41 = tpu.memref_squeeze %dma_wait3A_40 : memref<1x1x10000xi32, #tpu.memory_space<hbm>> -> memref<10000xi32, #tpu.memory_space<hbm>>
      %dma_wait3A_42 = arith.constant 0 : i32
      %dma_wait3A_43 = tpu.memref_slice %arg2[%run_scoped3A_18, %add3A, %dma_wait3A_42] : memref<2x32x10000xi32, #tpu.memory_space<hbm>> -> memref<1x1x10000xi32, #tpu.memory_space<hbm>>
      %dma_wait3A_44 = tpu.memref_squeeze %dma_wait3A_43 : memref<1x1x10000xi32, #tpu.memory_space<hbm>> -> memref<10000xi32, #tpu.memory_space<hbm>>
      tpu.wait_dma2 semaphore(%run_scoped3A_34 : memref<!tpu.dma_semaphore, #tpu.memory_space<semaphore_mem>>) src(%dma_wait3A_44 : memref<10000xi32, #tpu.memory_space<hbm>>) dst(%arg4 : memref<10000xi32, #tpu.memory_space<vmem>>)
      tpu.yield
    }) : () -> ()
    %scan3A_19 = arith.constant 0 : i32
    %scan3A_20 = arith.constant 0 : i32
    %scan3A_21 = arith.constant 125 : i32
    %scan3A_22 = arith.addi %scan3A_20, %scan3A_21 : i32
    %scan3A_23 = arith.constant 1 : i32
    %scan3A_24 = scf.for %scan3A_34 = %scan3A_20 to %scan3A_22 step %scan3A_23 iter_args(%scan3A_35 = %scan3A_19) -> (i32)  : i32 {
      %mul3A_36 = arith.constant 5 : i32
      %mul3A_37 = arith.muli %scan3A_34, %mul3A_36 : i32
      %add3A_38 = arith.constant 0 : i32
      %add3A_39 = arith.addi %mul3A_37, %add3A_38 : i32
      %mul3A_40 = arith.constant 16 : i32
      %mul3A_41 = arith.muli %add3A_39, %mul3A_40 : i32
      %swap3A = arith.index_cast %mul3A_41 : i32 to index
      %swap3A_42 = tpu.vector_load %arg5[%swap3A] {strides = array<i32>} : memref<10000xf32, #tpu.memory_space<vmem>>, vector<16xf32>,
      tpu.vector_store %arg5[%swap3A], %broadcast_in_dim3A_3 {strides = array<i32>} : memref<10000xf32, #tpu.memory_space<vmem>>, vector<16xf32>,
      %mul3A_43 = arith.constant 5 : i32
      %mul3A_44 = arith.muli %scan3A_34, %mul3A_43 : i32
      %add3A_45 = arith.constant 1 : i32
      %add3A_46 = arith.addi %mul3A_44, %add3A_45 : i32
      %mul3A_47 = arith.constant 16 : i32
      %mul3A_48 = arith.muli %add3A_46, %mul3A_47 : i32
      %swap3A_49 = arith.index_cast %mul3A_48 : i32 to index
      %swap3A_50 = tpu.vector_load %arg5[%swap3A_49] {strides = array<i32>} : memref<10000xf32, #tpu.memory_space<vmem>>, vector<16xf32>,
      tpu.vector_store %arg5[%swap3A_49], %broadcast_in_dim3A_3 {strides = array<i32>} : memref<10000xf32, #tpu.memory_space<vmem>>, vector<16xf32>,
      %mul3A_51 = arith.constant 5 : i32
      %mul3A_52 = arith.muli %scan3A_34, %mul3A_51 : i32
      %add3A_53 = arith.constant 2 : i32
      %add3A_54 = arith.addi %mul3A_52, %add3A_53 : i32
      %mul3A_55 = arith.constant 16 : i32
      %mul3A_56 = arith.muli %add3A_54, %mul3A_55 : i32
      %swap3A_57 = arith.index_cast %mul3A_56 : i32 to index
      %swap3A_58 = tpu.vector_load %arg5[%swap3A_57] {strides = array<i32>} : memref<10000xf32, #tpu.memory_space<vmem>>, vector<16xf32>,
      tpu.vector_store %arg5[%swap3A_57], %broadcast_in_dim3A_3 {strides = array<i32>} : memref<10000xf32, #tpu.memory_space<vmem>>, vector<16xf32>,
      %mul3A_59 = arith.constant 5 : i32
      %mul3A_60 = arith.muli %scan3A_34, %mul3A_59 : i32
      %add3A_61 = arith.constant 3 : i32
      %add3A_62 = arith.addi %mul3A_60, %add3A_61 : i32
      %mul3A_63 = arith.constant 16 : i32
      %mul3A_64 = arith.muli %add3A_62, %mul3A_63 : i32
      %swap3A_65 = arith.index_cast %mul3A_64 : i32 to index
      %swap3A_66 = tpu.vector_load %arg5[%swap3A_65] {strides = array<i32>} : memref<10000xf32, #tpu.memory_space<vmem>>, vector<16xf32>,
      tpu.vector_store %arg5[%swap3A_65], %broadcast_in_dim3A_3 {strides = array<i32>} : memref<10000xf32, #tpu.memory_space<vmem>>, vector<16xf32>,
      %mul3A_67 = arith.constant 5 : i32
      %mul3A_68 = arith.muli %scan3A_34, %mul3A_67 : i32
      %add3A_69 = arith.constant 4 : i32
      %add3A_70 = arith.addi %mul3A_68, %add3A_69 : i32
      %mul3A_71 = arith.constant 16 : i32
      %mul3A_72 = arith.muli %add3A_70, %mul3A_71 : i32
      %swap3A_73 = arith.index_cast %mul3A_72 : i32 to index
      %swap3A_74 = tpu.vector_load %arg5[%swap3A_73] {strides = array<i32>} : memref<10000xf32, #tpu.memory_space<vmem>>, vector<16xf32>,
      tpu.vector_store %arg5[%swap3A_73], %broadcast_in_dim3A_3 {strides = array<i32>} : memref<10000xf32, #tpu.memory_space<vmem>>, vector<16xf32>,
      %scan3A_75 = arith.constant 0 : i32
      scf.yield %scan3A_75 : i32
    }
    %scan3A_25 = arith.constant 125 : i32
    %scan3A_26 = arith.constant 0 : i32
    %scan3A_27 = arith.constant 0 : i32
    %scan3A_28 = arith.constant 125 : i32
    %scan3A_29 = arith.addi %scan3A_27, %scan3A_28 : i32
    %scan3A_30 = arith.constant 1 : i32
    %scan3A_31 = scf.for %scan3A_34 = %scan3A_27 to %scan3A_29 step %scan3A_30 iter_args(%scan3A_35 = %scan3A_26) -> (i32)  : i32 {
      %mul3A_36 = arith.constant 5 : i32
      %mul3A_37 = arith.muli %scan3A_34, %mul3A_36 : i32
      %add3A_38 = arith.constant 0 : i32
      %add3A_39 = arith.addi %mul3A_37, %add3A_38 : i32
      %mul3A_40 = arith.constant 16 : i32
      %mul3A_41 = arith.muli %add3A_39, %mul3A_40 : i32
      %get3A = arith.index_cast %mul3A_41 : i32 to index
      %get3A_42 = tpu.vector_load %arg4[%get3A] {strides = array<i32>} : memref<10000xi32, #tpu.memory_space<vmem>>, vector<16xi32>,
      tpu.vector_store_idx %arg5[%get3A_42], %broadcast_in_dim3A_1 {add = true} : memref<10000xf32, #tpu.memory_space<vmem>>[vector<16xi32>], vector<16xf32>,
      %mul3A_43 = arith.constant 5 : i32
      %mul3A_44 = arith.muli %scan3A_34, %mul3A_43 : i32
      %add3A_45 = arith.constant 1 : i32
      %add3A_46 = arith.addi %mul3A_44, %add3A_45 : i32
      %mul3A_47 = arith.constant 16 : i32
      %mul3A_48 = arith.muli %add3A_46, %mul3A_47 : i32
      %get3A_49 = arith.index_cast %mul3A_48 : i32 to index
      %get3A_50 = tpu.vector_load %arg4[%get3A_49] {strides = array<i32>} : memref<10000xi32, #tpu.memory_space<vmem>>, vector<16xi32>,
      tpu.vector_store_idx %arg5[%get3A_50], %broadcast_in_dim3A_1 {add = true} : memref<10000xf32, #tpu.memory_space<vmem>>[vector<16xi32>], vector<16xf32>,
      %mul3A_51 = arith.constant 5 : i32
      %mul3A_52 = arith.muli %scan3A_34, %mul3A_51 : i32
      %add3A_53 = arith.constant 2 : i32
      %add3A_54 = arith.addi %mul3A_52, %add3A_53 : i32
      %mul3A_55 = arith.constant 16 : i32
      %mul3A_56 = arith.muli %add3A_54, %mul3A_55 : i32
      %get3A_57 = arith.index_cast %mul3A_56 : i32 to index
      %get3A_58 = tpu.vector_load %arg4[%get3A_57] {strides = array<i32>} : memref<10000xi32, #tpu.memory_space<vmem>>, vector<16xi32>,
      tpu.vector_store_idx %arg5[%get3A_58], %broadcast_in_dim3A_1 {add = true} : memref<10000xf32, #tpu.memory_space<vmem>>[vector<16xi32>], vector<16xf32>,
      %mul3A_59 = arith.constant 5 : i32
      %mul3A_60 = arith.muli %scan3A_34, %mul3A_59 : i32
      %add3A_61 = arith.constant 3 : i32
      %add3A_62 = arith.addi %mul3A_60, %add3A_61 : i32
      %mul3A_63 = arith.constant 16 : i32
      %mul3A_64 = arith.muli %add3A_62, %mul3A_63 : i32
      %get3A_65 = arith.index_cast %mul3A_64 : i32 to index
      %get3A_66 = tpu.vector_load %arg4[%get3A_65] {strides = array<i32>} : memref<10000xi32, #tpu.memory_space<vmem>>, vector<16xi32>,
      tpu.vector_store_idx %arg5[%get3A_66], %broadcast_in_dim3A_1 {add = true} : memref<10000xf32, #tpu.memory_space<vmem>>[vector<16xi32>], vector<16xf32>,
      %mul3A_67 = arith.constant 5 : i32
      %mul3A_68 = arith.muli %scan3A_34, %mul3A_67 : i32
      %add3A_69 = arith.constant 4 : i32
      %add3A_70 = arith.addi %mul3A_68, %add3A_69 : i32
      %mul3A_71 = arith.constant 16 : i32
      %mul3A_72 = arith.muli %add3A_70, %mul3A_71 : i32
      %get3A_73 = arith.index_cast %mul3A_72 : i32 to index
      %get3A_74 = tpu.vector_load %arg4[%get3A_73] {strides = array<i32>} : memref<10000xi32, #tpu.memory_space<vmem>>, vector<16xi32>,
      tpu.vector_store_idx %arg5[%get3A_74], %broadcast_in_dim3A_1 {add = true} : memref<10000xf32, #tpu.memory_space<vmem>>[vector<16xi32>], vector<16xf32>,
      %scan3A_75 = arith.constant 0 : i32
      scf.yield %scan3A_75 : i32
    }
    %scan3A_32 = arith.constant 125 : i32
    %run_scoped3A_33 = arith.constant 1 : i32
    "tpu.region"() ({
      %run_scoped3A_34 = tpu.sem_alloc : memref<!tpu.dma_semaphore, #tpu.memory_space<semaphore_mem>>
      %dma_start3A = arith.constant 0 : i32
      %dma_start3A_35 = tpu.memref_slice %arg3[%run_scoped3A_33, %add3A, %dma_start3A] : memref<2x32x10000xf32, #tpu.memory_space<hbm>> -> memref<1x1x10000xf32, #tpu.memory_space<hbm>>
      %dma_start3A_36 = tpu.memref_squeeze %dma_start3A_35 : memref<1x1x10000xf32, #tpu.memory_space<hbm>> -> memref<10000xf32, #tpu.memory_space<hbm>>
      %dma_start3A_37 = arith.constant 0 : i32
      %dma_start3A_38 = tpu.memref_slice %arg3[%run_scoped3A_33, %add3A, %dma_start3A_37] : memref<2x32x10000xf32, #tpu.memory_space<hbm>> -> memref<1x1x10000xf32, #tpu.memory_space<hbm>>
      %dma_start3A_39 = tpu.memref_squeeze %dma_start3A_38 : memref<1x1x10000xf32, #tpu.memory_space<hbm>> -> memref<10000xf32, #tpu.memory_space<hbm>>
      tpu.enqueue_dma source(%arg5 : memref<10000xf32, #tpu.memory_space<vmem>>) target(%dma_start3A_39 : memref<10000xf32, #tpu.memory_space<hbm>>) target_semaphore(%run_scoped3A_34 : memref<!tpu.dma_semaphore, #tpu.memory_space<semaphore_mem>>)
      %dma_wait3A = arith.constant 0 : i32
      %dma_wait3A_40 = tpu.memref_slice %arg3[%run_scoped3A_33, %add3A, %dma_wait3A] : memref<2x32x10000xf32, #tpu.memory_space<hbm>> -> memref<1x1x10000xf32, #tpu.memory_space<hbm>>
      %dma_wait3A_41 = tpu.memref_squeeze %dma_wait3A_40 : memref<1x1x10000xf32, #tpu.memory_space<hbm>> -> memref<10000xf32, #tpu.memory_space<hbm>>
      %dma_wait3A_42 = arith.constant 0 : i32
      %dma_wait3A_43 = tpu.memref_slice %arg3[%run_scoped3A_33, %add3A, %dma_wait3A_42] : memref<2x32x10000xf32, #tpu.memory_space<hbm>> -> memref<1x1x10000xf32, #tpu.memory_space<hbm>>
      %dma_wait3A_44 = tpu.memref_squeeze %dma_wait3A_43 : memref<1x1x10000xf32, #tpu.memory_space<hbm>> -> memref<10000xf32, #tpu.memory_space<hbm>>
      tpu.wait_dma2 semaphore(%run_scoped3A_34 : memref<!tpu.dma_semaphore, #tpu.memory_space<semaphore_mem>>) src(%arg5 : memref<10000xf32, #tpu.memory_space<vmem>>) dst(%dma_wait3A_44 : memref<10000xf32, #tpu.memory_space<hbm>>)
      tpu.yield
    }) : () -> ()
    return
  }
}

#map = affine_map<(d0, d1) -> (0, 0)>
#map1 = affine_map<(d0, d1) -> (0, 0, 0, 0)>
#map2 = affine_map<(d0, d1) -> (0, 0, 0)>
module attributes {stable_mosaic.version = 14 : i64} {
  func.func @_agg_body(%arg0: i32, %arg1: i32, %arg2: memref<10008x32xf32, #tpu.memory_space<hbm>>, %arg3: memref<10008x32xf32, #tpu.memory_space<hbm>>, %arg4: memref<2x32x128x80xi32, #tpu.memory_space<hbm>>, %arg5: memref<2x32x128x80xi32, #tpu.memory_space<hbm>>, %arg6: memref<626x32xf32, #tpu.memory_space<hbm>>, %arg7: memref<2x10016x32xf32, #tpu.memory_space<hbm>>, %arg8: memref<2x10016x32xf32, #tpu.memory_space<hbm>>, %arg9: memref<128x80xi32, #tpu.memory_space<vmem>>, %arg10: memref<128x80xi32, #tpu.memory_space<vmem>>, %arg11: memref<128x80xi32, #tpu.memory_space<vmem>>, %arg12: memref<128x80xi32, #tpu.memory_space<vmem>>, %arg13: memref<80x32xf32, #tpu.memory_space<vmem>>, %arg14: memref<80x32xf32, #tpu.memory_space<vmem>>, %arg15: memref<80x32xf32, #tpu.memory_space<vmem>>, %arg16: memref<80x32xf32, #tpu.memory_space<vmem>>, %arg17: memref<80x32xf32, #tpu.memory_space<vmem>>, %arg18: memref<80x32xf32, #tpu.memory_space<vmem>>, %arg19: memref<80x32xf32, #tpu.memory_space<vmem>>, %arg20: memref<80x32xf32, #tpu.memory_space<vmem>>, %arg21: memref<10016x32xf32, #tpu.memory_space<vmem_shared>>, %arg22: memref<10016x32xf32, #tpu.memory_space<vmem_shared>>, %arg23: memref<!tpu.dma_semaphore, #tpu.memory_space<semaphore_mem>>, %arg24: memref<!tpu.dma_semaphore, #tpu.memory_space<semaphore_mem>>, %arg25: memref<!tpu.dma_semaphore, #tpu.memory_space<semaphore_mem>>, %arg26: memref<!tpu.dma_semaphore, #tpu.memory_space<semaphore_mem>>, %arg27: memref<!tpu.dma_semaphore, #tpu.memory_space<semaphore_mem>>, %arg28: memref<!tpu.dma_semaphore, #tpu.memory_space<semaphore_mem>>, %arg29: memref<!tpu.dma_semaphore, #tpu.memory_space<semaphore_mem>>, %arg30: memref<!tpu.dma_semaphore, #tpu.memory_space<semaphore_mem>>, %arg31: memref<!tpu.dma_semaphore, #tpu.memory_space<semaphore_mem>>, %arg32: memref<!tpu.dma_semaphore, #tpu.memory_space<semaphore_mem>>, %arg33: memref<!tpu.dma_semaphore, #tpu.memory_space<semaphore_mem>>, %arg34: memref<!tpu.dma_semaphore, #tpu.memory_space<semaphore_mem>>, %arg35: memref<!tpu.dma_semaphore, #tpu.memory_space<semaphore_mem>>, %arg36: memref<!tpu.dma_semaphore, #tpu.memory_space<semaphore_mem>>, %arg37: memref<!tpu.dma_semaphore, #tpu.memory_space<semaphore_mem>>, %arg38: memref<!tpu.dma_semaphore, #tpu.memory_space<semaphore_mem>>) attributes {dimension_semantics = [#tpu.dimension_semantics<core_parallel>, #tpu.dimension_semantics<subcore_parallel>], iteration_bounds = array<i64: 2, 16>, scalar_prefetch = 0 : i64, scratch_operands = 30 : i64, tpu.core_type = #tpu.core_type<sc_vector_subcore>, window_params = [{transform_indices = #map}, {transform_indices = #map}, {transform_indices = #map1}, {transform_indices = #map1}, {transform_indices = #map}, {transform_indices = #map2}, {transform_indices = #map2}]} {
    %mul3A = arith.constant 2 : i32
    %mul3A_0 = arith.muli %arg1, %mul3A : i32
    %add3A = arith.addi %mul3A_0, %arg0 : i32
    %mul3A_1 = arith.constant 626 : i32
    %mul3A_2 = arith.muli %arg1, %mul3A_1 : i32
    "tpu.region"() ({
      %run_scoped3A_235 = tpu.sem_alloc : memref<!tpu.dma_semaphore, #tpu.memory_space<semaphore_mem>>
      %dma_start3A_236 = arith.constant 0 : i32
      %dma_start3A_237 = tpu.memref_slice %arg21[%mul3A_2, %dma_start3A_236] : memref<10016x32xf32, #tpu.memory_space<vmem_shared>> -> memref<626x32xf32, #tpu.memory_space<vmem_shared>>
      tpu.enqueue_dma source(%arg6 : memref<626x32xf32, #tpu.memory_space<hbm>>) target(%dma_start3A_237 : memref<626x32xf32, #tpu.memory_space<vmem_shared>>) target_semaphore(%run_scoped3A_235 : memref<!tpu.dma_semaphore, #tpu.memory_space<semaphore_mem>>)
      %dma_wait3A_238 = arith.constant 0 : i32
      %dma_wait3A_239 = tpu.memref_slice %arg21[%mul3A_2, %dma_wait3A_238] : memref<10016x32xf32, #tpu.memory_space<vmem_shared>> -> memref<626x32xf32, #tpu.memory_space<vmem_shared>>
      tpu.wait_dma2 semaphore(%run_scoped3A_235 : memref<!tpu.dma_semaphore, #tpu.memory_space<semaphore_mem>>) src(%arg6 : memref<626x32xf32, #tpu.memory_space<hbm>>) dst(%dma_wait3A_239 : memref<626x32xf32, #tpu.memory_space<vmem_shared>>)
      tpu.yield
    }) : () -> ()
    "tpu.region"() ({
      %run_scoped3A_235 = tpu.sem_alloc : memref<!tpu.dma_semaphore, #tpu.memory_space<semaphore_mem>>
      %dma_start3A_236 = arith.constant 0 : i32
      %dma_start3A_237 = tpu.memref_slice %arg22[%mul3A_2, %dma_start3A_236] : memref<10016x32xf32, #tpu.memory_space<vmem_shared>> -> memref<626x32xf32, #tpu.memory_space<vmem_shared>>
      tpu.enqueue_dma source(%arg6 : memref<626x32xf32, #tpu.memory_space<hbm>>) target(%dma_start3A_237 : memref<626x32xf32, #tpu.memory_space<vmem_shared>>) target_semaphore(%run_scoped3A_235 : memref<!tpu.dma_semaphore, #tpu.memory_space<semaphore_mem>>)
      %dma_wait3A_238 = arith.constant 0 : i32
      %dma_wait3A_239 = tpu.memref_slice %arg22[%mul3A_2, %dma_wait3A_238] : memref<10016x32xf32, #tpu.memory_space<vmem_shared>> -> memref<626x32xf32, #tpu.memory_space<vmem_shared>>
      tpu.wait_dma2 semaphore(%run_scoped3A_235 : memref<!tpu.dma_semaphore, #tpu.memory_space<semaphore_mem>>) src(%arg6 : memref<626x32xf32, #tpu.memory_space<hbm>>) dst(%dma_wait3A_239 : memref<626x32xf32, #tpu.memory_space<vmem_shared>>)
      tpu.yield
    }) : () -> ()
    %run_scoped3A = arith.constant 0 : i32
    "tpu.region"() ({
      %run_scoped3A_235 = tpu.sem_alloc : memref<!tpu.dma_semaphore, #tpu.memory_space<semaphore_mem>>
      %dma_start3A_236 = arith.constant 0 : i32
      %dma_start3A_237 = arith.constant 0 : i32
      %dma_start3A_238 = tpu.memref_slice %arg4[%run_scoped3A, %add3A, %dma_start3A_236, %dma_start3A_237] : memref<2x32x128x80xi32, #tpu.memory_space<hbm>> -> memref<1x1x128x80xi32, #tpu.memory_space<hbm>>
      %dma_start3A_239 = tpu.memref_squeeze %dma_start3A_238 : memref<1x1x128x80xi32, #tpu.memory_space<hbm>> -> memref<128x80xi32, #tpu.memory_space<hbm>>
      %dma_start3A_240 = arith.constant 0 : i32
      %dma_start3A_241 = arith.constant 0 : i32
      %dma_start3A_242 = tpu.memref_slice %arg4[%run_scoped3A, %add3A, %dma_start3A_240, %dma_start3A_241] : memref<2x32x128x80xi32, #tpu.memory_space<hbm>> -> memref<1x1x128x80xi32, #tpu.memory_space<hbm>>
      %dma_start3A_243 = tpu.memref_squeeze %dma_start3A_242 : memref<1x1x128x80xi32, #tpu.memory_space<hbm>> -> memref<128x80xi32, #tpu.memory_space<hbm>>
      tpu.enqueue_dma source(%dma_start3A_243 : memref<128x80xi32, #tpu.memory_space<hbm>>) target(%arg9 : memref<128x80xi32, #tpu.memory_space<vmem>>) target_semaphore(%run_scoped3A_235 : memref<!tpu.dma_semaphore, #tpu.memory_space<semaphore_mem>>)
      %dma_wait3A_244 = arith.constant 0 : i32
      %dma_wait3A_245 = arith.constant 0 : i32
      %dma_wait3A_246 = tpu.memref_slice %arg4[%run_scoped3A, %add3A, %dma_wait3A_244, %dma_wait3A_245] : memref<2x32x128x80xi32, #tpu.memory_space<hbm>> -> memref<1x1x128x80xi32, #tpu.memory_space<hbm>>
      %dma_wait3A_247 = tpu.memref_squeeze %dma_wait3A_246 : memref<1x1x128x80xi32, #tpu.memory_space<hbm>> -> memref<128x80xi32, #tpu.memory_space<hbm>>
      %dma_wait3A_248 = arith.constant 0 : i32
      %dma_wait3A_249 = arith.constant 0 : i32
      %dma_wait3A_250 = tpu.memref_slice %arg4[%run_scoped3A, %add3A, %dma_wait3A_248, %dma_wait3A_249] : memref<2x32x128x80xi32, #tpu.memory_space<hbm>> -> memref<1x1x128x80xi32, #tpu.memory_space<hbm>>
      %dma_wait3A_251 = tpu.memref_squeeze %dma_wait3A_250 : memref<1x1x128x80xi32, #tpu.memory_space<hbm>> -> memref<128x80xi32, #tpu.memory_space<hbm>>
      tpu.wait_dma2 semaphore(%run_scoped3A_235 : memref<!tpu.dma_semaphore, #tpu.memory_space<semaphore_mem>>) src(%dma_wait3A_251 : memref<128x80xi32, #tpu.memory_space<hbm>>) dst(%arg9 : memref<128x80xi32, #tpu.memory_space<vmem>>)
      tpu.yield
    }) : () -> ()
    %run_scoped3A_3 = arith.constant 1 : i32
    "tpu.region"() ({
      %run_scoped3A_235 = tpu.sem_alloc : memref<!tpu.dma_semaphore, #tpu.memory_space<semaphore_mem>>
      %dma_start3A_236 = arith.constant 0 : i32
      %dma_start3A_237 = arith.constant 0 : i32
      %dma_start3A_238 = tpu.memref_slice %arg4[%run_scoped3A_3, %add3A, %dma_start3A_236, %dma_start3A_237] : memref<2x32x128x80xi32, #tpu.memory_space<hbm>> -> memref<1x1x128x80xi32, #tpu.memory_space<hbm>>
      %dma_start3A_239 = tpu.memref_squeeze %dma_start3A_238 : memref<1x1x128x80xi32, #tpu.memory_space<hbm>> -> memref<128x80xi32, #tpu.memory_space<hbm>>
      %dma_start3A_240 = arith.constant 0 : i32
      %dma_start3A_241 = arith.constant 0 : i32
      %dma_start3A_242 = tpu.memref_slice %arg4[%run_scoped3A_3, %add3A, %dma_start3A_240, %dma_start3A_241] : memref<2x32x128x80xi32, #tpu.memory_space<hbm>> -> memref<1x1x128x80xi32, #tpu.memory_space<hbm>>
      %dma_start3A_243 = tpu.memref_squeeze %dma_start3A_242 : memref<1x1x128x80xi32, #tpu.memory_space<hbm>> -> memref<128x80xi32, #tpu.memory_space<hbm>>
      tpu.enqueue_dma source(%dma_start3A_243 : memref<128x80xi32, #tpu.memory_space<hbm>>) target(%arg10 : memref<128x80xi32, #tpu.memory_space<vmem>>) target_semaphore(%run_scoped3A_235 : memref<!tpu.dma_semaphore, #tpu.memory_space<semaphore_mem>>)
      %dma_wait3A_244 = arith.constant 0 : i32
      %dma_wait3A_245 = arith.constant 0 : i32
      %dma_wait3A_246 = tpu.memref_slice %arg4[%run_scoped3A_3, %add3A, %dma_wait3A_244, %dma_wait3A_245] : memref<2x32x128x80xi32, #tpu.memory_space<hbm>> -> memref<1x1x128x80xi32, #tpu.memory_space<hbm>>
      %dma_wait3A_247 = tpu.memref_squeeze %dma_wait3A_246 : memref<1x1x128x80xi32, #tpu.memory_space<hbm>> -> memref<128x80xi32, #tpu.memory_space<hbm>>
      %dma_wait3A_248 = arith.constant 0 : i32
      %dma_wait3A_249 = arith.constant 0 : i32
      %dma_wait3A_250 = tpu.memref_slice %arg4[%run_scoped3A_3, %add3A, %dma_wait3A_248, %dma_wait3A_249] : memref<2x32x128x80xi32, #tpu.memory_space<hbm>> -> memref<1x1x128x80xi32, #tpu.memory_space<hbm>>
      %dma_wait3A_251 = tpu.memref_squeeze %dma_wait3A_250 : memref<1x1x128x80xi32, #tpu.memory_space<hbm>> -> memref<128x80xi32, #tpu.memory_space<hbm>>
      tpu.wait_dma2 semaphore(%run_scoped3A_235 : memref<!tpu.dma_semaphore, #tpu.memory_space<semaphore_mem>>) src(%dma_wait3A_251 : memref<128x80xi32, #tpu.memory_space<hbm>>) dst(%arg10 : memref<128x80xi32, #tpu.memory_space<vmem>>)
      tpu.yield
    }) : () -> ()
    %run_scoped3A_4 = arith.constant 0 : i32
    "tpu.region"() ({
      %run_scoped3A_235 = tpu.sem_alloc : memref<!tpu.dma_semaphore, #tpu.memory_space<semaphore_mem>>
      %dma_start3A_236 = arith.constant 0 : i32
      %dma_start3A_237 = arith.constant 0 : i32
      %dma_start3A_238 = tpu.memref_slice %arg5[%run_scoped3A_4, %add3A, %dma_start3A_236, %dma_start3A_237] : memref<2x32x128x80xi32, #tpu.memory_space<hbm>> -> memref<1x1x128x80xi32, #tpu.memory_space<hbm>>
      %dma_start3A_239 = tpu.memref_squeeze %dma_start3A_238 : memref<1x1x128x80xi32, #tpu.memory_space<hbm>> -> memref<128x80xi32, #tpu.memory_space<hbm>>
      %dma_start3A_240 = arith.constant 0 : i32
      %dma_start3A_241 = arith.constant 0 : i32
      %dma_start3A_242 = tpu.memref_slice %arg5[%run_scoped3A_4, %add3A, %dma_start3A_240, %dma_start3A_241] : memref<2x32x128x80xi32, #tpu.memory_space<hbm>> -> memref<1x1x128x80xi32, #tpu.memory_space<hbm>>
      %dma_start3A_243 = tpu.memref_squeeze %dma_start3A_242 : memref<1x1x128x80xi32, #tpu.memory_space<hbm>> -> memref<128x80xi32, #tpu.memory_space<hbm>>
      tpu.enqueue_dma source(%dma_start3A_243 : memref<128x80xi32, #tpu.memory_space<hbm>>) target(%arg11 : memref<128x80xi32, #tpu.memory_space<vmem>>) target_semaphore(%run_scoped3A_235 : memref<!tpu.dma_semaphore, #tpu.memory_space<semaphore_mem>>)
      %dma_wait3A_244 = arith.constant 0 : i32
      %dma_wait3A_245 = arith.constant 0 : i32
      %dma_wait3A_246 = tpu.memref_slice %arg5[%run_scoped3A_4, %add3A, %dma_wait3A_244, %dma_wait3A_245] : memref<2x32x128x80xi32, #tpu.memory_space<hbm>> -> memref<1x1x128x80xi32, #tpu.memory_space<hbm>>
      %dma_wait3A_247 = tpu.memref_squeeze %dma_wait3A_246 : memref<1x1x128x80xi32, #tpu.memory_space<hbm>> -> memref<128x80xi32, #tpu.memory_space<hbm>>
      %dma_wait3A_248 = arith.constant 0 : i32
      %dma_wait3A_249 = arith.constant 0 : i32
      %dma_wait3A_250 = tpu.memref_slice %arg5[%run_scoped3A_4, %add3A, %dma_wait3A_248, %dma_wait3A_249] : memref<2x32x128x80xi32, #tpu.memory_space<hbm>> -> memref<1x1x128x80xi32, #tpu.memory_space<hbm>>
      %dma_wait3A_251 = tpu.memref_squeeze %dma_wait3A_250 : memref<1x1x128x80xi32, #tpu.memory_space<hbm>> -> memref<128x80xi32, #tpu.memory_space<hbm>>
      tpu.wait_dma2 semaphore(%run_scoped3A_235 : memref<!tpu.dma_semaphore, #tpu.memory_space<semaphore_mem>>) src(%dma_wait3A_251 : memref<128x80xi32, #tpu.memory_space<hbm>>) dst(%arg11 : memref<128x80xi32, #tpu.memory_space<vmem>>)
      tpu.yield
    }) : () -> ()
    %run_scoped3A_5 = arith.constant 1 : i32
    "tpu.region"() ({
      %run_scoped3A_235 = tpu.sem_alloc : memref<!tpu.dma_semaphore, #tpu.memory_space<semaphore_mem>>
      %dma_start3A_236 = arith.constant 0 : i32
      %dma_start3A_237 = arith.constant 0 : i32
      %dma_start3A_238 = tpu.memref_slice %arg5[%run_scoped3A_5, %add3A, %dma_start3A_236, %dma_start3A_237] : memref<2x32x128x80xi32, #tpu.memory_space<hbm>> -> memref<1x1x128x80xi32, #tpu.memory_space<hbm>>
      %dma_start3A_239 = tpu.memref_squeeze %dma_start3A_238 : memref<1x1x128x80xi32, #tpu.memory_space<hbm>> -> memref<128x80xi32, #tpu.memory_space<hbm>>
      %dma_start3A_240 = arith.constant 0 : i32
      %dma_start3A_241 = arith.constant 0 : i32
      %dma_start3A_242 = tpu.memref_slice %arg5[%run_scoped3A_5, %add3A, %dma_start3A_240, %dma_start3A_241] : memref<2x32x128x80xi32, #tpu.memory_space<hbm>> -> memref<1x1x128x80xi32, #tpu.memory_space<hbm>>
      %dma_start3A_243 = tpu.memref_squeeze %dma_start3A_242 : memref<1x1x128x80xi32, #tpu.memory_space<hbm>> -> memref<128x80xi32, #tpu.memory_space<hbm>>
      tpu.enqueue_dma source(%dma_start3A_243 : memref<128x80xi32, #tpu.memory_space<hbm>>) target(%arg12 : memref<128x80xi32, #tpu.memory_space<vmem>>) target_semaphore(%run_scoped3A_235 : memref<!tpu.dma_semaphore, #tpu.memory_space<semaphore_mem>>)
      %dma_wait3A_244 = arith.constant 0 : i32
      %dma_wait3A_245 = arith.constant 0 : i32
      %dma_wait3A_246 = tpu.memref_slice %arg5[%run_scoped3A_5, %add3A, %dma_wait3A_244, %dma_wait3A_245] : memref<2x32x128x80xi32, #tpu.memory_space<hbm>> -> memref<1x1x128x80xi32, #tpu.memory_space<hbm>>
      %dma_wait3A_247 = tpu.memref_squeeze %dma_wait3A_246 : memref<1x1x128x80xi32, #tpu.memory_space<hbm>> -> memref<128x80xi32, #tpu.memory_space<hbm>>
      %dma_wait3A_248 = arith.constant 0 : i32
      %dma_wait3A_249 = arith.constant 0 : i32
      %dma_wait3A_250 = tpu.memref_slice %arg5[%run_scoped3A_5, %add3A, %dma_wait3A_248, %dma_wait3A_249] : memref<2x32x128x80xi32, #tpu.memory_space<hbm>> -> memref<1x1x128x80xi32, #tpu.memory_space<hbm>>
      %dma_wait3A_251 = tpu.memref_squeeze %dma_wait3A_250 : memref<1x1x128x80xi32, #tpu.memory_space<hbm>> -> memref<128x80xi32, #tpu.memory_space<hbm>>
      tpu.wait_dma2 semaphore(%run_scoped3A_235 : memref<!tpu.dma_semaphore, #tpu.memory_space<semaphore_mem>>) src(%dma_wait3A_251 : memref<128x80xi32, #tpu.memory_space<hbm>>) dst(%arg12 : memref<128x80xi32, #tpu.memory_space<vmem>>)
      tpu.yield
    }) : () -> ()
    %barrier3A = arith.constant 0 : index
    tpu.barrier barrier_id(%barrier3A)
    %dma_start3A = arith.constant 0 : i32
    %dma_start3A_6 = arith.constant 0 : i32
    %dma_start3A_7 = tpu.memref_slice %arg9[%dma_start3A, %dma_start3A_6] : memref<128x80xi32, #tpu.memory_space<vmem>> -> memref<1x80xi32, #tpu.memory_space<vmem>>
    %dma_start3A_8 = tpu.memref_squeeze %dma_start3A_7 : memref<1x80xi32, #tpu.memory_space<vmem>> -> memref<80xi32, #tpu.memory_space<vmem>>
    %dma_start3A_9 = arith.constant 0 : i32
    %dma_start3A_10 = arith.constant 0 : i32
    %dma_start3A_11 = tpu.memref_slice %arg2[%dma_start3A_9, %dma_start3A_10] : memref<10008x32xf32, #tpu.memory_space<hbm>> -> memref<10008x32xf32, #tpu.memory_space<hbm>>
    tpu.enqueue_indirect_dma source(%dma_start3A_11 : memref<10008x32xf32, #tpu.memory_space<hbm>>) target(%arg13 : memref<80x32xf32, #tpu.memory_space<vmem>>) offsets(%dma_start3A_8 : memref<80xi32, #tpu.memory_space<vmem>>) semaphore(%arg23 : memref<!tpu.dma_semaphore, #tpu.memory_space<semaphore_mem>>)
    %dma_start3A_12 = arith.constant 0 : i32
    %dma_start3A_13 = arith.constant 0 : i32
    %dma_start3A_14 = tpu.memref_slice %arg11[%dma_start3A_12, %dma_start3A_13] : memref<128x80xi32, #tpu.memory_space<vmem>> -> memref<1x80xi32, #tpu.memory_space<vmem>>
    %dma_start3A_15 = tpu.memref_squeeze %dma_start3A_14 : memref<1x80xi32, #tpu.memory_space<vmem>> -> memref<80xi32, #tpu.memory_space<vmem>>
    %dma_start3A_16 = arith.constant 0 : i32
    %dma_start3A_17 = arith.constant 0 : i32
    %dma_start3A_18 = tpu.memref_slice %arg3[%dma_start3A_16, %dma_start3A_17] : memref<10008x32xf32, #tpu.memory_space<hbm>> -> memref<10008x32xf32, #tpu.memory_space<hbm>>
    tpu.enqueue_indirect_dma source(%dma_start3A_18 : memref<10008x32xf32, #tpu.memory_space<hbm>>) target(%arg17 : memref<80x32xf32, #tpu.memory_space<vmem>>) offsets(%dma_start3A_15 : memref<80xi32, #tpu.memory_space<vmem>>) semaphore(%arg27 : memref<!tpu.dma_semaphore, #tpu.memory_space<semaphore_mem>>)
    %dma_start3A_19 = arith.constant 1 : i32
    %dma_start3A_20 = arith.constant 0 : i32
    %dma_start3A_21 = tpu.memref_slice %arg9[%dma_start3A_19, %dma_start3A_20] : memref<128x80xi32, #tpu.memory_space<vmem>> -> memref<1x80xi32, #tpu.memory_space<vmem>>
    %dma_start3A_22 = tpu.memref_squeeze %dma_start3A_21 : memref<1x80xi32, #tpu.memory_space<vmem>> -> memref<80xi32, #tpu.memory_space<vmem>>
    %dma_start3A_23 = arith.constant 0 : i32
    %dma_start3A_24 = arith.constant 0 : i32
    %dma_start3A_25 = tpu.memref_slice %arg2[%dma_start3A_23, %dma_start3A_24] : memref<10008x32xf32, #tpu.memory_space<hbm>> -> memref<10008x32xf32, #tpu.memory_space<hbm>>
    tpu.enqueue_indirect_dma source(%dma_start3A_25 : memref<10008x32xf32, #tpu.memory_space<hbm>>) target(%arg14 : memref<80x32xf32, #tpu.memory_space<vmem>>) offsets(%dma_start3A_22 : memref<80xi32, #tpu.memory_space<vmem>>) semaphore(%arg24 : memref<!tpu.dma_semaphore, #tpu.memory_space<semaphore_mem>>)
    %dma_start3A_26 = arith.constant 1 : i32
    %dma_start3A_27 = arith.constant 0 : i32
    %dma_start3A_28 = tpu.memref_slice %arg11[%dma_start3A_26, %dma_start3A_27] : memref<128x80xi32, #tpu.memory_space<vmem>> -> memref<1x80xi32, #tpu.memory_space<vmem>>
    %dma_start3A_29 = tpu.memref_squeeze %dma_start3A_28 : memref<1x80xi32, #tpu.memory_space<vmem>> -> memref<80xi32, #tpu.memory_space<vmem>>
    %dma_start3A_30 = arith.constant 0 : i32
    %dma_start3A_31 = arith.constant 0 : i32
    %dma_start3A_32 = tpu.memref_slice %arg3[%dma_start3A_30, %dma_start3A_31] : memref<10008x32xf32, #tpu.memory_space<hbm>> -> memref<10008x32xf32, #tpu.memory_space<hbm>>
    tpu.enqueue_indirect_dma source(%dma_start3A_32 : memref<10008x32xf32, #tpu.memory_space<hbm>>) target(%arg18 : memref<80x32xf32, #tpu.memory_space<vmem>>) offsets(%dma_start3A_29 : memref<80xi32, #tpu.memory_space<vmem>>) semaphore(%arg28 : memref<!tpu.dma_semaphore, #tpu.memory_space<semaphore_mem>>)
    %dma_wait3A = arith.constant 0 : i32
    %dma_wait3A_33 = arith.constant 0 : i32
    %dma_wait3A_34 = tpu.memref_slice %arg9[%dma_wait3A, %dma_wait3A_33] : memref<128x80xi32, #tpu.memory_space<vmem>> -> memref<1x80xi32, #tpu.memory_space<vmem>>
    %dma_wait3A_35 = tpu.memref_squeeze %dma_wait3A_34 : memref<1x80xi32, #tpu.memory_space<vmem>> -> memref<80xi32, #tpu.memory_space<vmem>>
    %dma_wait3A_36 = arith.constant 0 : i32
    %dma_wait3A_37 = arith.constant 0 : i32
    %dma_wait3A_38 = tpu.memref_slice %arg2[%dma_wait3A_36, %dma_wait3A_37] : memref<10008x32xf32, #tpu.memory_space<hbm>> -> memref<10008x32xf32, #tpu.memory_space<hbm>>
    tpu.wait_indirect_dma semaphore(%arg23 : memref<!tpu.dma_semaphore, #tpu.memory_space<semaphore_mem>>) src(%dma_wait3A_38 : memref<10008x32xf32, #tpu.memory_space<hbm>>) dst(%arg13 : memref<80x32xf32, #tpu.memory_space<vmem>>)
    %dma_wait3A_39 = arith.constant 0 : i32
    %dma_wait3A_40 = arith.constant 0 : i32
    %dma_wait3A_41 = tpu.memref_slice %arg11[%dma_wait3A_39, %dma_wait3A_40] : memref<128x80xi32, #tpu.memory_space<vmem>> -> memref<1x80xi32, #tpu.memory_space<vmem>>
    %dma_wait3A_42 = tpu.memref_squeeze %dma_wait3A_41 : memref<1x80xi32, #tpu.memory_space<vmem>> -> memref<80xi32, #tpu.memory_space<vmem>>
    %dma_wait3A_43 = arith.constant 0 : i32
    %dma_wait3A_44 = arith.constant 0 : i32
    %dma_wait3A_45 = tpu.memref_slice %arg3[%dma_wait3A_43, %dma_wait3A_44] : memref<10008x32xf32, #tpu.memory_space<hbm>> -> memref<10008x32xf32, #tpu.memory_space<hbm>>
    tpu.wait_indirect_dma semaphore(%arg27 : memref<!tpu.dma_semaphore, #tpu.memory_space<semaphore_mem>>) src(%dma_wait3A_45 : memref<10008x32xf32, #tpu.memory_space<hbm>>) dst(%arg17 : memref<80x32xf32, #tpu.memory_space<vmem>>)
    %dma_start3A_46 = arith.constant 0 : i32
    %dma_start3A_47 = arith.constant 0 : i32
    %dma_start3A_48 = tpu.memref_slice %arg10[%dma_start3A_46, %dma_start3A_47] : memref<128x80xi32, #tpu.memory_space<vmem>> -> memref<1x80xi32, #tpu.memory_space<vmem>>
    %dma_start3A_49 = tpu.memref_squeeze %dma_start3A_48 : memref<1x80xi32, #tpu.memory_space<vmem>> -> memref<80xi32, #tpu.memory_space<vmem>>
    %dma_start3A_50 = arith.constant 0 : i32
    %dma_start3A_51 = arith.constant 0 : i32
    %dma_start3A_52 = tpu.memref_slice %arg21[%dma_start3A_50, %dma_start3A_51] : memref<10016x32xf32, #tpu.memory_space<vmem_shared>> -> memref<10016x32xf32, #tpu.memory_space<vmem_shared>>
    tpu.enqueue_indirect_dma source(%arg13 : memref<80x32xf32, #tpu.memory_space<vmem>>) target(%dma_start3A_52 : memref<10016x32xf32, #tpu.memory_space<vmem_shared>>) offsets(%dma_start3A_49 : memref<80xi32, #tpu.memory_space<vmem>>) semaphore(%arg31 : memref<!tpu.dma_semaphore, #tpu.memory_space<semaphore_mem>>) {add = true}
    %dma_start3A_53 = arith.constant 0 : i32
    %dma_start3A_54 = arith.constant 0 : i32
    %dma_start3A_55 = tpu.memref_slice %arg12[%dma_start3A_53, %dma_start3A_54] : memref<128x80xi32, #tpu.memory_space<vmem>> -> memref<1x80xi32, #tpu.memory_space<vmem>>
    %dma_start3A_56 = tpu.memref_squeeze %dma_start3A_55 : memref<1x80xi32, #tpu.memory_space<vmem>> -> memref<80xi32, #tpu.memory_space<vmem>>
    %dma_start3A_57 = arith.constant 0 : i32
    %dma_start3A_58 = arith.constant 0 : i32
    %dma_start3A_59 = tpu.memref_slice %arg22[%dma_start3A_57, %dma_start3A_58] : memref<10016x32xf32, #tpu.memory_space<vmem_shared>> -> memref<10016x32xf32, #tpu.memory_space<vmem_shared>>
    tpu.enqueue_indirect_dma source(%arg17 : memref<80x32xf32, #tpu.memory_space<vmem>>) target(%dma_start3A_59 : memref<10016x32xf32, #tpu.memory_space<vmem_shared>>) offsets(%dma_start3A_56 : memref<80xi32, #tpu.memory_space<vmem>>) semaphore(%arg35 : memref<!tpu.dma_semaphore, #tpu.memory_space<semaphore_mem>>) {add = true}
    %dma_start3A_60 = arith.constant 2 : i32
    %dma_start3A_61 = arith.constant 0 : i32
    %dma_start3A_62 = tpu.memref_slice %arg9[%dma_start3A_60, %dma_start3A_61] : memref<128x80xi32, #tpu.memory_space<vmem>> -> memref<1x80xi32, #tpu.memory_space<vmem>>
    %dma_start3A_63 = tpu.memref_squeeze %dma_start3A_62 : memref<1x80xi32, #tpu.memory_space<vmem>> -> memref<80xi32, #tpu.memory_space<vmem>>
    %dma_start3A_64 = arith.constant 0 : i32
    %dma_start3A_65 = arith.constant 0 : i32
    %dma_start3A_66 = tpu.memref_slice %arg2[%dma_start3A_64, %dma_start3A_65] : memref<10008x32xf32, #tpu.memory_space<hbm>> -> memref<10008x32xf32, #tpu.memory_space<hbm>>
    tpu.enqueue_indirect_dma source(%dma_start3A_66 : memref<10008x32xf32, #tpu.memory_space<hbm>>) target(%arg15 : memref<80x32xf32, #tpu.memory_space<vmem>>) offsets(%dma_start3A_63 : memref<80xi32, #tpu.memory_space<vmem>>) semaphore(%arg25 : memref<!tpu.dma_semaphore, #tpu.memory_space<semaphore_mem>>)
    %dma_start3A_67 = arith.constant 2 : i32
    %dma_start3A_68 = arith.constant 0 : i32
    %dma_start3A_69 = tpu.memref_slice %arg11[%dma_start3A_67, %dma_start3A_68] : memref<128x80xi32, #tpu.memory_space<vmem>> -> memref<1x80xi32, #tpu.memory_space<vmem>>
    %dma_start3A_70 = tpu.memref_squeeze %dma_start3A_69 : memref<1x80xi32, #tpu.memory_space<vmem>> -> memref<80xi32, #tpu.memory_space<vmem>>
    %dma_start3A_71 = arith.constant 0 : i32
    %dma_start3A_72 = arith.constant 0 : i32
    %dma_start3A_73 = tpu.memref_slice %arg3[%dma_start3A_71, %dma_start3A_72] : memref<10008x32xf32, #tpu.memory_space<hbm>> -> memref<10008x32xf32, #tpu.memory_space<hbm>>
    tpu.enqueue_indirect_dma source(%dma_start3A_73 : memref<10008x32xf32, #tpu.memory_space<hbm>>) target(%arg19 : memref<80x32xf32, #tpu.memory_space<vmem>>) offsets(%dma_start3A_70 : memref<80xi32, #tpu.memory_space<vmem>>) semaphore(%arg29 : memref<!tpu.dma_semaphore, #tpu.memory_space<semaphore_mem>>)
    %dma_wait3A_74 = arith.constant 0 : i32
    %dma_wait3A_75 = arith.constant 0 : i32
    %dma_wait3A_76 = tpu.memref_slice %arg9[%dma_wait3A_74, %dma_wait3A_75] : memref<128x80xi32, #tpu.memory_space<vmem>> -> memref<1x80xi32, #tpu.memory_space<vmem>>
    %dma_wait3A_77 = tpu.memref_squeeze %dma_wait3A_76 : memref<1x80xi32, #tpu.memory_space<vmem>> -> memref<80xi32, #tpu.memory_space<vmem>>
    %dma_wait3A_78 = arith.constant 0 : i32
    %dma_wait3A_79 = arith.constant 0 : i32
    %dma_wait3A_80 = tpu.memref_slice %arg2[%dma_wait3A_78, %dma_wait3A_79] : memref<10008x32xf32, #tpu.memory_space<hbm>> -> memref<10008x32xf32, #tpu.memory_space<hbm>>
    tpu.wait_indirect_dma semaphore(%arg24 : memref<!tpu.dma_semaphore, #tpu.memory_space<semaphore_mem>>) src(%dma_wait3A_80 : memref<10008x32xf32, #tpu.memory_space<hbm>>) dst(%arg14 : memref<80x32xf32, #tpu.memory_space<vmem>>)
    %dma_wait3A_81 = arith.constant 0 : i32
    %dma_wait3A_82 = arith.constant 0 : i32
    %dma_wait3A_83 = tpu.memref_slice %arg11[%dma_wait3A_81, %dma_wait3A_82] : memref<128x80xi32, #tpu.memory_space<vmem>> -> memref<1x80xi32, #tpu.memory_space<vmem>>
    %dma_wait3A_84 = tpu.memref_squeeze %dma_wait3A_83 : memref<1x80xi32, #tpu.memory_space<vmem>> -> memref<80xi32, #tpu.memory_space<vmem>>
    %dma_wait3A_85 = arith.constant 0 : i32
    %dma_wait3A_86 = arith.constant 0 : i32
    %dma_wait3A_87 = tpu.memref_slice %arg3[%dma_wait3A_85, %dma_wait3A_86] : memref<10008x32xf32, #tpu.memory_space<hbm>> -> memref<10008x32xf32, #tpu.memory_space<hbm>>
    tpu.wait_indirect_dma semaphore(%arg28 : memref<!tpu.dma_semaphore, #tpu.memory_space<semaphore_mem>>) src(%dma_wait3A_87 : memref<10008x32xf32, #tpu.memory_space<hbm>>) dst(%arg18 : memref<80x32xf32, #tpu.memory_space<vmem>>)
    %dma_start3A_88 = arith.constant 1 : i32
    %dma_start3A_89 = arith.constant 0 : i32
    %dma_start3A_90 = tpu.memref_slice %arg10[%dma_start3A_88, %dma_start3A_89] : memref<128x80xi32, #tpu.memory_space<vmem>> -> memref<1x80xi32, #tpu.memory_space<vmem>>
    %dma_start3A_91 = tpu.memref_squeeze %dma_start3A_90 : memref<1x80xi32, #tpu.memory_space<vmem>> -> memref<80xi32, #tpu.memory_space<vmem>>
    %dma_start3A_92 = arith.constant 0 : i32
    %dma_start3A_93 = arith.constant 0 : i32
    %dma_start3A_94 = tpu.memref_slice %arg21[%dma_start3A_92, %dma_start3A_93] : memref<10016x32xf32, #tpu.memory_space<vmem_shared>> -> memref<10016x32xf32, #tpu.memory_space<vmem_shared>>
    tpu.enqueue_indirect_dma source(%arg14 : memref<80x32xf32, #tpu.memory_space<vmem>>) target(%dma_start3A_94 : memref<10016x32xf32, #tpu.memory_space<vmem_shared>>) offsets(%dma_start3A_91 : memref<80xi32, #tpu.memory_space<vmem>>) semaphore(%arg32 : memref<!tpu.dma_semaphore, #tpu.memory_space<semaphore_mem>>) {add = true}
    %dma_start3A_95 = arith.constant 1 : i32
    %dma_start3A_96 = arith.constant 0 : i32
    %dma_start3A_97 = tpu.memref_slice %arg12[%dma_start3A_95, %dma_start3A_96] : memref<128x80xi32, #tpu.memory_space<vmem>> -> memref<1x80xi32, #tpu.memory_space<vmem>>
    %dma_start3A_98 = tpu.memref_squeeze %dma_start3A_97 : memref<1x80xi32, #tpu.memory_space<vmem>> -> memref<80xi32, #tpu.memory_space<vmem>>
    %dma_start3A_99 = arith.constant 0 : i32
    %dma_start3A_100 = arith.constant 0 : i32
    %dma_start3A_101 = tpu.memref_slice %arg22[%dma_start3A_99, %dma_start3A_100] : memref<10016x32xf32, #tpu.memory_space<vmem_shared>> -> memref<10016x32xf32, #tpu.memory_space<vmem_shared>>
    tpu.enqueue_indirect_dma source(%arg18 : memref<80x32xf32, #tpu.memory_space<vmem>>) target(%dma_start3A_101 : memref<10016x32xf32, #tpu.memory_space<vmem_shared>>) offsets(%dma_start3A_98 : memref<80xi32, #tpu.memory_space<vmem>>) semaphore(%arg36 : memref<!tpu.dma_semaphore, #tpu.memory_space<semaphore_mem>>) {add = true}
    %dma_start3A_102 = arith.constant 3 : i32
    %dma_start3A_103 = arith.constant 0 : i32
    %dma_start3A_104 = tpu.memref_slice %arg9[%dma_start3A_102, %dma_start3A_103] : memref<128x80xi32, #tpu.memory_space<vmem>> -> memref<1x80xi32, #tpu.memory_space<vmem>>
    %dma_start3A_105 = tpu.memref_squeeze %dma_start3A_104 : memref<1x80xi32, #tpu.memory_space<vmem>> -> memref<80xi32, #tpu.memory_space<vmem>>
    %dma_start3A_106 = arith.constant 0 : i32
    %dma_start3A_107 = arith.constant 0 : i32
    %dma_start3A_108 = tpu.memref_slice %arg2[%dma_start3A_106, %dma_start3A_107] : memref<10008x32xf32, #tpu.memory_space<hbm>> -> memref<10008x32xf32, #tpu.memory_space<hbm>>
    tpu.enqueue_indirect_dma source(%dma_start3A_108 : memref<10008x32xf32, #tpu.memory_space<hbm>>) target(%arg16 : memref<80x32xf32, #tpu.memory_space<vmem>>) offsets(%dma_start3A_105 : memref<80xi32, #tpu.memory_space<vmem>>) semaphore(%arg26 : memref<!tpu.dma_semaphore, #tpu.memory_space<semaphore_mem>>)
    %dma_start3A_109 = arith.constant 3 : i32
    %dma_start3A_110 = arith.constant 0 : i32
    %dma_start3A_111 = tpu.memref_slice %arg11[%dma_start3A_109, %dma_start3A_110] : memref<128x80xi32, #tpu.memory_space<vmem>> -> memref<1x80xi32, #tpu.memory_space<vmem>>
    %dma_start3A_112 = tpu.memref_squeeze %dma_start3A_111 : memref<1x80xi32, #tpu.memory_space<vmem>> -> memref<80xi32, #tpu.memory_space<vmem>>
    %dma_start3A_113 = arith.constant 0 : i32
    %dma_start3A_114 = arith.constant 0 : i32
    %dma_start3A_115 = tpu.memref_slice %arg3[%dma_start3A_113, %dma_start3A_114] : memref<10008x32xf32, #tpu.memory_space<hbm>> -> memref<10008x32xf32, #tpu.memory_space<hbm>>
    tpu.enqueue_indirect_dma source(%dma_start3A_115 : memref<10008x32xf32, #tpu.memory_space<hbm>>) target(%arg20 : memref<80x32xf32, #tpu.memory_space<vmem>>) offsets(%dma_start3A_112 : memref<80xi32, #tpu.memory_space<vmem>>) semaphore(%arg30 : memref<!tpu.dma_semaphore, #tpu.memory_space<semaphore_mem>>)
    %scan3A = arith.constant 0 : i32
    %scan3A_116 = arith.constant 0 : i32
    %scan3A_117 = arith.constant 31 : i32
    %scan3A_118 = arith.addi %scan3A_116, %scan3A_117 : i32
    %scan3A_119 = arith.constant 1 : i32
    %scan3A_120 = scf.for %scan3A_235 = %scan3A_116 to %scan3A_118 step %scan3A_119 iter_args(%scan3A_236 = %scan3A) -> (i32)  : i32 {
      %mul3A_237 = arith.constant 4 : i32
      %mul3A_238 = arith.muli %mul3A_237, %scan3A_235 : i32
      %add3A_239 = arith.constant 2 : i32
      %add3A_240 = arith.addi %mul3A_238, %add3A_239 : i32
      %add3A_241 = arith.constant 0 : i32
      %add3A_242 = arith.addi %add3A_240, %add3A_241 : i32
      %dma_wait3A_243 = arith.constant 0 : i32
      %dma_wait3A_244 = arith.constant 0 : i32
      %dma_wait3A_245 = tpu.memref_slice %arg9[%dma_wait3A_243, %dma_wait3A_244] : memref<128x80xi32, #tpu.memory_space<vmem>> -> memref<1x80xi32, #tpu.memory_space<vmem>>
      %dma_wait3A_246 = tpu.memref_squeeze %dma_wait3A_245 : memref<1x80xi32, #tpu.memory_space<vmem>> -> memref<80xi32, #tpu.memory_space<vmem>>
      %dma_wait3A_247 = arith.constant 0 : i32
      %dma_wait3A_248 = arith.constant 0 : i32
      %dma_wait3A_249 = tpu.memref_slice %arg2[%dma_wait3A_247, %dma_wait3A_248] : memref<10008x32xf32, #tpu.memory_space<hbm>> -> memref<10008x32xf32, #tpu.memory_space<hbm>>
      tpu.wait_indirect_dma semaphore(%arg25 : memref<!tpu.dma_semaphore, #tpu.memory_space<semaphore_mem>>) src(%dma_wait3A_249 : memref<10008x32xf32, #tpu.memory_space<hbm>>) dst(%arg15 : memref<80x32xf32, #tpu.memory_space<vmem>>)
      %dma_wait3A_250 = arith.constant 0 : i32
      %dma_wait3A_251 = arith.constant 0 : i32
      %dma_wait3A_252 = tpu.memref_slice %arg11[%dma_wait3A_250, %dma_wait3A_251] : memref<128x80xi32, #tpu.memory_space<vmem>> -> memref<1x80xi32, #tpu.memory_space<vmem>>
      %dma_wait3A_253 = tpu.memref_squeeze %dma_wait3A_252 : memref<1x80xi32, #tpu.memory_space<vmem>> -> memref<80xi32, #tpu.memory_space<vmem>>
      %dma_wait3A_254 = arith.constant 0 : i32
      %dma_wait3A_255 = arith.constant 0 : i32
      %dma_wait3A_256 = tpu.memref_slice %arg3[%dma_wait3A_254, %dma_wait3A_255] : memref<10008x32xf32, #tpu.memory_space<hbm>> -> memref<10008x32xf32, #tpu.memory_space<hbm>>
      tpu.wait_indirect_dma semaphore(%arg29 : memref<!tpu.dma_semaphore, #tpu.memory_space<semaphore_mem>>) src(%dma_wait3A_256 : memref<10008x32xf32, #tpu.memory_space<hbm>>) dst(%arg19 : memref<80x32xf32, #tpu.memory_space<vmem>>)
      %dma_start3A_257 = arith.constant 0 : i32
      %dma_start3A_258 = tpu.memref_slice %arg10[%add3A_242, %dma_start3A_257] : memref<128x80xi32, #tpu.memory_space<vmem>> -> memref<1x80xi32, #tpu.memory_space<vmem>>
      %dma_start3A_259 = tpu.memref_squeeze %dma_start3A_258 : memref<1x80xi32, #tpu.memory_space<vmem>> -> memref<80xi32, #tpu.memory_space<vmem>>
      %dma_start3A_260 = arith.constant 0 : i32
      %dma_start3A_261 = arith.constant 0 : i32
      %dma_start3A_262 = tpu.memref_slice %arg21[%dma_start3A_260, %dma_start3A_261] : memref<10016x32xf32, #tpu.memory_space<vmem_shared>> -> memref<10016x32xf32, #tpu.memory_space<vmem_shared>>
      tpu.enqueue_indirect_dma source(%arg15 : memref<80x32xf32, #tpu.memory_space<vmem>>) target(%dma_start3A_262 : memref<10016x32xf32, #tpu.memory_space<vmem_shared>>) offsets(%dma_start3A_259 : memref<80xi32, #tpu.memory_space<vmem>>) semaphore(%arg33 : memref<!tpu.dma_semaphore, #tpu.memory_space<semaphore_mem>>) {add = true}
      %dma_start3A_263 = arith.constant 0 : i32
      %dma_start3A_264 = tpu.memref_slice %arg12[%add3A_242, %dma_start3A_263] : memref<128x80xi32, #tpu.memory_space<vmem>> -> memref<1x80xi32, #tpu.memory_space<vmem>>
      %dma_start3A_265 = tpu.memref_squeeze %dma_start3A_264 : memref<1x80xi32, #tpu.memory_space<vmem>> -> memref<80xi32, #tpu.memory_space<vmem>>
      %dma_start3A_266 = arith.constant 0 : i32
      %dma_start3A_267 = arith.constant 0 : i32
      %dma_start3A_268 = tpu.memref_slice %arg22[%dma_start3A_266, %dma_start3A_267] : memref<10016x32xf32, #tpu.memory_space<vmem_shared>> -> memref<10016x32xf32, #tpu.memory_space<vmem_shared>>
      tpu.enqueue_indirect_dma source(%arg19 : memref<80x32xf32, #tpu.memory_space<vmem>>) target(%dma_start3A_268 : memref<10016x32xf32, #tpu.memory_space<vmem_shared>>) offsets(%dma_start3A_265 : memref<80xi32, #tpu.memory_space<vmem>>) semaphore(%arg37 : memref<!tpu.dma_semaphore, #tpu.memory_space<semaphore_mem>>) {add = true}
      %dma_wait3A_269 = arith.constant 0 : i32
      %dma_wait3A_270 = arith.constant 0 : i32
      %dma_wait3A_271 = tpu.memref_slice %arg10[%dma_wait3A_269, %dma_wait3A_270] : memref<128x80xi32, #tpu.memory_space<vmem>> -> memref<1x80xi32, #tpu.memory_space<vmem>>
      %dma_wait3A_272 = tpu.memref_squeeze %dma_wait3A_271 : memref<1x80xi32, #tpu.memory_space<vmem>> -> memref<80xi32, #tpu.memory_space<vmem>>
      %dma_wait3A_273 = arith.constant 0 : i32
      %dma_wait3A_274 = arith.constant 0 : i32
      %dma_wait3A_275 = tpu.memref_slice %arg21[%dma_wait3A_273, %dma_wait3A_274] : memref<10016x32xf32, #tpu.memory_space<vmem_shared>> -> memref<10016x32xf32, #tpu.memory_space<vmem_shared>>
      tpu.wait_indirect_dma semaphore(%arg31 : memref<!tpu.dma_semaphore, #tpu.memory_space<semaphore_mem>>) src(%arg13 : memref<80x32xf32, #tpu.memory_space<vmem>>) dst(%dma_wait3A_275 : memref<10016x32xf32, #tpu.memory_space<vmem_shared>>)
      %dma_wait3A_276 = arith.constant 0 : i32
      %dma_wait3A_277 = arith.constant 0 : i32
      %dma_wait3A_278 = tpu.memref_slice %arg12[%dma_wait3A_276, %dma_wait3A_277] : memref<128x80xi32, #tpu.memory_space<vmem>> -> memref<1x80xi32, #tpu.memory_space<vmem>>
      %dma_wait3A_279 = tpu.memref_squeeze %dma_wait3A_278 : memref<1x80xi32, #tpu.memory_space<vmem>> -> memref<80xi32, #tpu.memory_space<vmem>>
      %dma_wait3A_280 = arith.constant 0 : i32
      %dma_wait3A_281 = arith.constant 0 : i32
      %dma_wait3A_282 = tpu.memref_slice %arg22[%dma_wait3A_280, %dma_wait3A_281] : memref<10016x32xf32, #tpu.memory_space<vmem_shared>> -> memref<10016x32xf32, #tpu.memory_space<vmem_shared>>
      tpu.wait_indirect_dma semaphore(%arg35 : memref<!tpu.dma_semaphore, #tpu.memory_space<semaphore_mem>>) src(%arg17 : memref<80x32xf32, #tpu.memory_space<vmem>>) dst(%dma_wait3A_282 : memref<10016x32xf32, #tpu.memory_space<vmem_shared>>)
      %add3A_283 = arith.constant 2 : i32
      %add3A_284 = arith.addi %add3A_242, %add3A_283 : i32
      %dma_start3A_285 = arith.constant 0 : i32
      %dma_start3A_286 = tpu.memref_slice %arg9[%add3A_284, %dma_start3A_285] : memref<128x80xi32, #tpu.memory_space<vmem>> -> memref<1x80xi32, #tpu.memory_space<vmem>>
      %dma_start3A_287 = tpu.memref_squeeze %dma_start3A_286 : memref<1x80xi32, #tpu.memory_space<vmem>> -> memref<80xi32, #tpu.memory_space<vmem>>
      %dma_start3A_288 = arith.constant 0 : i32
      %dma_start3A_289 = arith.constant 0 : i32
      %dma_start3A_290 = tpu.memref_slice %arg2[%dma_start3A_288, %dma_start3A_289] : memref<10008x32xf32, #tpu.memory_space<hbm>> -> memref<10008x32xf32, #tpu.memory_space<hbm>>
      tpu.enqueue_indirect_dma source(%dma_start3A_290 : memref<10008x32xf32, #tpu.memory_space<hbm>>) target(%arg13 : memref<80x32xf32, #tpu.memory_space<vmem>>) offsets(%dma_start3A_287 : memref<80xi32, #tpu.memory_space<vmem>>) semaphore(%arg23 : memref<!tpu.dma_semaphore, #tpu.memory_space<semaphore_mem>>)
      %dma_start3A_291 = arith.constant 0 : i32
      %dma_start3A_292 = tpu.memref_slice %arg11[%add3A_284, %dma_start3A_291] : memref<128x80xi32, #tpu.memory_space<vmem>> -> memref<1x80xi32, #tpu.memory_space<vmem>>
      %dma_start3A_293 = tpu.memref_squeeze %dma_start3A_292 : memref<1x80xi32, #tpu.memory_space<vmem>> -> memref<80xi32, #tpu.memory_space<vmem>>
      %dma_start3A_294 = arith.constant 0 : i32
      %dma_start3A_295 = arith.constant 0 : i32
      %dma_start3A_296 = tpu.memref_slice %arg3[%dma_start3A_294, %dma_start3A_295] : memref<10008x32xf32, #tpu.memory_space<hbm>> -> memref<10008x32xf32, #tpu.memory_space<hbm>>
      tpu.enqueue_indirect_dma source(%dma_start3A_296 : memref<10008x32xf32, #tpu.memory_space<hbm>>) target(%arg17 : memref<80x32xf32, #tpu.memory_space<vmem>>) offsets(%dma_start3A_293 : memref<80xi32, #tpu.memory_space<vmem>>) semaphore(%arg27 : memref<!tpu.dma_semaphore, #tpu.memory_space<semaphore_mem>>)
      %mul3A_297 = arith.constant 4 : i32
      %mul3A_298 = arith.muli %mul3A_297, %scan3A_235 : i32
      %add3A_299 = arith.constant 2 : i32
      %add3A_300 = arith.addi %mul3A_298, %add3A_299 : i32
      %add3A_301 = arith.constant 1 : i32
      %add3A_302 = arith.addi %add3A_300, %add3A_301 : i32
      %dma_wait3A_303 = arith.constant 0 : i32
      %dma_wait3A_304 = arith.constant 0 : i32
      %dma_wait3A_305 = tpu.memref_slice %arg9[%dma_wait3A_303, %dma_wait3A_304] : memref<128x80xi32, #tpu.memory_space<vmem>> -> memref<1x80xi32, #tpu.memory_space<vmem>>
      %dma_wait3A_306 = tpu.memref_squeeze %dma_wait3A_305 : memref<1x80xi32, #tpu.memory_space<vmem>> -> memref<80xi32, #tpu.memory_space<vmem>>
      %dma_wait3A_307 = arith.constant 0 : i32
      %dma_wait3A_308 = arith.constant 0 : i32
      %dma_wait3A_309 = tpu.memref_slice %arg2[%dma_wait3A_307, %dma_wait3A_308] : memref<10008x32xf32, #tpu.memory_space<hbm>> -> memref<10008x32xf32, #tpu.memory_space<hbm>>
      tpu.wait_indirect_dma semaphore(%arg26 : memref<!tpu.dma_semaphore, #tpu.memory_space<semaphore_mem>>) src(%dma_wait3A_309 : memref<10008x32xf32, #tpu.memory_space<hbm>>) dst(%arg16 : memref<80x32xf32, #tpu.memory_space<vmem>>)
      %dma_wait3A_310 = arith.constant 0 : i32
      %dma_wait3A_311 = arith.constant 0 : i32
      %dma_wait3A_312 = tpu.memref_slice %arg11[%dma_wait3A_310, %dma_wait3A_311] : memref<128x80xi32, #tpu.memory_space<vmem>> -> memref<1x80xi32, #tpu.memory_space<vmem>>
      %dma_wait3A_313 = tpu.memref_squeeze %dma_wait3A_312 : memref<1x80xi32, #tpu.memory_space<vmem>> -> memref<80xi32, #tpu.memory_space<vmem>>
      %dma_wait3A_314 = arith.constant 0 : i32
      %dma_wait3A_315 = arith.constant 0 : i32
      %dma_wait3A_316 = tpu.memref_slice %arg3[%dma_wait3A_314, %dma_wait3A_315] : memref<10008x32xf32, #tpu.memory_space<hbm>> -> memref<10008x32xf32, #tpu.memory_space<hbm>>
      tpu.wait_indirect_dma semaphore(%arg30 : memref<!tpu.dma_semaphore, #tpu.memory_space<semaphore_mem>>) src(%dma_wait3A_316 : memref<10008x32xf32, #tpu.memory_space<hbm>>) dst(%arg20 : memref<80x32xf32, #tpu.memory_space<vmem>>)
      %dma_start3A_317 = arith.constant 0 : i32
      %dma_start3A_318 = tpu.memref_slice %arg10[%add3A_302, %dma_start3A_317] : memref<128x80xi32, #tpu.memory_space<vmem>> -> memref<1x80xi32, #tpu.memory_space<vmem>>
      %dma_start3A_319 = tpu.memref_squeeze %dma_start3A_318 : memref<1x80xi32, #tpu.memory_space<vmem>> -> memref<80xi32, #tpu.memory_space<vmem>>
      %dma_start3A_320 = arith.constant 0 : i32
      %dma_start3A_321 = arith.constant 0 : i32
      %dma_start3A_322 = tpu.memref_slice %arg21[%dma_start3A_320, %dma_start3A_321] : memref<10016x32xf32, #tpu.memory_space<vmem_shared>> -> memref<10016x32xf32, #tpu.memory_space<vmem_shared>>
      tpu.enqueue_indirect_dma source(%arg16 : memref<80x32xf32, #tpu.memory_space<vmem>>) target(%dma_start3A_322 : memref<10016x32xf32, #tpu.memory_space<vmem_shared>>) offsets(%dma_start3A_319 : memref<80xi32, #tpu.memory_space<vmem>>) semaphore(%arg34 : memref<!tpu.dma_semaphore, #tpu.memory_space<semaphore_mem>>) {add = true}
      %dma_start3A_323 = arith.constant 0 : i32
      %dma_start3A_324 = tpu.memref_slice %arg12[%add3A_302, %dma_start3A_323] : memref<128x80xi32, #tpu.memory_space<vmem>> -> memref<1x80xi32, #tpu.memory_space<vmem>>
      %dma_start3A_325 = tpu.memref_squeeze %dma_start3A_324 : memref<1x80xi32, #tpu.memory_space<vmem>> -> memref<80xi32, #tpu.memory_space<vmem>>
      %dma_start3A_326 = arith.constant 0 : i32
      %dma_start3A_327 = arith.constant 0 : i32
      %dma_start3A_328 = tpu.memref_slice %arg22[%dma_start3A_326, %dma_start3A_327] : memref<10016x32xf32, #tpu.memory_space<vmem_shared>> -> memref<10016x32xf32, #tpu.memory_space<vmem_shared>>
      tpu.enqueue_indirect_dma source(%arg20 : memref<80x32xf32, #tpu.memory_space<vmem>>) target(%dma_start3A_328 : memref<10016x32xf32, #tpu.memory_space<vmem_shared>>) offsets(%dma_start3A_325 : memref<80xi32, #tpu.memory_space<vmem>>) semaphore(%arg38 : memref<!tpu.dma_semaphore, #tpu.memory_space<semaphore_mem>>) {add = true}
      %dma_wait3A_329 = arith.constant 0 : i32
      %dma_wait3A_330 = arith.constant 0 : i32
      %dma_wait3A_331 = tpu.memref_slice %arg10[%dma_wait3A_329, %dma_wait3A_330] : memref<128x80xi32, #tpu.memory_space<vmem>> -> memref<1x80xi32, #tpu.memory_space<vmem>>
      %dma_wait3A_332 = tpu.memref_squeeze %dma_wait3A_331 : memref<1x80xi32, #tpu.memory_space<vmem>> -> memref<80xi32, #tpu.memory_space<vmem>>
      %dma_wait3A_333 = arith.constant 0 : i32
      %dma_wait3A_334 = arith.constant 0 : i32
      %dma_wait3A_335 = tpu.memref_slice %arg21[%dma_wait3A_333, %dma_wait3A_334] : memref<10016x32xf32, #tpu.memory_space<vmem_shared>> -> memref<10016x32xf32, #tpu.memory_space<vmem_shared>>
      tpu.wait_indirect_dma semaphore(%arg32 : memref<!tpu.dma_semaphore, #tpu.memory_space<semaphore_mem>>) src(%arg14 : memref<80x32xf32, #tpu.memory_space<vmem>>) dst(%dma_wait3A_335 : memref<10016x32xf32, #tpu.memory_space<vmem_shared>>)
      %dma_wait3A_336 = arith.constant 0 : i32
      %dma_wait3A_337 = arith.constant 0 : i32
      %dma_wait3A_338 = tpu.memref_slice %arg12[%dma_wait3A_336, %dma_wait3A_337] : memref<128x80xi32, #tpu.memory_space<vmem>> -> memref<1x80xi32, #tpu.memory_space<vmem>>
      %dma_wait3A_339 = tpu.memref_squeeze %dma_wait3A_338 : memref<1x80xi32, #tpu.memory_space<vmem>> -> memref<80xi32, #tpu.memory_space<vmem>>
      %dma_wait3A_340 = arith.constant 0 : i32
      %dma_wait3A_341 = arith.constant 0 : i32
      %dma_wait3A_342 = tpu.memref_slice %arg22[%dma_wait3A_340, %dma_wait3A_341] : memref<10016x32xf32, #tpu.memory_space<vmem_shared>> -> memref<10016x32xf32, #tpu.memory_space<vmem_shared>>
      tpu.wait_indirect_dma semaphore(%arg36 : memref<!tpu.dma_semaphore, #tpu.memory_space<semaphore_mem>>) src(%arg18 : memref<80x32xf32, #tpu.memory_space<vmem>>) dst(%dma_wait3A_342 : memref<10016x32xf32, #tpu.memory_space<vmem_shared>>)
      %add3A_343 = arith.constant 2 : i32
      %add3A_344 = arith.addi %add3A_302, %add3A_343 : i32
      %dma_start3A_345 = arith.constant 0 : i32
      %dma_start3A_346 = tpu.memref_slice %arg9[%add3A_344, %dma_start3A_345] : memref<128x80xi32, #tpu.memory_space<vmem>> -> memref<1x80xi32, #tpu.memory_space<vmem>>
      %dma_start3A_347 = tpu.memref_squeeze %dma_start3A_346 : memref<1x80xi32, #tpu.memory_space<vmem>> -> memref<80xi32, #tpu.memory_space<vmem>>
      %dma_start3A_348 = arith.constant 0 : i32
      %dma_start3A_349 = arith.constant 0 : i32
      %dma_start3A_350 = tpu.memref_slice %arg2[%dma_start3A_348, %dma_start3A_349] : memref<10008x32xf32, #tpu.memory_space<hbm>> -> memref<10008x32xf32, #tpu.memory_space<hbm>>
      tpu.enqueue_indirect_dma source(%dma_start3A_350 : memref<10008x32xf32, #tpu.memory_space<hbm>>) target(%arg14 : memref<80x32xf32, #tpu.memory_space<vmem>>) offsets(%dma_start3A_347 : memref<80xi32, #tpu.memory_space<vmem>>) semaphore(%arg24 : memref<!tpu.dma_semaphore, #tpu.memory_space<semaphore_mem>>)
      %dma_start3A_351 = arith.constant 0 : i32
      %dma_start3A_352 = tpu.memref_slice %arg11[%add3A_344, %dma_start3A_351] : memref<128x80xi32, #tpu.memory_space<vmem>> -> memref<1x80xi32, #tpu.memory_space<vmem>>
      %dma_start3A_353 = tpu.memref_squeeze %dma_start3A_352 : memref<1x80xi32, #tpu.memory_space<vmem>> -> memref<80xi32, #tpu.memory_space<vmem>>
      %dma_start3A_354 = arith.constant 0 : i32
      %dma_start3A_355 = arith.constant 0 : i32
      %dma_start3A_356 = tpu.memref_slice %arg3[%dma_start3A_354, %dma_start3A_355] : memref<10008x32xf32, #tpu.memory_space<hbm>> -> memref<10008x32xf32, #tpu.memory_space<hbm>>
      tpu.enqueue_indirect_dma source(%dma_start3A_356 : memref<10008x32xf32, #tpu.memory_space<hbm>>) target(%arg18 : memref<80x32xf32, #tpu.memory_space<vmem>>) offsets(%dma_start3A_353 : memref<80xi32, #tpu.memory_space<vmem>>) semaphore(%arg28 : memref<!tpu.dma_semaphore, #tpu.memory_space<semaphore_mem>>)
      %mul3A_357 = arith.constant 4 : i32
      %mul3A_358 = arith.muli %mul3A_357, %scan3A_235 : i32
      %add3A_359 = arith.constant 2 : i32
      %add3A_360 = arith.addi %mul3A_358, %add3A_359 : i32
      %add3A_361 = arith.constant 2 : i32
      %add3A_362 = arith.addi %add3A_360, %add3A_361 : i32
      %dma_wait3A_363 = arith.constant 0 : i32
      %dma_wait3A_364 = arith.constant 0 : i32
      %dma_wait3A_365 = tpu.memref_slice %arg9[%dma_wait3A_363, %dma_wait3A_364] : memref<128x80xi32, #tpu.memory_space<vmem>> -> memref<1x80xi32, #tpu.memory_space<vmem>>
      %dma_wait3A_366 = tpu.memref_squeeze %dma_wait3A_365 : memref<1x80xi32, #tpu.memory_space<vmem>> -> memref<80xi32, #tpu.memory_space<vmem>>
      %dma_wait3A_367 = arith.constant 0 : i32
      %dma_wait3A_368 = arith.constant 0 : i32
      %dma_wait3A_369 = tpu.memref_slice %arg2[%dma_wait3A_367, %dma_wait3A_368] : memref<10008x32xf32, #tpu.memory_space<hbm>> -> memref<10008x32xf32, #tpu.memory_space<hbm>>
      tpu.wait_indirect_dma semaphore(%arg23 : memref<!tpu.dma_semaphore, #tpu.memory_space<semaphore_mem>>) src(%dma_wait3A_369 : memref<10008x32xf32, #tpu.memory_space<hbm>>) dst(%arg13 : memref<80x32xf32, #tpu.memory_space<vmem>>)
      %dma_wait3A_370 = arith.constant 0 : i32
      %dma_wait3A_371 = arith.constant 0 : i32
      %dma_wait3A_372 = tpu.memref_slice %arg11[%dma_wait3A_370, %dma_wait3A_371] : memref<128x80xi32, #tpu.memory_space<vmem>> -> memref<1x80xi32, #tpu.memory_space<vmem>>
      %dma_wait3A_373 = tpu.memref_squeeze %dma_wait3A_372 : memref<1x80xi32, #tpu.memory_space<vmem>> -> memref<80xi32, #tpu.memory_space<vmem>>
      %dma_wait3A_374 = arith.constant 0 : i32
      %dma_wait3A_375 = arith.constant 0 : i32
      %dma_wait3A_376 = tpu.memref_slice %arg3[%dma_wait3A_374, %dma_wait3A_375] : memref<10008x32xf32, #tpu.memory_space<hbm>> -> memref<10008x32xf32, #tpu.memory_space<hbm>>
      tpu.wait_indirect_dma semaphore(%arg27 : memref<!tpu.dma_semaphore, #tpu.memory_space<semaphore_mem>>) src(%dma_wait3A_376 : memref<10008x32xf32, #tpu.memory_space<hbm>>) dst(%arg17 : memref<80x32xf32, #tpu.memory_space<vmem>>)
      %dma_start3A_377 = arith.constant 0 : i32
      %dma_start3A_378 = tpu.memref_slice %arg10[%add3A_362, %dma_start3A_377] : memref<128x80xi32, #tpu.memory_space<vmem>> -> memref<1x80xi32, #tpu.memory_space<vmem>>
      %dma_start3A_379 = tpu.memref_squeeze %dma_start3A_378 : memref<1x80xi32, #tpu.memory_space<vmem>> -> memref<80xi32, #tpu.memory_space<vmem>>
      %dma_start3A_380 = arith.constant 0 : i32
      %dma_start3A_381 = arith.constant 0 : i32
      %dma_start3A_382 = tpu.memref_slice %arg21[%dma_start3A_380, %dma_start3A_381] : memref<10016x32xf32, #tpu.memory_space<vmem_shared>> -> memref<10016x32xf32, #tpu.memory_space<vmem_shared>>
      tpu.enqueue_indirect_dma source(%arg13 : memref<80x32xf32, #tpu.memory_space<vmem>>) target(%dma_start3A_382 : memref<10016x32xf32, #tpu.memory_space<vmem_shared>>) offsets(%dma_start3A_379 : memref<80xi32, #tpu.memory_space<vmem>>) semaphore(%arg31 : memref<!tpu.dma_semaphore, #tpu.memory_space<semaphore_mem>>) {add = true}
      %dma_start3A_383 = arith.constant 0 : i32
      %dma_start3A_384 = tpu.memref_slice %arg12[%add3A_362, %dma_start3A_383] : memref<128x80xi32, #tpu.memory_space<vmem>> -> memref<1x80xi32, #tpu.memory_space<vmem>>
      %dma_start3A_385 = tpu.memref_squeeze %dma_start3A_384 : memref<1x80xi32, #tpu.memory_space<vmem>> -> memref<80xi32, #tpu.memory_space<vmem>>
      %dma_start3A_386 = arith.constant 0 : i32
      %dma_start3A_387 = arith.constant 0 : i32
      %dma_start3A_388 = tpu.memref_slice %arg22[%dma_start3A_386, %dma_start3A_387] : memref<10016x32xf32, #tpu.memory_space<vmem_shared>> -> memref<10016x32xf32, #tpu.memory_space<vmem_shared>>
      tpu.enqueue_indirect_dma source(%arg17 : memref<80x32xf32, #tpu.memory_space<vmem>>) target(%dma_start3A_388 : memref<10016x32xf32, #tpu.memory_space<vmem_shared>>) offsets(%dma_start3A_385 : memref<80xi32, #tpu.memory_space<vmem>>) semaphore(%arg35 : memref<!tpu.dma_semaphore, #tpu.memory_space<semaphore_mem>>) {add = true}
      %dma_wait3A_389 = arith.constant 0 : i32
      %dma_wait3A_390 = arith.constant 0 : i32
      %dma_wait3A_391 = tpu.memref_slice %arg10[%dma_wait3A_389, %dma_wait3A_390] : memref<128x80xi32, #tpu.memory_space<vmem>> -> memref<1x80xi32, #tpu.memory_space<vmem>>
      %dma_wait3A_392 = tpu.memref_squeeze %dma_wait3A_391 : memref<1x80xi32, #tpu.memory_space<vmem>> -> memref<80xi32, #tpu.memory_space<vmem>>
      %dma_wait3A_393 = arith.constant 0 : i32
      %dma_wait3A_394 = arith.constant 0 : i32
      %dma_wait3A_395 = tpu.memref_slice %arg21[%dma_wait3A_393, %dma_wait3A_394] : memref<10016x32xf32, #tpu.memory_space<vmem_shared>> -> memref<10016x32xf32, #tpu.memory_space<vmem_shared>>
      tpu.wait_indirect_dma semaphore(%arg33 : memref<!tpu.dma_semaphore, #tpu.memory_space<semaphore_mem>>) src(%arg15 : memref<80x32xf32, #tpu.memory_space<vmem>>) dst(%dma_wait3A_395 : memref<10016x32xf32, #tpu.memory_space<vmem_shared>>)
      %dma_wait3A_396 = arith.constant 0 : i32
      %dma_wait3A_397 = arith.constant 0 : i32
      %dma_wait3A_398 = tpu.memref_slice %arg12[%dma_wait3A_396, %dma_wait3A_397] : memref<128x80xi32, #tpu.memory_space<vmem>> -> memref<1x80xi32, #tpu.memory_space<vmem>>
      %dma_wait3A_399 = tpu.memref_squeeze %dma_wait3A_398 : memref<1x80xi32, #tpu.memory_space<vmem>> -> memref<80xi32, #tpu.memory_space<vmem>>
      %dma_wait3A_400 = arith.constant 0 : i32
      %dma_wait3A_401 = arith.constant 0 : i32
      %dma_wait3A_402 = tpu.memref_slice %arg22[%dma_wait3A_400, %dma_wait3A_401] : memref<10016x32xf32, #tpu.memory_space<vmem_shared>> -> memref<10016x32xf32, #tpu.memory_space<vmem_shared>>
      tpu.wait_indirect_dma semaphore(%arg37 : memref<!tpu.dma_semaphore, #tpu.memory_space<semaphore_mem>>) src(%arg19 : memref<80x32xf32, #tpu.memory_space<vmem>>) dst(%dma_wait3A_402 : memref<10016x32xf32, #tpu.memory_space<vmem_shared>>)
      %add3A_403 = arith.constant 2 : i32
      %add3A_404 = arith.addi %add3A_362, %add3A_403 : i32
      %dma_start3A_405 = arith.constant 0 : i32
      %dma_start3A_406 = tpu.memref_slice %arg9[%add3A_404, %dma_start3A_405] : memref<128x80xi32, #tpu.memory_space<vmem>> -> memref<1x80xi32, #tpu.memory_space<vmem>>
      %dma_start3A_407 = tpu.memref_squeeze %dma_start3A_406 : memref<1x80xi32, #tpu.memory_space<vmem>> -> memref<80xi32, #tpu.memory_space<vmem>>
      %dma_start3A_408 = arith.constant 0 : i32
      %dma_start3A_409 = arith.constant 0 : i32
      %dma_start3A_410 = tpu.memref_slice %arg2[%dma_start3A_408, %dma_start3A_409] : memref<10008x32xf32, #tpu.memory_space<hbm>> -> memref<10008x32xf32, #tpu.memory_space<hbm>>
      tpu.enqueue_indirect_dma source(%dma_start3A_410 : memref<10008x32xf32, #tpu.memory_space<hbm>>) target(%arg15 : memref<80x32xf32, #tpu.memory_space<vmem>>) offsets(%dma_start3A_407 : memref<80xi32, #tpu.memory_space<vmem>>) semaphore(%arg25 : memref<!tpu.dma_semaphore, #tpu.memory_space<semaphore_mem>>)
      %dma_start3A_411 = arith.constant 0 : i32
      %dma_start3A_412 = tpu.memref_slice %arg11[%add3A_404, %dma_start3A_411] : memref<128x80xi32, #tpu.memory_space<vmem>> -> memref<1x80xi32, #tpu.memory_space<vmem>>
      %dma_start3A_413 = tpu.memref_squeeze %dma_start3A_412 : memref<1x80xi32, #tpu.memory_space<vmem>> -> memref<80xi32, #tpu.memory_space<vmem>>
      %dma_start3A_414 = arith.constant 0 : i32
      %dma_start3A_415 = arith.constant 0 : i32
      %dma_start3A_416 = tpu.memref_slice %arg3[%dma_start3A_414, %dma_start3A_415] : memref<10008x32xf32, #tpu.memory_space<hbm>> -> memref<10008x32xf32, #tpu.memory_space<hbm>>
      tpu.enqueue_indirect_dma source(%dma_start3A_416 : memref<10008x32xf32, #tpu.memory_space<hbm>>) target(%arg19 : memref<80x32xf32, #tpu.memory_space<vmem>>) offsets(%dma_start3A_413 : memref<80xi32, #tpu.memory_space<vmem>>) semaphore(%arg29 : memref<!tpu.dma_semaphore, #tpu.memory_space<semaphore_mem>>)
      %mul3A_417 = arith.constant 4 : i32
      %mul3A_418 = arith.muli %mul3A_417, %scan3A_235 : i32
      %add3A_419 = arith.constant 2 : i32
      %add3A_420 = arith.addi %mul3A_418, %add3A_419 : i32
      %add3A_421 = arith.constant 3 : i32
      %add3A_422 = arith.addi %add3A_420, %add3A_421 : i32
      %dma_wait3A_423 = arith.constant 0 : i32
      %dma_wait3A_424 = arith.constant 0 : i32
      %dma_wait3A_425 = tpu.memref_slice %arg9[%dma_wait3A_423, %dma_wait3A_424] : memref<128x80xi32, #tpu.memory_space<vmem>> -> memref<1x80xi32, #tpu.memory_space<vmem>>
      %dma_wait3A_426 = tpu.memref_squeeze %dma_wait3A_425 : memref<1x80xi32, #tpu.memory_space<vmem>> -> memref<80xi32, #tpu.memory_space<vmem>>
      %dma_wait3A_427 = arith.constant 0 : i32
      %dma_wait3A_428 = arith.constant 0 : i32
      %dma_wait3A_429 = tpu.memref_slice %arg2[%dma_wait3A_427, %dma_wait3A_428] : memref<10008x32xf32, #tpu.memory_space<hbm>> -> memref<10008x32xf32, #tpu.memory_space<hbm>>
      tpu.wait_indirect_dma semaphore(%arg24 : memref<!tpu.dma_semaphore, #tpu.memory_space<semaphore_mem>>) src(%dma_wait3A_429 : memref<10008x32xf32, #tpu.memory_space<hbm>>) dst(%arg14 : memref<80x32xf32, #tpu.memory_space<vmem>>)
      %dma_wait3A_430 = arith.constant 0 : i32
      %dma_wait3A_431 = arith.constant 0 : i32
      %dma_wait3A_432 = tpu.memref_slice %arg11[%dma_wait3A_430, %dma_wait3A_431] : memref<128x80xi32, #tpu.memory_space<vmem>> -> memref<1x80xi32, #tpu.memory_space<vmem>>
      %dma_wait3A_433 = tpu.memref_squeeze %dma_wait3A_432 : memref<1x80xi32, #tpu.memory_space<vmem>> -> memref<80xi32, #tpu.memory_space<vmem>>
      %dma_wait3A_434 = arith.constant 0 : i32
      %dma_wait3A_435 = arith.constant 0 : i32
      %dma_wait3A_436 = tpu.memref_slice %arg3[%dma_wait3A_434, %dma_wait3A_435] : memref<10008x32xf32, #tpu.memory_space<hbm>> -> memref<10008x32xf32, #tpu.memory_space<hbm>>
      tpu.wait_indirect_dma semaphore(%arg28 : memref<!tpu.dma_semaphore, #tpu.memory_space<semaphore_mem>>) src(%dma_wait3A_436 : memref<10008x32xf32, #tpu.memory_space<hbm>>) dst(%arg18 : memref<80x32xf32, #tpu.memory_space<vmem>>)
      %dma_start3A_437 = arith.constant 0 : i32
      %dma_start3A_438 = tpu.memref_slice %arg10[%add3A_422, %dma_start3A_437] : memref<128x80xi32, #tpu.memory_space<vmem>> -> memref<1x80xi32, #tpu.memory_space<vmem>>
      %dma_start3A_439 = tpu.memref_squeeze %dma_start3A_438 : memref<1x80xi32, #tpu.memory_space<vmem>> -> memref<80xi32, #tpu.memory_space<vmem>>
      %dma_start3A_440 = arith.constant 0 : i32
      %dma_start3A_441 = arith.constant 0 : i32
      %dma_start3A_442 = tpu.memref_slice %arg21[%dma_start3A_440, %dma_start3A_441] : memref<10016x32xf32, #tpu.memory_space<vmem_shared>> -> memref<10016x32xf32, #tpu.memory_space<vmem_shared>>
      tpu.enqueue_indirect_dma source(%arg14 : memref<80x32xf32, #tpu.memory_space<vmem>>) target(%dma_start3A_442 : memref<10016x32xf32, #tpu.memory_space<vmem_shared>>) offsets(%dma_start3A_439 : memref<80xi32, #tpu.memory_space<vmem>>) semaphore(%arg32 : memref<!tpu.dma_semaphore, #tpu.memory_space<semaphore_mem>>) {add = true}
      %dma_start3A_443 = arith.constant 0 : i32
      %dma_start3A_444 = tpu.memref_slice %arg12[%add3A_422, %dma_start3A_443] : memref<128x80xi32, #tpu.memory_space<vmem>> -> memref<1x80xi32, #tpu.memory_space<vmem>>
      %dma_start3A_445 = tpu.memref_squeeze %dma_start3A_444 : memref<1x80xi32, #tpu.memory_space<vmem>> -> memref<80xi32, #tpu.memory_space<vmem>>
      %dma_start3A_446 = arith.constant 0 : i32
      %dma_start3A_447 = arith.constant 0 : i32
      %dma_start3A_448 = tpu.memref_slice %arg22[%dma_start3A_446, %dma_start3A_447] : memref<10016x32xf32, #tpu.memory_space<vmem_shared>> -> memref<10016x32xf32, #tpu.memory_space<vmem_shared>>
      tpu.enqueue_indirect_dma source(%arg18 : memref<80x32xf32, #tpu.memory_space<vmem>>) target(%dma_start3A_448 : memref<10016x32xf32, #tpu.memory_space<vmem_shared>>) offsets(%dma_start3A_445 : memref<80xi32, #tpu.memory_space<vmem>>) semaphore(%arg36 : memref<!tpu.dma_semaphore, #tpu.memory_space<semaphore_mem>>) {add = true}
      %dma_wait3A_449 = arith.constant 0 : i32
      %dma_wait3A_450 = arith.constant 0 : i32
      %dma_wait3A_451 = tpu.memref_slice %arg10[%dma_wait3A_449, %dma_wait3A_450] : memref<128x80xi32, #tpu.memory_space<vmem>> -> memref<1x80xi32, #tpu.memory_space<vmem>>
      %dma_wait3A_452 = tpu.memref_squeeze %dma_wait3A_451 : memref<1x80xi32, #tpu.memory_space<vmem>> -> memref<80xi32, #tpu.memory_space<vmem>>
      %dma_wait3A_453 = arith.constant 0 : i32
      %dma_wait3A_454 = arith.constant 0 : i32
      %dma_wait3A_455 = tpu.memref_slice %arg21[%dma_wait3A_453, %dma_wait3A_454] : memref<10016x32xf32, #tpu.memory_space<vmem_shared>> -> memref<10016x32xf32, #tpu.memory_space<vmem_shared>>
      tpu.wait_indirect_dma semaphore(%arg34 : memref<!tpu.dma_semaphore, #tpu.memory_space<semaphore_mem>>) src(%arg16 : memref<80x32xf32, #tpu.memory_space<vmem>>) dst(%dma_wait3A_455 : memref<10016x32xf32, #tpu.memory_space<vmem_shared>>)
      %dma_wait3A_456 = arith.constant 0 : i32
      %dma_wait3A_457 = arith.constant 0 : i32
      %dma_wait3A_458 = tpu.memref_slice %arg12[%dma_wait3A_456, %dma_wait3A_457] : memref<128x80xi32, #tpu.memory_space<vmem>> -> memref<1x80xi32, #tpu.memory_space<vmem>>
      %dma_wait3A_459 = tpu.memref_squeeze %dma_wait3A_458 : memref<1x80xi32, #tpu.memory_space<vmem>> -> memref<80xi32, #tpu.memory_space<vmem>>
      %dma_wait3A_460 = arith.constant 0 : i32
      %dma_wait3A_461 = arith.constant 0 : i32
      %dma_wait3A_462 = tpu.memref_slice %arg22[%dma_wait3A_460, %dma_wait3A_461] : memref<10016x32xf32, #tpu.memory_space<vmem_shared>> -> memref<10016x32xf32, #tpu.memory_space<vmem_shared>>
      tpu.wait_indirect_dma semaphore(%arg38 : memref<!tpu.dma_semaphore, #tpu.memory_space<semaphore_mem>>) src(%arg20 : memref<80x32xf32, #tpu.memory_space<vmem>>) dst(%dma_wait3A_462 : memref<10016x32xf32, #tpu.memory_space<vmem_shared>>)
      %add3A_463 = arith.constant 2 : i32
      %add3A_464 = arith.addi %add3A_422, %add3A_463 : i32
      %dma_start3A_465 = arith.constant 0 : i32
      %dma_start3A_466 = tpu.memref_slice %arg9[%add3A_464, %dma_start3A_465] : memref<128x80xi32, #tpu.memory_space<vmem>> -> memref<1x80xi32, #tpu.memory_space<vmem>>
      %dma_start3A_467 = tpu.memref_squeeze %dma_start3A_466 : memref<1x80xi32, #tpu.memory_space<vmem>> -> memref<80xi32, #tpu.memory_space<vmem>>
      %dma_start3A_468 = arith.constant 0 : i32
      %dma_start3A_469 = arith.constant 0 : i32
      %dma_start3A_470 = tpu.memref_slice %arg2[%dma_start3A_468, %dma_start3A_469] : memref<10008x32xf32, #tpu.memory_space<hbm>> -> memref<10008x32xf32, #tpu.memory_space<hbm>>
      tpu.enqueue_indirect_dma source(%dma_start3A_470 : memref<10008x32xf32, #tpu.memory_space<hbm>>) target(%arg16 : memref<80x32xf32, #tpu.memory_space<vmem>>) offsets(%dma_start3A_467 : memref<80xi32, #tpu.memory_space<vmem>>) semaphore(%arg26 : memref<!tpu.dma_semaphore, #tpu.memory_space<semaphore_mem>>)
      %dma_start3A_471 = arith.constant 0 : i32
      %dma_start3A_472 = tpu.memref_slice %arg11[%add3A_464, %dma_start3A_471] : memref<128x80xi32, #tpu.memory_space<vmem>> -> memref<1x80xi32, #tpu.memory_space<vmem>>
      %dma_start3A_473 = tpu.memref_squeeze %dma_start3A_472 : memref<1x80xi32, #tpu.memory_space<vmem>> -> memref<80xi32, #tpu.memory_space<vmem>>
      %dma_start3A_474 = arith.constant 0 : i32
      %dma_start3A_475 = arith.constant 0 : i32
      %dma_start3A_476 = tpu.memref_slice %arg3[%dma_start3A_474, %dma_start3A_475] : memref<10008x32xf32, #tpu.memory_space<hbm>> -> memref<10008x32xf32, #tpu.memory_space<hbm>>
      tpu.enqueue_indirect_dma source(%dma_start3A_476 : memref<10008x32xf32, #tpu.memory_space<hbm>>) target(%arg20 : memref<80x32xf32, #tpu.memory_space<vmem>>) offsets(%dma_start3A_473 : memref<80xi32, #tpu.memory_space<vmem>>) semaphore(%arg30 : memref<!tpu.dma_semaphore, #tpu.memory_space<semaphore_mem>>)
      %scan3A_477 = arith.constant 0 : i32
      scf.yield %scan3A_477 : i32
    }
    %scan3A_121 = arith.constant 31 : i32
    %dma_wait3A_122 = arith.constant 0 : i32
    %dma_wait3A_123 = arith.constant 0 : i32
    %dma_wait3A_124 = tpu.memref_slice %arg9[%dma_wait3A_122, %dma_wait3A_123] : memref<128x80xi32, #tpu.memory_space<vmem>> -> memref<1x80xi32, #tpu.memory_space<vmem>>
    %dma_wait3A_125 = tpu.memref_squeeze %dma_wait3A_124 : memref<1x80xi32, #tpu.memory_space<vmem>> -> memref<80xi32, #tpu.memory_space<vmem>>
    %dma_wait3A_126 = arith.constant 0 : i32
    %dma_wait3A_127 = arith.constant 0 : i32
    %dma_wait3A_128 = tpu.memref_slice %arg2[%dma_wait3A_126, %dma_wait3A_127] : memref<10008x32xf32, #tpu.memory_space<hbm>> -> memref<10008x32xf32, #tpu.memory_space<hbm>>
    tpu.wait_indirect_dma semaphore(%arg25 : memref<!tpu.dma_semaphore, #tpu.memory_space<semaphore_mem>>) src(%dma_wait3A_128 : memref<10008x32xf32, #tpu.memory_space<hbm>>) dst(%arg15 : memref<80x32xf32, #tpu.memory_space<vmem>>)
    %dma_wait3A_129 = arith.constant 0 : i32
    %dma_wait3A_130 = arith.constant 0 : i32
    %dma_wait3A_131 = tpu.memref_slice %arg11[%dma_wait3A_129, %dma_wait3A_130] : memref<128x80xi32, #tpu.memory_space<vmem>> -> memref<1x80xi32, #tpu.memory_space<vmem>>
    %dma_wait3A_132 = tpu.memref_squeeze %dma_wait3A_131 : memref<1x80xi32, #tpu.memory_space<vmem>> -> memref<80xi32, #tpu.memory_space<vmem>>
    %dma_wait3A_133 = arith.constant 0 : i32
    %dma_wait3A_134 = arith.constant 0 : i32
    %dma_wait3A_135 = tpu.memref_slice %arg3[%dma_wait3A_133, %dma_wait3A_134] : memref<10008x32xf32, #tpu.memory_space<hbm>> -> memref<10008x32xf32, #tpu.memory_space<hbm>>
    tpu.wait_indirect_dma semaphore(%arg29 : memref<!tpu.dma_semaphore, #tpu.memory_space<semaphore_mem>>) src(%dma_wait3A_135 : memref<10008x32xf32, #tpu.memory_space<hbm>>) dst(%arg19 : memref<80x32xf32, #tpu.memory_space<vmem>>)
    %dma_start3A_136 = arith.constant 126 : i32
    %dma_start3A_137 = arith.constant 0 : i32
    %dma_start3A_138 = tpu.memref_slice %arg10[%dma_start3A_136, %dma_start3A_137] : memref<128x80xi32, #tpu.memory_space<vmem>> -> memref<1x80xi32, #tpu.memory_space<vmem>>
    %dma_start3A_139 = tpu.memref_squeeze %dma_start3A_138 : memref<1x80xi32, #tpu.memory_space<vmem>> -> memref<80xi32, #tpu.memory_space<vmem>>
    %dma_start3A_140 = arith.constant 0 : i32
    %dma_start3A_141 = arith.constant 0 : i32
    %dma_start3A_142 = tpu.memref_slice %arg21[%dma_start3A_140, %dma_start3A_141] : memref<10016x32xf32, #tpu.memory_space<vmem_shared>> -> memref<10016x32xf32, #tpu.memory_space<vmem_shared>>
    tpu.enqueue_indirect_dma source(%arg15 : memref<80x32xf32, #tpu.memory_space<vmem>>) target(%dma_start3A_142 : memref<10016x32xf32, #tpu.memory_space<vmem_shared>>) offsets(%dma_start3A_139 : memref<80xi32, #tpu.memory_space<vmem>>) semaphore(%arg33 : memref<!tpu.dma_semaphore, #tpu.memory_space<semaphore_mem>>) {add = true}
    %dma_start3A_143 = arith.constant 126 : i32
    %dma_start3A_144 = arith.constant 0 : i32
    %dma_start3A_145 = tpu.memref_slice %arg12[%dma_start3A_143, %dma_start3A_144] : memref<128x80xi32, #tpu.memory_space<vmem>> -> memref<1x80xi32, #tpu.memory_space<vmem>>
    %dma_start3A_146 = tpu.memref_squeeze %dma_start3A_145 : memref<1x80xi32, #tpu.memory_space<vmem>> -> memref<80xi32, #tpu.memory_space<vmem>>
    %dma_start3A_147 = arith.constant 0 : i32
    %dma_start3A_148 = arith.constant 0 : i32
    %dma_start3A_149 = tpu.memref_slice %arg22[%dma_start3A_147, %dma_start3A_148] : memref<10016x32xf32, #tpu.memory_space<vmem_shared>> -> memref<10016x32xf32, #tpu.memory_space<vmem_shared>>
    tpu.enqueue_indirect_dma source(%arg19 : memref<80x32xf32, #tpu.memory_space<vmem>>) target(%dma_start3A_149 : memref<10016x32xf32, #tpu.memory_space<vmem_shared>>) offsets(%dma_start3A_146 : memref<80xi32, #tpu.memory_space<vmem>>) semaphore(%arg37 : memref<!tpu.dma_semaphore, #tpu.memory_space<semaphore_mem>>) {add = true}
    %dma_wait3A_150 = arith.constant 0 : i32
    %dma_wait3A_151 = arith.constant 0 : i32
    %dma_wait3A_152 = tpu.memref_slice %arg10[%dma_wait3A_150, %dma_wait3A_151] : memref<128x80xi32, #tpu.memory_space<vmem>> -> memref<1x80xi32, #tpu.memory_space<vmem>>
    %dma_wait3A_153 = tpu.memref_squeeze %dma_wait3A_152 : memref<1x80xi32, #tpu.memory_space<vmem>> -> memref<80xi32, #tpu.memory_space<vmem>>
    %dma_wait3A_154 = arith.constant 0 : i32
    %dma_wait3A_155 = arith.constant 0 : i32
    %dma_wait3A_156 = tpu.memref_slice %arg21[%dma_wait3A_154, %dma_wait3A_155] : memref<10016x32xf32, #tpu.memory_space<vmem_shared>> -> memref<10016x32xf32, #tpu.memory_space<vmem_shared>>
    tpu.wait_indirect_dma semaphore(%arg31 : memref<!tpu.dma_semaphore, #tpu.memory_space<semaphore_mem>>) src(%arg13 : memref<80x32xf32, #tpu.memory_space<vmem>>) dst(%dma_wait3A_156 : memref<10016x32xf32, #tpu.memory_space<vmem_shared>>)
    %dma_wait3A_157 = arith.constant 0 : i32
    %dma_wait3A_158 = arith.constant 0 : i32
    %dma_wait3A_159 = tpu.memref_slice %arg12[%dma_wait3A_157, %dma_wait3A_158] : memref<128x80xi32, #tpu.memory_space<vmem>> -> memref<1x80xi32, #tpu.memory_space<vmem>>
    %dma_wait3A_160 = tpu.memref_squeeze %dma_wait3A_159 : memref<1x80xi32, #tpu.memory_space<vmem>> -> memref<80xi32, #tpu.memory_space<vmem>>
    %dma_wait3A_161 = arith.constant 0 : i32
    %dma_wait3A_162 = arith.constant 0 : i32
    %dma_wait3A_163 = tpu.memref_slice %arg22[%dma_wait3A_161, %dma_wait3A_162] : memref<10016x32xf32, #tpu.memory_space<vmem_shared>> -> memref<10016x32xf32, #tpu.memory_space<vmem_shared>>
    tpu.wait_indirect_dma semaphore(%arg35 : memref<!tpu.dma_semaphore, #tpu.memory_space<semaphore_mem>>) src(%arg17 : memref<80x32xf32, #tpu.memory_space<vmem>>) dst(%dma_wait3A_163 : memref<10016x32xf32, #tpu.memory_space<vmem_shared>>)
    %dma_wait3A_164 = arith.constant 0 : i32
    %dma_wait3A_165 = arith.constant 0 : i32
    %dma_wait3A_166 = tpu.memref_slice %arg9[%dma_wait3A_164, %dma_wait3A_165] : memref<128x80xi32, #tpu.memory_space<vmem>> -> memref<1x80xi32, #tpu.memory_space<vmem>>
    %dma_wait3A_167 = tpu.memref_squeeze %dma_wait3A_166 : memref<1x80xi32, #tpu.memory_space<vmem>> -> memref<80xi32, #tpu.memory_space<vmem>>
    %dma_wait3A_168 = arith.constant 0 : i32
    %dma_wait3A_169 = arith.constant 0 : i32
    %dma_wait3A_170 = tpu.memref_slice %arg2[%dma_wait3A_168, %dma_wait3A_169] : memref<10008x32xf32, #tpu.memory_space<hbm>> -> memref<10008x32xf32, #tpu.memory_space<hbm>>
    tpu.wait_indirect_dma semaphore(%arg26 : memref<!tpu.dma_semaphore, #tpu.memory_space<semaphore_mem>>) src(%dma_wait3A_170 : memref<10008x32xf32, #tpu.memory_space<hbm>>) dst(%arg16 : memref<80x32xf32, #tpu.memory_space<vmem>>)
    %dma_wait3A_171 = arith.constant 0 : i32
    %dma_wait3A_172 = arith.constant 0 : i32
    %dma_wait3A_173 = tpu.memref_slice %arg11[%dma_wait3A_171, %dma_wait3A_172] : memref<128x80xi32, #tpu.memory_space<vmem>> -> memref<1x80xi32, #tpu.memory_space<vmem>>
    %dma_wait3A_174 = tpu.memref_squeeze %dma_wait3A_173 : memref<1x80xi32, #tpu.memory_space<vmem>> -> memref<80xi32, #tpu.memory_space<vmem>>
    %dma_wait3A_175 = arith.constant 0 : i32
    %dma_wait3A_176 = arith.constant 0 : i32
    %dma_wait3A_177 = tpu.memref_slice %arg3[%dma_wait3A_175, %dma_wait3A_176] : memref<10008x32xf32, #tpu.memory_space<hbm>> -> memref<10008x32xf32, #tpu.memory_space<hbm>>
    tpu.wait_indirect_dma semaphore(%arg30 : memref<!tpu.dma_semaphore, #tpu.memory_space<semaphore_mem>>) src(%dma_wait3A_177 : memref<10008x32xf32, #tpu.memory_space<hbm>>) dst(%arg20 : memref<80x32xf32, #tpu.memory_space<vmem>>)
    %dma_start3A_178 = arith.constant 127 : i32
    %dma_start3A_179 = arith.constant 0 : i32
    %dma_start3A_180 = tpu.memref_slice %arg10[%dma_start3A_178, %dma_start3A_179] : memref<128x80xi32, #tpu.memory_space<vmem>> -> memref<1x80xi32, #tpu.memory_space<vmem>>
    %dma_start3A_181 = tpu.memref_squeeze %dma_start3A_180 : memref<1x80xi32, #tpu.memory_space<vmem>> -> memref<80xi32, #tpu.memory_space<vmem>>
    %dma_start3A_182 = arith.constant 0 : i32
    %dma_start3A_183 = arith.constant 0 : i32
    %dma_start3A_184 = tpu.memref_slice %arg21[%dma_start3A_182, %dma_start3A_183] : memref<10016x32xf32, #tpu.memory_space<vmem_shared>> -> memref<10016x32xf32, #tpu.memory_space<vmem_shared>>
    tpu.enqueue_indirect_dma source(%arg16 : memref<80x32xf32, #tpu.memory_space<vmem>>) target(%dma_start3A_184 : memref<10016x32xf32, #tpu.memory_space<vmem_shared>>) offsets(%dma_start3A_181 : memref<80xi32, #tpu.memory_space<vmem>>) semaphore(%arg34 : memref<!tpu.dma_semaphore, #tpu.memory_space<semaphore_mem>>) {add = true}
    %dma_start3A_185 = arith.constant 127 : i32
    %dma_start3A_186 = arith.constant 0 : i32
    %dma_start3A_187 = tpu.memref_slice %arg12[%dma_start3A_185, %dma_start3A_186] : memref<128x80xi32, #tpu.memory_space<vmem>> -> memref<1x80xi32, #tpu.memory_space<vmem>>
    %dma_start3A_188 = tpu.memref_squeeze %dma_start3A_187 : memref<1x80xi32, #tpu.memory_space<vmem>> -> memref<80xi32, #tpu.memory_space<vmem>>
    %dma_start3A_189 = arith.constant 0 : i32
    %dma_start3A_190 = arith.constant 0 : i32
    %dma_start3A_191 = tpu.memref_slice %arg22[%dma_start3A_189, %dma_start3A_190] : memref<10016x32xf32, #tpu.memory_space<vmem_shared>> -> memref<10016x32xf32, #tpu.memory_space<vmem_shared>>
    tpu.enqueue_indirect_dma source(%arg20 : memref<80x32xf32, #tpu.memory_space<vmem>>) target(%dma_start3A_191 : memref<10016x32xf32, #tpu.memory_space<vmem_shared>>) offsets(%dma_start3A_188 : memref<80xi32, #tpu.memory_space<vmem>>) semaphore(%arg38 : memref<!tpu.dma_semaphore, #tpu.memory_space<semaphore_mem>>) {add = true}
    %dma_wait3A_192 = arith.constant 0 : i32
    %dma_wait3A_193 = arith.constant 0 : i32
    %dma_wait3A_194 = tpu.memref_slice %arg10[%dma_wait3A_192, %dma_wait3A_193] : memref<128x80xi32, #tpu.memory_space<vmem>> -> memref<1x80xi32, #tpu.memory_space<vmem>>
    %dma_wait3A_195 = tpu.memref_squeeze %dma_wait3A_194 : memref<1x80xi32, #tpu.memory_space<vmem>> -> memref<80xi32, #tpu.memory_space<vmem>>
    %dma_wait3A_196 = arith.constant 0 : i32
    %dma_wait3A_197 = arith.constant 0 : i32
    %dma_wait3A_198 = tpu.memref_slice %arg21[%dma_wait3A_196, %dma_wait3A_197] : memref<10016x32xf32, #tpu.memory_space<vmem_shared>> -> memref<10016x32xf32, #tpu.memory_space<vmem_shared>>
    tpu.wait_indirect_dma semaphore(%arg32 : memref<!tpu.dma_semaphore, #tpu.memory_space<semaphore_mem>>) src(%arg14 : memref<80x32xf32, #tpu.memory_space<vmem>>) dst(%dma_wait3A_198 : memref<10016x32xf32, #tpu.memory_space<vmem_shared>>)
    %dma_wait3A_199 = arith.constant 0 : i32
    %dma_wait3A_200 = arith.constant 0 : i32
    %dma_wait3A_201 = tpu.memref_slice %arg12[%dma_wait3A_199, %dma_wait3A_200] : memref<128x80xi32, #tpu.memory_space<vmem>> -> memref<1x80xi32, #tpu.memory_space<vmem>>
    %dma_wait3A_202 = tpu.memref_squeeze %dma_wait3A_201 : memref<1x80xi32, #tpu.memory_space<vmem>> -> memref<80xi32, #tpu.memory_space<vmem>>
    %dma_wait3A_203 = arith.constant 0 : i32
    %dma_wait3A_204 = arith.constant 0 : i32
    %dma_wait3A_205 = tpu.memref_slice %arg22[%dma_wait3A_203, %dma_wait3A_204] : memref<10016x32xf32, #tpu.memory_space<vmem_shared>> -> memref<10016x32xf32, #tpu.memory_space<vmem_shared>>
    tpu.wait_indirect_dma semaphore(%arg36 : memref<!tpu.dma_semaphore, #tpu.memory_space<semaphore_mem>>) src(%arg18 : memref<80x32xf32, #tpu.memory_space<vmem>>) dst(%dma_wait3A_205 : memref<10016x32xf32, #tpu.memory_space<vmem_shared>>)
    %dma_wait3A_206 = arith.constant 0 : i32
    %dma_wait3A_207 = arith.constant 0 : i32
    %dma_wait3A_208 = tpu.memref_slice %arg10[%dma_wait3A_206, %dma_wait3A_207] : memref<128x80xi32, #tpu.memory_space<vmem>> -> memref<1x80xi32, #tpu.memory_space<vmem>>
    %dma_wait3A_209 = tpu.memref_squeeze %dma_wait3A_208 : memref<1x80xi32, #tpu.memory_space<vmem>> -> memref<80xi32, #tpu.memory_space<vmem>>
    %dma_wait3A_210 = arith.constant 0 : i32
    %dma_wait3A_211 = arith.constant 0 : i32
    %dma_wait3A_212 = tpu.memref_slice %arg21[%dma_wait3A_210, %dma_wait3A_211] : memref<10016x32xf32, #tpu.memory_space<vmem_shared>> -> memref<10016x32xf32, #tpu.memory_space<vmem_shared>>
    tpu.wait_indirect_dma semaphore(%arg33 : memref<!tpu.dma_semaphore, #tpu.memory_space<semaphore_mem>>) src(%arg15 : memref<80x32xf32, #tpu.memory_space<vmem>>) dst(%dma_wait3A_212 : memref<10016x32xf32, #tpu.memory_space<vmem_shared>>)
    %dma_wait3A_213 = arith.constant 0 : i32
    %dma_wait3A_214 = arith.constant 0 : i32
    %dma_wait3A_215 = tpu.memref_slice %arg12[%dma_wait3A_213, %dma_wait3A_214] : memref<128x80xi32, #tpu.memory_space<vmem>> -> memref<1x80xi32, #tpu.memory_space<vmem>>
    %dma_wait3A_216 = tpu.memref_squeeze %dma_wait3A_215 : memref<1x80xi32, #tpu.memory_space<vmem>> -> memref<80xi32, #tpu.memory_space<vmem>>
    %dma_wait3A_217 = arith.constant 0 : i32
    %dma_wait3A_218 = arith.constant 0 : i32
    %dma_wait3A_219 = tpu.memref_slice %arg22[%dma_wait3A_217, %dma_wait3A_218] : memref<10016x32xf32, #tpu.memory_space<vmem_shared>> -> memref<10016x32xf32, #tpu.memory_space<vmem_shared>>
    tpu.wait_indirect_dma semaphore(%arg37 : memref<!tpu.dma_semaphore, #tpu.memory_space<semaphore_mem>>) src(%arg19 : memref<80x32xf32, #tpu.memory_space<vmem>>) dst(%dma_wait3A_219 : memref<10016x32xf32, #tpu.memory_space<vmem_shared>>)
    %dma_wait3A_220 = arith.constant 0 : i32
    %dma_wait3A_221 = arith.constant 0 : i32
    %dma_wait3A_222 = tpu.memref_slice %arg10[%dma_wait3A_220, %dma_wait3A_221] : memref<128x80xi32, #tpu.memory_space<vmem>> -> memref<1x80xi32, #tpu.memory_space<vmem>>
    %dma_wait3A_223 = tpu.memref_squeeze %dma_wait3A_222 : memref<1x80xi32, #tpu.memory_space<vmem>> -> memref<80xi32, #tpu.memory_space<vmem>>
    %dma_wait3A_224 = arith.constant 0 : i32
    %dma_wait3A_225 = arith.constant 0 : i32
    %dma_wait3A_226 = tpu.memref_slice %arg21[%dma_wait3A_224, %dma_wait3A_225] : memref<10016x32xf32, #tpu.memory_space<vmem_shared>> -> memref<10016x32xf32, #tpu.memory_space<vmem_shared>>
    tpu.wait_indirect_dma semaphore(%arg34 : memref<!tpu.dma_semaphore, #tpu.memory_space<semaphore_mem>>) src(%arg16 : memref<80x32xf32, #tpu.memory_space<vmem>>) dst(%dma_wait3A_226 : memref<10016x32xf32, #tpu.memory_space<vmem_shared>>)
    %dma_wait3A_227 = arith.constant 0 : i32
    %dma_wait3A_228 = arith.constant 0 : i32
    %dma_wait3A_229 = tpu.memref_slice %arg12[%dma_wait3A_227, %dma_wait3A_228] : memref<128x80xi32, #tpu.memory_space<vmem>> -> memref<1x80xi32, #tpu.memory_space<vmem>>
    %dma_wait3A_230 = tpu.memref_squeeze %dma_wait3A_229 : memref<1x80xi32, #tpu.memory_space<vmem>> -> memref<80xi32, #tpu.memory_space<vmem>>
    %dma_wait3A_231 = arith.constant 0 : i32
    %dma_wait3A_232 = arith.constant 0 : i32
    %dma_wait3A_233 = tpu.memref_slice %arg22[%dma_wait3A_231, %dma_wait3A_232] : memref<10016x32xf32, #tpu.memory_space<vmem_shared>> -> memref<10016x32xf32, #tpu.memory_space<vmem_shared>>
    tpu.wait_indirect_dma semaphore(%arg38 : memref<!tpu.dma_semaphore, #tpu.memory_space<semaphore_mem>>) src(%arg20 : memref<80x32xf32, #tpu.memory_space<vmem>>) dst(%dma_wait3A_233 : memref<10016x32xf32, #tpu.memory_space<vmem_shared>>)
    %barrier3A_234 = arith.constant 0 : index
    tpu.barrier barrier_id(%barrier3A_234)
    "tpu.region"() ({
      %run_scoped3A_235 = tpu.sem_alloc : memref<!tpu.dma_semaphore, #tpu.memory_space<semaphore_mem>>
      %dma_start3A_236 = arith.constant 0 : i32
      %dma_start3A_237 = tpu.memref_slice %arg7[%arg0, %mul3A_2, %dma_start3A_236] : memref<2x10016x32xf32, #tpu.memory_space<hbm>> -> memref<1x626x32xf32, #tpu.memory_space<hbm>>
      %dma_start3A_238 = tpu.memref_squeeze %dma_start3A_237 : memref<1x626x32xf32, #tpu.memory_space<hbm>> -> memref<626x32xf32, #tpu.memory_space<hbm>>
      %dma_start3A_239 = arith.constant 0 : i32
      %dma_start3A_240 = tpu.memref_slice %arg21[%mul3A_2, %dma_start3A_239] : memref<10016x32xf32, #tpu.memory_space<vmem_shared>> -> memref<626x32xf32, #tpu.memory_space<vmem_shared>>
      tpu.enqueue_dma source(%dma_start3A_240 : memref<626x32xf32, #tpu.memory_space<vmem_shared>>) target(%dma_start3A_238 : memref<626x32xf32, #tpu.memory_space<hbm>>) target_semaphore(%run_scoped3A_235 : memref<!tpu.dma_semaphore, #tpu.memory_space<semaphore_mem>>)
      %dma_wait3A_241 = arith.constant 0 : i32
      %dma_wait3A_242 = tpu.memref_slice %arg7[%arg0, %mul3A_2, %dma_wait3A_241] : memref<2x10016x32xf32, #tpu.memory_space<hbm>> -> memref<1x626x32xf32, #tpu.memory_space<hbm>>
      %dma_wait3A_243 = tpu.memref_squeeze %dma_wait3A_242 : memref<1x626x32xf32, #tpu.memory_space<hbm>> -> memref<626x32xf32, #tpu.memory_space<hbm>>
      %dma_wait3A_244 = arith.constant 0 : i32
      %dma_wait3A_245 = tpu.memref_slice %arg21[%mul3A_2, %dma_wait3A_244] : memref<10016x32xf32, #tpu.memory_space<vmem_shared>> -> memref<626x32xf32, #tpu.memory_space<vmem_shared>>
      tpu.wait_dma2 semaphore(%run_scoped3A_235 : memref<!tpu.dma_semaphore, #tpu.memory_space<semaphore_mem>>) src(%dma_wait3A_245 : memref<626x32xf32, #tpu.memory_space<vmem_shared>>) dst(%dma_wait3A_243 : memref<626x32xf32, #tpu.memory_space<hbm>>)
      tpu.yield
    }) : () -> ()
    "tpu.region"() ({
      %run_scoped3A_235 = tpu.sem_alloc : memref<!tpu.dma_semaphore, #tpu.memory_space<semaphore_mem>>
      %dma_start3A_236 = arith.constant 0 : i32
      %dma_start3A_237 = tpu.memref_slice %arg8[%arg0, %mul3A_2, %dma_start3A_236] : memref<2x10016x32xf32, #tpu.memory_space<hbm>> -> memref<1x626x32xf32, #tpu.memory_space<hbm>>
      %dma_start3A_238 = tpu.memref_squeeze %dma_start3A_237 : memref<1x626x32xf32, #tpu.memory_space<hbm>> -> memref<626x32xf32, #tpu.memory_space<hbm>>
      %dma_start3A_239 = arith.constant 0 : i32
      %dma_start3A_240 = tpu.memref_slice %arg22[%mul3A_2, %dma_start3A_239] : memref<10016x32xf32, #tpu.memory_space<vmem_shared>> -> memref<626x32xf32, #tpu.memory_space<vmem_shared>>
      tpu.enqueue_dma source(%dma_start3A_240 : memref<626x32xf32, #tpu.memory_space<vmem_shared>>) target(%dma_start3A_238 : memref<626x32xf32, #tpu.memory_space<hbm>>) target_semaphore(%run_scoped3A_235 : memref<!tpu.dma_semaphore, #tpu.memory_space<semaphore_mem>>)
      %dma_wait3A_241 = arith.constant 0 : i32
      %dma_wait3A_242 = tpu.memref_slice %arg8[%arg0, %mul3A_2, %dma_wait3A_241] : memref<2x10016x32xf32, #tpu.memory_space<hbm>> -> memref<1x626x32xf32, #tpu.memory_space<hbm>>
      %dma_wait3A_243 = tpu.memref_squeeze %dma_wait3A_242 : memref<1x626x32xf32, #tpu.memory_space<hbm>> -> memref<626x32xf32, #tpu.memory_space<hbm>>
      %dma_wait3A_244 = arith.constant 0 : i32
      %dma_wait3A_245 = tpu.memref_slice %arg22[%mul3A_2, %dma_wait3A_244] : memref<10016x32xf32, #tpu.memory_space<vmem_shared>> -> memref<626x32xf32, #tpu.memory_space<vmem_shared>>
      tpu.wait_dma2 semaphore(%run_scoped3A_235 : memref<!tpu.dma_semaphore, #tpu.memory_space<semaphore_mem>>) src(%dma_wait3A_245 : memref<626x32xf32, #tpu.memory_space<vmem_shared>>) dst(%dma_wait3A_243 : memref<626x32xf32, #tpu.memory_space<hbm>>)
      tpu.yield
    }) : () -> ()
    return
  }
}

module attributes {stable_mosaic.version = 14 : i64} {
  func.func @_dense1_body(%arg0: memref<128x10000xf32, #tpu.memory_space<vmem>>, %arg1: memref<32x128xf32, #tpu.memory_space<vmem>>, %arg2: memref<32x128xf32, #tpu.memory_space<vmem>>, %arg3: memref<32x10000xf32, #tpu.memory_space<vmem>>, %arg4: memref<32x10000xf32, #tpu.memory_space<vmem>>, %arg5: memref<32x10000xf32, #tpu.memory_space<vmem>>, %arg6: memref<32x10000xf32, #tpu.memory_space<vmem>>, %arg7: memref<1x10000xf32, #tpu.memory_space<vmem>>, %arg8: memref<1x10000xf32, #tpu.memory_space<vmem>>) attributes {dimension_semantics = [], scalar_prefetch = 0 : i64, scratch_operands = 0 : i64, tpu.core_type = #tpu.core_type<tc>} {
    %get3A = arith.constant 0 : index
    %get3A_0 = arith.constant 0 : index
    %get3A_1 = vector.load %arg3[%get3A, %get3A_0] : memref<32x10000xf32, #tpu.memory_space<vmem>>, vector<32x10000xf32>
    %reduce_sum3A = arith.constant dense<0.000000e+00> : vector<10000xf32>
    %reduce_sum3A_2 = vector.multi_reduction <add>, %get3A_1, %reduce_sum3A [0] : vector<32x10000xf32> to vector<10000xf32>
    %broadcast_in_dim3A = vector.shape_cast %reduce_sum3A_2 : vector<10000xf32> to vector<1x10000xf32>
    %add3A = arith.constant 1.000000e+00 : f32
    %add3A_3 = vector.broadcast %add3A : f32 to vector<1x10000xf32>
    %add3A_4 = arith.addf %broadcast_in_dim3A, %add3A_3 : vector<1x10000xf32>
    %rsqrt3A = math.rsqrt %add3A_4 : vector<1x10000xf32>
    %get3A_5 = arith.constant 0 : index
    %get3A_6 = arith.constant 0 : index
    %get3A_7 = vector.load %arg4[%get3A_5, %get3A_6] : memref<32x10000xf32, #tpu.memory_space<vmem>>, vector<32x10000xf32>
    %reduce_sum3A_8 = arith.constant dense<0.000000e+00> : vector<10000xf32>
    %reduce_sum3A_9 = vector.multi_reduction <add>, %get3A_7, %reduce_sum3A_8 [0] : vector<32x10000xf32> to vector<10000xf32>
    %broadcast_in_dim3A_10 = vector.shape_cast %reduce_sum3A_9 : vector<10000xf32> to vector<1x10000xf32>
    %add3A_11 = arith.constant 1.000000e+00 : f32
    %add3A_12 = vector.broadcast %add3A_11 : f32 to vector<1x10000xf32>
    %add3A_13 = arith.addf %broadcast_in_dim3A_10, %add3A_12 : vector<1x10000xf32>
    %rsqrt3A_14 = math.rsqrt %add3A_13 : vector<1x10000xf32>
    %swap3A = arith.constant 0 : index
    %swap3A_15 = arith.constant 0 : index
    %swap3A_16 = vector.load %arg7[%swap3A, %swap3A_15] : memref<1x10000xf32, #tpu.memory_space<vmem>>, vector<1x10000xf32>
    tpu.vector_store %arg7[%swap3A, %swap3A_15], %rsqrt3A {strides = array<i32>} : memref<1x10000xf32, #tpu.memory_space<vmem>>, vector<1x10000xf32>,
    %swap3A_17 = arith.constant 0 : index
    %swap3A_18 = arith.constant 0 : index
    %swap3A_19 = vector.load %arg8[%swap3A_17, %swap3A_18] : memref<1x10000xf32, #tpu.memory_space<vmem>>, vector<1x10000xf32>
    tpu.vector_store %arg8[%swap3A_17, %swap3A_18], %rsqrt3A_14 {strides = array<i32>} : memref<1x10000xf32, #tpu.memory_space<vmem>>, vector<1x10000xf32>,
    %get3A_20 = arith.constant 0 : index
    %get3A_21 = arith.constant 0 : index
    %get3A_22 = vector.load %arg0[%get3A_20, %get3A_21] : memref<128x10000xf32, #tpu.memory_space<vmem>>, vector<128x10000xf32>
    %get3A_23 = arith.constant 0 : index
    %get3A_24 = arith.constant 0 : index
    %get3A_25 = vector.load %arg1[%get3A_23, %get3A_24] : memref<32x128xf32, #tpu.memory_space<vmem>>, vector<32x128xf32>
    %dot_general3A = arith.constant dense<0.000000e+00> : vector<32x10000xf32>
    %dot_general3A_26 = tpu.matmul %get3A_25, %get3A_22, %dot_general3A {dimension_numbers = #tpu.dot_dimension_numbers<[1], [0], [0], [1], [0, 0, 1, 1], [], []>, precision = #tpu.contract_precision<fp32>, transpose_lhs_hint = false} : vector<32x128xf32>, vector<128x10000xf32>, vector<32x10000xf32> -> vector<32x10000xf32>
    %mul3A = vector.broadcast %rsqrt3A : vector<1x10000xf32> to vector<32x10000xf32>
    %mul3A_27 = arith.mulf %dot_general3A_26, %mul3A : vector<32x10000xf32>
    %swap3A_28 = arith.constant 0 : index
    %swap3A_29 = arith.constant 0 : index
    %swap3A_30 = vector.load %arg5[%swap3A_28, %swap3A_29] : memref<32x10000xf32, #tpu.memory_space<vmem>>, vector<32x10000xf32>
    tpu.vector_store %arg5[%swap3A_28, %swap3A_29], %mul3A_27 {strides = array<i32>} : memref<32x10000xf32, #tpu.memory_space<vmem>>, vector<32x10000xf32>,
    %get3A_31 = arith.constant 0 : index
    %get3A_32 = arith.constant 0 : index
    %get3A_33 = vector.load %arg2[%get3A_31, %get3A_32] : memref<32x128xf32, #tpu.memory_space<vmem>>, vector<32x128xf32>
    %dot_general3A_34 = arith.constant dense<0.000000e+00> : vector<32x10000xf32>
    %dot_general3A_35 = tpu.matmul %get3A_33, %get3A_22, %dot_general3A_34 {dimension_numbers = #tpu.dot_dimension_numbers<[1], [0], [0], [1], [0, 0, 1, 1], [], []>, precision = #tpu.contract_precision<fp32>, transpose_lhs_hint = false} : vector<32x128xf32>, vector<128x10000xf32>, vector<32x10000xf32> -> vector<32x10000xf32>
    %mul3A_36 = vector.broadcast %rsqrt3A_14 : vector<1x10000xf32> to vector<32x10000xf32>
    %mul3A_37 = arith.mulf %dot_general3A_35, %mul3A_36 : vector<32x10000xf32>
    %swap3A_38 = arith.constant 0 : index
    %swap3A_39 = arith.constant 0 : index
    %swap3A_40 = vector.load %arg6[%swap3A_38, %swap3A_39] : memref<32x10000xf32, #tpu.memory_space<vmem>>, vector<32x10000xf32>
    tpu.vector_store %arg6[%swap3A_38, %swap3A_39], %mul3A_37 {strides = array<i32>} : memref<32x10000xf32, #tpu.memory_space<vmem>>, vector<32x10000xf32>,
    return
  }
}

module attributes {stable_mosaic.version = 14 : i64} {
  func.func @_dense2_body(%arg0: memref<2x32x10000xf32, #tpu.memory_space<vmem>>, %arg1: memref<32x10000xf32, #tpu.memory_space<vmem>>, %arg2: memref<2x32x10000xf32, #tpu.memory_space<vmem>>, %arg3: memref<32x10000xf32, #tpu.memory_space<vmem>>, %arg4: memref<1x10000xf32, #tpu.memory_space<vmem>>, %arg5: memref<1x10000xf32, #tpu.memory_space<vmem>>, %arg6: memref<32x1xf32, #tpu.memory_space<vmem>>, %arg7: memref<32x1xf32, #tpu.memory_space<vmem>>, %arg8: memref<32x32xf32, #tpu.memory_space<vmem>>, %arg9: memref<32x32xf32, #tpu.memory_space<vmem>>, %arg10: memref<32x1xf32, #tpu.memory_space<vmem>>, %arg11: memref<32x32xf32, #tpu.memory_space<vmem>>, %arg12: memref<32x1xf32, #tpu.memory_space<vmem>>, %arg13: memref<32x32xf32, #tpu.memory_space<vmem>>, %arg14: memref<32x32xf32, #tpu.memory_space<vmem>>, %arg15: memref<32x10000xf32, #tpu.memory_space<vmem>>, %arg16: memref<32x10000xf32, #tpu.memory_space<vmem>>) attributes {dimension_semantics = [], scalar_prefetch = 0 : i64, scratch_operands = 0 : i64, tpu.core_type = #tpu.core_type<tc>} {
    %get3A = arith.constant 0 : index
    %get3A_0 = arith.constant 0 : index
    %get3A_1 = vector.load %arg4[%get3A, %get3A_0] : memref<1x10000xf32, #tpu.memory_space<vmem>>, vector<1x10000xf32>
    %get3A_2 = arith.constant 0 : index
    %get3A_3 = arith.constant 0 : index
    %get3A_4 = vector.load %arg5[%get3A_2, %get3A_3] : memref<1x10000xf32, #tpu.memory_space<vmem>>, vector<1x10000xf32>
    %get3A_5 = arith.constant 0 : index
    %get3A_6 = arith.constant 0 : index
    %get3A_7 = vector.load %arg1[%get3A_5, %get3A_6] : memref<32x10000xf32, #tpu.memory_space<vmem>>, vector<32x10000xf32>
    %get3A_8 = arith.constant 0 : index
    %get3A_9 = arith.constant 0 : index
    %get3A_10 = vector.load %arg3[%get3A_8, %get3A_9] : memref<32x10000xf32, #tpu.memory_space<vmem>>, vector<32x10000xf32>
    %get3A_11 = arith.constant 0 : index
    %get3A_12 = arith.constant 0 : index
    %get3A_13 = arith.constant 0 : index
    %get3A_14 = vector.load %arg0[%get3A_11, %get3A_12, %get3A_13] : memref<2x32x10000xf32, #tpu.memory_space<vmem>>, vector<1x32x10000xf32>
    %get3A_15 = vector.shape_cast %get3A_14 : vector<1x32x10000xf32> to vector<32x10000xf32>
    %get3A_16 = arith.constant 1 : index
    %get3A_17 = arith.constant 0 : index
    %get3A_18 = arith.constant 0 : index
    %get3A_19 = vector.load %arg0[%get3A_16, %get3A_17, %get3A_18] : memref<2x32x10000xf32, #tpu.memory_space<vmem>>, vector<1x32x10000xf32>
    %get3A_20 = vector.shape_cast %get3A_19 : vector<1x32x10000xf32> to vector<32x10000xf32>
    %add3A = arith.addf %get3A_15, %get3A_20 : vector<32x10000xf32>
    %add3A_21 = arith.addf %add3A, %get3A_7 : vector<32x10000xf32>
    %mul3A = vector.broadcast %get3A_1 : vector<1x10000xf32> to vector<32x10000xf32>
    %mul3A_22 = arith.mulf %mul3A, %add3A_21 : vector<32x10000xf32>
    %get3A_23 = arith.constant 0 : index
    %get3A_24 = arith.constant 0 : index
    %get3A_25 = vector.load %arg6[%get3A_23, %get3A_24] : memref<32x1xf32, #tpu.memory_space<vmem>>, vector<32x1xf32>
    %add3A_26 = vector.broadcast %get3A_25 : vector<32x1xf32> to vector<32x10000xf32>
    %add3A_27 = arith.addf %mul3A_22, %add3A_26 : vector<32x10000xf32>
    %max3A = arith.constant 0.000000e+00 : f32
    %max3A_28 = vector.broadcast %max3A : f32 to vector<32x10000xf32>
    %max3A_29 = arith.maximumf %add3A_27, %max3A_28 : vector<32x10000xf32>
    %get3A_30 = arith.constant 0 : index
    %get3A_31 = arith.constant 0 : index
    %get3A_32 = arith.constant 0 : index
    %get3A_33 = vector.load %arg2[%get3A_30, %get3A_31, %get3A_32] : memref<2x32x10000xf32, #tpu.memory_space<vmem>>, vector<1x32x10000xf32>
    %get3A_34 = vector.shape_cast %get3A_33 : vector<1x32x10000xf32> to vector<32x10000xf32>
    %get3A_35 = arith.constant 1 : index
    %get3A_36 = arith.constant 0 : index
    %get3A_37 = arith.constant 0 : index
    %get3A_38 = vector.load %arg2[%get3A_35, %get3A_36, %get3A_37] : memref<2x32x10000xf32, #tpu.memory_space<vmem>>, vector<1x32x10000xf32>
    %get3A_39 = vector.shape_cast %get3A_38 : vector<1x32x10000xf32> to vector<32x10000xf32>
    %add3A_40 = arith.addf %get3A_34, %get3A_39 : vector<32x10000xf32>
    %add3A_41 = arith.addf %add3A_40, %get3A_10 : vector<32x10000xf32>
    %mul3A_42 = vector.broadcast %get3A_4 : vector<1x10000xf32> to vector<32x10000xf32>
    %mul3A_43 = arith.mulf %mul3A_42, %add3A_41 : vector<32x10000xf32>
    %get3A_44 = arith.constant 0 : index
    %get3A_45 = arith.constant 0 : index
    %get3A_46 = vector.load %arg7[%get3A_44, %get3A_45] : memref<32x1xf32, #tpu.memory_space<vmem>>, vector<32x1xf32>
    %add3A_47 = vector.broadcast %get3A_46 : vector<32x1xf32> to vector<32x10000xf32>
    %add3A_48 = arith.addf %mul3A_43, %add3A_47 : vector<32x10000xf32>
    %max3A_49 = arith.constant 0.000000e+00 : f32
    %max3A_50 = vector.broadcast %max3A_49 : f32 to vector<32x10000xf32>
    %max3A_51 = arith.maximumf %add3A_48, %max3A_50 : vector<32x10000xf32>
    %get3A_52 = arith.constant 0 : index
    %get3A_53 = arith.constant 0 : index
    %get3A_54 = vector.load %arg8[%get3A_52, %get3A_53] : memref<32x32xf32, #tpu.memory_space<vmem>>, vector<32x32xf32>
    %dot_general3A = arith.constant dense<0.000000e+00> : vector<32x10000xf32>
    %dot_general3A_55 = tpu.matmul %get3A_54, %max3A_29, %dot_general3A {dimension_numbers = #tpu.dot_dimension_numbers<[1], [0], [0], [1], [0, 0, 1, 1], [], []>, precision = #tpu.contract_precision<fp32>, transpose_lhs_hint = false} : vector<32x32xf32>, vector<32x10000xf32>, vector<32x10000xf32> -> vector<32x10000xf32>
    %get3A_56 = arith.constant 0 : index
    %get3A_57 = arith.constant 0 : index
    %get3A_58 = vector.load %arg9[%get3A_56, %get3A_57] : memref<32x32xf32, #tpu.memory_space<vmem>>, vector<32x32xf32>
    %dot_general3A_59 = arith.constant dense<0.000000e+00> : vector<32x10000xf32>
    %dot_general3A_60 = tpu.matmul %get3A_58, %max3A_51, %dot_general3A_59 {dimension_numbers = #tpu.dot_dimension_numbers<[1], [0], [0], [1], [0, 0, 1, 1], [], []>, precision = #tpu.contract_precision<fp32>, transpose_lhs_hint = false} : vector<32x32xf32>, vector<32x10000xf32>, vector<32x10000xf32> -> vector<32x10000xf32>
    %add3A_61 = arith.addf %dot_general3A_55, %dot_general3A_60 : vector<32x10000xf32>
    %get3A_62 = arith.constant 0 : index
    %get3A_63 = arith.constant 0 : index
    %get3A_64 = vector.load %arg10[%get3A_62, %get3A_63] : memref<32x1xf32, #tpu.memory_space<vmem>>, vector<32x1xf32>
    %add3A_65 = vector.broadcast %get3A_64 : vector<32x1xf32> to vector<32x10000xf32>
    %add3A_66 = arith.addf %add3A_61, %add3A_65 : vector<32x10000xf32>
    %max3A_67 = arith.constant 0.000000e+00 : f32
    %max3A_68 = vector.broadcast %max3A_67 : f32 to vector<32x10000xf32>
    %max3A_69 = arith.maximumf %add3A_66, %max3A_68 : vector<32x10000xf32>
    %get3A_70 = arith.constant 0 : index
    %get3A_71 = arith.constant 0 : index
    %get3A_72 = vector.load %arg11[%get3A_70, %get3A_71] : memref<32x32xf32, #tpu.memory_space<vmem>>, vector<32x32xf32>
    %dot_general3A_73 = arith.constant dense<0.000000e+00> : vector<32x10000xf32>
    %dot_general3A_74 = tpu.matmul %get3A_72, %max3A_69, %dot_general3A_73 {dimension_numbers = #tpu.dot_dimension_numbers<[1], [0], [0], [1], [0, 0, 1, 1], [], []>, precision = #tpu.contract_precision<fp32>, transpose_lhs_hint = false} : vector<32x32xf32>, vector<32x10000xf32>, vector<32x10000xf32> -> vector<32x10000xf32>
    %get3A_75 = arith.constant 0 : index
    %get3A_76 = arith.constant 0 : index
    %get3A_77 = vector.load %arg12[%get3A_75, %get3A_76] : memref<32x1xf32, #tpu.memory_space<vmem>>, vector<32x1xf32>
    %add3A_78 = vector.broadcast %get3A_77 : vector<32x1xf32> to vector<32x10000xf32>
    %add3A_79 = arith.addf %dot_general3A_74, %add3A_78 : vector<32x10000xf32>
    %get3A_80 = arith.constant 0 : index
    %get3A_81 = arith.constant 0 : index
    %get3A_82 = vector.load %arg13[%get3A_80, %get3A_81] : memref<32x32xf32, #tpu.memory_space<vmem>>, vector<32x32xf32>
    %dot_general3A_83 = arith.constant dense<0.000000e+00> : vector<32x10000xf32>
    %dot_general3A_84 = tpu.matmul %get3A_82, %add3A_79, %dot_general3A_83 {dimension_numbers = #tpu.dot_dimension_numbers<[1], [0], [0], [1], [0, 0, 1, 1], [], []>, precision = #tpu.contract_precision<fp32>, transpose_lhs_hint = false} : vector<32x32xf32>, vector<32x10000xf32>, vector<32x10000xf32> -> vector<32x10000xf32>
    %mul3A_85 = vector.broadcast %get3A_1 : vector<1x10000xf32> to vector<32x10000xf32>
    %mul3A_86 = arith.mulf %dot_general3A_84, %mul3A_85 : vector<32x10000xf32>
    %swap3A = arith.constant 0 : index
    %swap3A_87 = arith.constant 0 : index
    %swap3A_88 = vector.load %arg15[%swap3A, %swap3A_87] : memref<32x10000xf32, #tpu.memory_space<vmem>>, vector<32x10000xf32>
    tpu.vector_store %arg15[%swap3A, %swap3A_87], %mul3A_86 {strides = array<i32>} : memref<32x10000xf32, #tpu.memory_space<vmem>>, vector<32x10000xf32>,
    %get3A_89 = arith.constant 0 : index
    %get3A_90 = arith.constant 0 : index
    %get3A_91 = vector.load %arg14[%get3A_89, %get3A_90] : memref<32x32xf32, #tpu.memory_space<vmem>>, vector<32x32xf32>
    %dot_general3A_92 = arith.constant dense<0.000000e+00> : vector<32x10000xf32>
    %dot_general3A_93 = tpu.matmul %get3A_91, %add3A_79, %dot_general3A_92 {dimension_numbers = #tpu.dot_dimension_numbers<[1], [0], [0], [1], [0, 0, 1, 1], [], []>, precision = #tpu.contract_precision<fp32>, transpose_lhs_hint = false} : vector<32x32xf32>, vector<32x10000xf32>, vector<32x10000xf32> -> vector<32x10000xf32>
    %mul3A_94 = vector.broadcast %get3A_4 : vector<1x10000xf32> to vector<32x10000xf32>
    %mul3A_95 = arith.mulf %dot_general3A_93, %mul3A_94 : vector<32x10000xf32>
    %swap3A_96 = arith.constant 0 : index
    %swap3A_97 = arith.constant 0 : index
    %swap3A_98 = vector.load %arg16[%swap3A_96, %swap3A_97] : memref<32x10000xf32, #tpu.memory_space<vmem>>, vector<32x10000xf32>
    tpu.vector_store %arg16[%swap3A_96, %swap3A_97], %mul3A_95 {strides = array<i32>} : memref<32x10000xf32, #tpu.memory_space<vmem>>, vector<32x10000xf32>,
    return
  }
}

module attributes {stable_mosaic.version = 14 : i64} {
  func.func @_dense3_body(%arg0: memref<2x32x10000xf32, #tpu.memory_space<vmem>>, %arg1: memref<32x10000xf32, #tpu.memory_space<vmem>>, %arg2: memref<2x32x10000xf32, #tpu.memory_space<vmem>>, %arg3: memref<32x10000xf32, #tpu.memory_space<vmem>>, %arg4: memref<1x10000xf32, #tpu.memory_space<vmem>>, %arg5: memref<1x10000xf32, #tpu.memory_space<vmem>>, %arg6: memref<32x1xf32, #tpu.memory_space<vmem>>, %arg7: memref<32x1xf32, #tpu.memory_space<vmem>>, %arg8: memref<32x32xf32, #tpu.memory_space<vmem>>, %arg9: memref<32x32xf32, #tpu.memory_space<vmem>>, %arg10: memref<32x1xf32, #tpu.memory_space<vmem>>, %arg11: memref<32x32xf32, #tpu.memory_space<vmem>>, %arg12: memref<32x1xf32, #tpu.memory_space<vmem>>, %arg13: memref<10000x1xi32, #tpu.memory_space<vmem>>, %arg14: memref<1x32xf32, #tpu.memory_space<vmem>>, %arg15: memref<1x1xf32, #tpu.memory_space<vmem>>, %arg16: memref<1x128xf32, #tpu.memory_space<vmem>>) attributes {dimension_semantics = [], scalar_prefetch = 0 : i64, scratch_operands = 0 : i64, tpu.core_type = #tpu.core_type<tc>} {
    %get3A = arith.constant 0 : index
    %get3A_0 = arith.constant 0 : index
    %get3A_1 = vector.load %arg1[%get3A, %get3A_0] : memref<32x10000xf32, #tpu.memory_space<vmem>>, vector<32x10000xf32>
    %get3A_2 = arith.constant 0 : index
    %get3A_3 = arith.constant 0 : index
    %get3A_4 = vector.load %arg3[%get3A_2, %get3A_3] : memref<32x10000xf32, #tpu.memory_space<vmem>>, vector<32x10000xf32>
    %get3A_5 = arith.constant 0 : index
    %get3A_6 = arith.constant 0 : index
    %get3A_7 = vector.load %arg4[%get3A_5, %get3A_6] : memref<1x10000xf32, #tpu.memory_space<vmem>>, vector<1x10000xf32>
    %get3A_8 = arith.constant 0 : index
    %get3A_9 = arith.constant 0 : index
    %get3A_10 = vector.load %arg5[%get3A_8, %get3A_9] : memref<1x10000xf32, #tpu.memory_space<vmem>>, vector<1x10000xf32>
    %get3A_11 = arith.constant 0 : index
    %get3A_12 = arith.constant 0 : index
    %get3A_13 = arith.constant 0 : index
    %get3A_14 = vector.load %arg0[%get3A_11, %get3A_12, %get3A_13] : memref<2x32x10000xf32, #tpu.memory_space<vmem>>, vector<1x32x10000xf32>
    %get3A_15 = vector.shape_cast %get3A_14 : vector<1x32x10000xf32> to vector<32x10000xf32>
    %get3A_16 = arith.constant 1 : index
    %get3A_17 = arith.constant 0 : index
    %get3A_18 = arith.constant 0 : index
    %get3A_19 = vector.load %arg0[%get3A_16, %get3A_17, %get3A_18] : memref<2x32x10000xf32, #tpu.memory_space<vmem>>, vector<1x32x10000xf32>
    %get3A_20 = vector.shape_cast %get3A_19 : vector<1x32x10000xf32> to vector<32x10000xf32>
    %add3A = arith.addf %get3A_15, %get3A_20 : vector<32x10000xf32>
    %add3A_21 = arith.addf %add3A, %get3A_1 : vector<32x10000xf32>
    %mul3A = vector.broadcast %get3A_7 : vector<1x10000xf32> to vector<32x10000xf32>
    %mul3A_22 = arith.mulf %mul3A, %add3A_21 : vector<32x10000xf32>
    %get3A_23 = arith.constant 0 : index
    %get3A_24 = arith.constant 0 : index
    %get3A_25 = vector.load %arg6[%get3A_23, %get3A_24] : memref<32x1xf32, #tpu.memory_space<vmem>>, vector<32x1xf32>
    %add3A_26 = vector.broadcast %get3A_25 : vector<32x1xf32> to vector<32x10000xf32>
    %add3A_27 = arith.addf %mul3A_22, %add3A_26 : vector<32x10000xf32>
    %max3A = arith.constant 0.000000e+00 : f32
    %max3A_28 = vector.broadcast %max3A : f32 to vector<32x10000xf32>
    %max3A_29 = arith.maximumf %add3A_27, %max3A_28 : vector<32x10000xf32>
    %get3A_30 = arith.constant 0 : index
    %get3A_31 = arith.constant 0 : index
    %get3A_32 = arith.constant 0 : index
    %get3A_33 = vector.load %arg2[%get3A_30, %get3A_31, %get3A_32] : memref<2x32x10000xf32, #tpu.memory_space<vmem>>, vector<1x32x10000xf32>
    %get3A_34 = vector.shape_cast %get3A_33 : vector<1x32x10000xf32> to vector<32x10000xf32>
    %get3A_35 = arith.constant 1 : index
    %get3A_36 = arith.constant 0 : index
    %get3A_37 = arith.constant 0 : index
    %get3A_38 = vector.load %arg2[%get3A_35, %get3A_36, %get3A_37] : memref<2x32x10000xf32, #tpu.memory_space<vmem>>, vector<1x32x10000xf32>
    %get3A_39 = vector.shape_cast %get3A_38 : vector<1x32x10000xf32> to vector<32x10000xf32>
    %add3A_40 = arith.addf %get3A_34, %get3A_39 : vector<32x10000xf32>
    %add3A_41 = arith.addf %add3A_40, %get3A_4 : vector<32x10000xf32>
    %mul3A_42 = vector.broadcast %get3A_10 : vector<1x10000xf32> to vector<32x10000xf32>
    %mul3A_43 = arith.mulf %mul3A_42, %add3A_41 : vector<32x10000xf32>
    %get3A_44 = arith.constant 0 : index
    %get3A_45 = arith.constant 0 : index
    %get3A_46 = vector.load %arg7[%get3A_44, %get3A_45] : memref<32x1xf32, #tpu.memory_space<vmem>>, vector<32x1xf32>
    %add3A_47 = vector.broadcast %get3A_46 : vector<32x1xf32> to vector<32x10000xf32>
    %add3A_48 = arith.addf %mul3A_43, %add3A_47 : vector<32x10000xf32>
    %max3A_49 = arith.constant 0.000000e+00 : f32
    %max3A_50 = vector.broadcast %max3A_49 : f32 to vector<32x10000xf32>
    %max3A_51 = arith.maximumf %add3A_48, %max3A_50 : vector<32x10000xf32>
    %get3A_52 = arith.constant 0 : index
    %get3A_53 = arith.constant 0 : index
    %get3A_54 = vector.load %arg8[%get3A_52, %get3A_53] : memref<32x32xf32, #tpu.memory_space<vmem>>, vector<32x32xf32>
    %dot_general3A = arith.constant dense<0.000000e+00> : vector<32x10000xf32>
    %dot_general3A_55 = tpu.matmul %get3A_54, %max3A_29, %dot_general3A {dimension_numbers = #tpu.dot_dimension_numbers<[1], [0], [0], [1], [0, 0, 1, 1], [], []>, precision = #tpu.contract_precision<fp32>, transpose_lhs_hint = false} : vector<32x32xf32>, vector<32x10000xf32>, vector<32x10000xf32> -> vector<32x10000xf32>
    %get3A_56 = arith.constant 0 : index
    %get3A_57 = arith.constant 0 : index
    %get3A_58 = vector.load %arg9[%get3A_56, %get3A_57] : memref<32x32xf32, #tpu.memory_space<vmem>>, vector<32x32xf32>
    %dot_general3A_59 = arith.constant dense<0.000000e+00> : vector<32x10000xf32>
    %dot_general3A_60 = tpu.matmul %get3A_58, %max3A_51, %dot_general3A_59 {dimension_numbers = #tpu.dot_dimension_numbers<[1], [0], [0], [1], [0, 0, 1, 1], [], []>, precision = #tpu.contract_precision<fp32>, transpose_lhs_hint = false} : vector<32x32xf32>, vector<32x10000xf32>, vector<32x10000xf32> -> vector<32x10000xf32>
    %add3A_61 = arith.addf %dot_general3A_55, %dot_general3A_60 : vector<32x10000xf32>
    %get3A_62 = arith.constant 0 : index
    %get3A_63 = arith.constant 0 : index
    %get3A_64 = vector.load %arg10[%get3A_62, %get3A_63] : memref<32x1xf32, #tpu.memory_space<vmem>>, vector<32x1xf32>
    %add3A_65 = vector.broadcast %get3A_64 : vector<32x1xf32> to vector<32x10000xf32>
    %add3A_66 = arith.addf %add3A_61, %add3A_65 : vector<32x10000xf32>
    %max3A_67 = arith.constant 0.000000e+00 : f32
    %max3A_68 = vector.broadcast %max3A_67 : f32 to vector<32x10000xf32>
    %max3A_69 = arith.maximumf %add3A_66, %max3A_68 : vector<32x10000xf32>
    %get3A_70 = arith.constant 0 : index
    %get3A_71 = arith.constant 0 : index
    %get3A_72 = vector.load %arg11[%get3A_70, %get3A_71] : memref<32x32xf32, #tpu.memory_space<vmem>>, vector<32x32xf32>
    %dot_general3A_73 = arith.constant dense<0.000000e+00> : vector<32x10000xf32>
    %dot_general3A_74 = tpu.matmul %get3A_72, %max3A_69, %dot_general3A_73 {dimension_numbers = #tpu.dot_dimension_numbers<[1], [0], [0], [1], [0, 0, 1, 1], [], []>, precision = #tpu.contract_precision<fp32>, transpose_lhs_hint = false} : vector<32x32xf32>, vector<32x10000xf32>, vector<32x10000xf32> -> vector<32x10000xf32>
    %get3A_75 = arith.constant 0 : index
    %get3A_76 = arith.constant 0 : index
    %get3A_77 = vector.load %arg12[%get3A_75, %get3A_76] : memref<32x1xf32, #tpu.memory_space<vmem>>, vector<32x1xf32>
    %add3A_78 = vector.broadcast %get3A_77 : vector<32x1xf32> to vector<32x10000xf32>
    %add3A_79 = arith.addf %dot_general3A_74, %add3A_78 : vector<32x10000xf32>
    %get3A_80 = arith.constant 0 : index
    %get3A_81 = arith.constant 0 : index
    %get3A_82 = vector.load %arg13[%get3A_80, %get3A_81] : memref<10000x1xi32, #tpu.memory_space<vmem>>, vector<10000x1xi32>
    %iota3A = tpu.iota {dimensions = array<i32: 1>} : vector<10000x128xi32>
    %eq3A = vector.broadcast %get3A_82 : vector<10000x1xi32> to vector<10000x128xi32>
    %eq3A_83 = arith.cmpi eq, %eq3A, %iota3A : vector<10000x128xi32>
    %convert_element_type3A = arith.extui %eq3A_83 : vector<10000x128xi1> to vector<10000x128xi32>
    %convert_element_type3A_84 = arith.sitofp %convert_element_type3A : vector<10000x128xi32> to vector<10000x128xf32>
    %dot_general3A_85 = arith.constant dense<0.000000e+00> : vector<32x128xf32>
    %dot_general3A_86 = tpu.matmul %add3A_79, %convert_element_type3A_84, %dot_general3A_85 {dimension_numbers = #tpu.dot_dimension_numbers<[1], [0], [0], [1], [0, 0, 1, 1], [], []>, precision = #tpu.contract_precision<fp32>, transpose_lhs_hint = false} : vector<32x10000xf32>, vector<10000x128xf32>, vector<32x128xf32> -> vector<32x128xf32>
    %get3A_87 = arith.constant 0 : index
    %get3A_88 = arith.constant 0 : index
    %get3A_89 = vector.load %arg14[%get3A_87, %get3A_88] : memref<1x32xf32, #tpu.memory_space<vmem>>, vector<1x32xf32>
    %dot_general3A_90 = arith.constant dense<0.000000e+00> : vector<1x128xf32>
    %dot_general3A_91 = tpu.matmul %get3A_89, %dot_general3A_86, %dot_general3A_90 {dimension_numbers = #tpu.dot_dimension_numbers<[1], [0], [0], [1], [0, 0, 1, 1], [], []>, precision = #tpu.contract_precision<fp32>, transpose_lhs_hint = false} : vector<1x32xf32>, vector<32x128xf32>, vector<1x128xf32> -> vector<1x128xf32>
    %get3A_92 = arith.constant 0 : index
    %get3A_93 = arith.constant 0 : index
    %get3A_94 = vector.load %arg15[%get3A_92, %get3A_93] : memref<1x1xf32, #tpu.memory_space<vmem>>, vector<1x1xf32>
    %add3A_95 = vector.broadcast %get3A_94 : vector<1x1xf32> to vector<1x128xf32>
    %add3A_96 = arith.addf %dot_general3A_91, %add3A_95 : vector<1x128xf32>
    %swap3A = arith.constant 0 : index
    %swap3A_97 = arith.constant 0 : index
    %swap3A_98 = vector.load %arg16[%swap3A, %swap3A_97] : memref<1x128xf32, #tpu.memory_space<vmem>>, vector<1x128xf32>
    tpu.vector_store %arg16[%swap3A, %swap3A_97], %add3A_96 {strides = array<i32>} : memref<1x128xf32, #tpu.memory_space<vmem>>, vector<1x128xf32>,
    return
  }
}

</mosaic_0001>

<sc_bundles>
// kernel: kernel.11.cloned.1.call-start
scs
__scs_entry_jumppad:
0x0: {  	(pc) =	sbr.rel $0x88, $3  }
0x1: {  	(tag) =	ssettag $0x0;
	lr =	simm.s32 $0x1  }
0x2: {  	[smem:$0x3F8B] =	sst lr;
	_ =	strace $0xD0000000  }
0x3: {  	_ = 	snop  }
0x4: {  	_ = 	snop  }
0x5: {  	_ = 	snop  }
0x6: {  	_ = 	snop  }
0x7: {  	_ = 	snop  }
__scs_overlays_trampoline_lowered:
0x8: {  	[smem:$0x3F9A] =	sst s0  }
0x9: {  	[smem:$0x3F9B] =	sst s1  }
0xa: {  	[smem:$0x3F9C] =	sst s2  }
0xb: {  	[smem:$0x3F9D] =	sst s3  }
0xc: {  	[smem:$0x3F9E] =	sst s4  }
0xd: {  	[smem:$0x3F9F] =	sst s5  }
0xe: {  	[smem:$0x3FA0] =	sst s6  }
0xf: {  	[smem:$0x3FA1] =	sst s7  }
0x10: {  	[smem:$0x3FA2] =	sst s8  }
0x11: {  	[smem:$0x3FA3] =	sst s9;
	s0 =	simm.s32 @!p0 $0x0  }
0x12: {  	s1 =	sld [smem:$0x3F89];
	s0 =	simm.s32 @p0 $0x1  }
0x13: {  	[smem:$0x3FA4] =	sst s0;
	s0 =	simm.s32 @!p1 $0x0  }
0x14: {  	s2 =	sld [smem:$0x3F88];
	s0 =	simm.s32 @p1 $0x1  }
0x15: {  	[smem:$0x3FA5] =	sst s0;
	s0 =	simm.s32 @!p2 $0x0  }
0x16: {  	s3 =	sld [smem:$0x3FDB];
	s0 =	simm.s32 @p2 $0x1  }
0x17: {  	s4 =	simm.s32 $0x1BF5;
	[smem:$0x3FA7] =	sst s0  }
0x18: {  	s0 =	sld [smem:$0x3F8A];
	_ =	swait.ge [sflag:s4], $0x0  }
0x19: {  	s7 =	sld [smem:$0x3F8B]  }
0x1a: {  	s8 =	sadd.s32 $0xFFFFE003, lr  }
0x1b: {  	s9 =	sadd.s32 $0xFFFFFEF7, lr;
	s5 =	simm.s32 $0xFFFFFFFF;
	p2 =	slt.u32 s8, $0xFFFFF086  }
0x1c: {  	p1 =	slt.u32 s9, $0xF7A;
	s5 =	simm.s32 @!p2 $0x0  }
0x1d: {  	s5 =	simm.s32 @p1 $0x1;
	p0 =	seq.s32 s7, s2  }
0x1e: {  	s7 =	smul.u32 @!p0 $0xF7A, s2;
	p2 =	seq.s32 @!p0 s5, $0x0  }
0x1f: {  	s9 =	smul.u32 $0xF7A, s1;
	s8 =	simm.s32 @!p0 $0x1BF5;
	p2 =	por !p2, p0  }
0x20: {  	[sflag:s8] =	ssyncset.s32 @!p0 $0xFFFFF086;
	s6 =	sadd.s32 @!p0 s3, s7;
	s7 =	simm.s32 @!p0 $0x108  }
0x21: {  	s3 =	sadd.s32 s3, s9;
	s6 =	sadd.s32 @!p0 $0x88, s6;
	s7 =	simm.s32 @p2 $0x1082  }
0x22: {  	[simem:s7], [sflag:s8] =	dma.local @!p0 [hbm:s6], $0xF7A  }
0x23: {  	s9 =	sor.u32 $0xD0000000, s2;
	s6 =	simm.s32 $0x108;
	_ =	swait.ge @!p0 [sflag:s8], $0x0  }
0x24: {  	s3 =	sadd.s32 $0x88, s3;
	s6 =	simm.s32 @!p1 $0x1082;
	[sflag:s4] =	ssyncset.s32 $0xFFFFF086  }
0x25: {  	[simem:s6], [sflag:s4] =	dma.local [hbm:s3], $0xF7A  }
0x26: {  	[smem:$0x3F8B] =	sst s1;
	(tag) =	ssettag s2;
	_ =	strace s9  }
0x27: {  	s1 =	sld [smem:$0x3F9B]  }
0x28: {  	s2 =	sld [smem:$0x3F9C]  }
0x29: {  	s4 =	sld [smem:$0x3F9E]  }
0x2a: {  	p0 =	seq.s32 s5, $0x0;
	s5 =	sld [smem:$0x3F9F]  }
0x2b: {  	s6 =	sld [smem:$0x3FA0]  }
0x2c: {  	s7 =	sld [smem:$0x3FA1]  }
0x2d: {  	s3 =	simm.s32 $0x108;
	s8 =	sld [smem:$0x3FA2]  }
0x2e: {  	s3 =	simm.s32 @!p0 $0x1082;
	s9 =	sld [smem:$0x3FA3]  }
0x2f: {  	lr =	sadd.s32 s0, s3;
	s0 =	sld [smem:$0x3F9A]  }
0x30: {  	s3 =	sld [smem:$0x3F9D]  }
0x31: {  	[smem:$0x3FA6] =	sst s10  }
0x32: {  	s10 =	sld [smem:$0x3FA4];
	_ =	sdelay $0x3  }
0x33: {  	p0 =	seq.s32 s10, $0x1;
	s10 =	sld [smem:$0x3FA6];
	_ =	sdelay $0x3  }
0x34: {  	[smem:$0x3FA6] =	sst s10  }
0x35: {  	s10 =	sld [smem:$0x3FA5];
	_ =	sdelay $0x3  }
0x36: {  	p1 =	seq.s32 s10, $0x1;
	s10 =	sld [smem:$0x3FA6];
	_ =	sdelay $0x3  }
0x37: {  	[smem:$0x3FA6] =	sst s10  }
0x38: {  	s10 =	sld [smem:$0x3FA7]  }
0x39: {  	_ = 	snop;
	(pc) =	sbr.ind lr, $3  }
0x3a: {  	_ = 	snop  }
0x3b: {  	_ = 	snop  }
0x3c: {  	p2 =	seq.s32 s10, $0x1;
	s10 =	sld [smem:$0x3FA6]  }
0x3d: {  	_ =	shalt  }
0x3e: {  	_ =	shalt  }
0x3f: {  	_ =	shalt  }
0x40: {  	_ =	shalt  }
0x41: {  	_ =	shalt  }
0x42: {  	_ =	shalt  }
0x43: {  	_ =	shalt  }
0x44: {  	_ =	shalt  }
0x45: {  	_ =	shalt  }
0x46: {  	_ =	shalt  }
0x47: {  	_ =	shalt  }
0x48: {  	_ =	shalt  }
0x49: {  	_ =	shalt  }
0x4a: {  	_ =	shalt  }
0x4b: {  	_ =	shalt  }
0x4c: {  	_ =	shalt  }
0x4d: {  	_ =	shalt  }
0x4e: {  	_ =	shalt  }
0x4f: {  	_ =	shalt  }
0x50: {  	_ =	shalt  }
0x51: {  	_ =	shalt  }
0x52: {  	_ =	shalt  }
0x53: {  	_ =	shalt  }
0x54: {  	_ =	shalt  }
0x55: {  	_ =	shalt  }
0x56: {  	_ =	shalt  }
0x57: {  	_ =	shalt  }
0x58: {  	_ =	shalt  }
0x59: {  	_ =	shalt  }
0x5a: {  	_ =	shalt  }
0x5b: {  	_ =	shalt  }
0x5c: {  	_ =	shalt  }
0x5d: {  	_ =	shalt  }
0x5e: {  	_ =	shalt  }
0x5f: {  	_ =	shalt  }
0x60: {  	_ =	shalt  }
0x61: {  	_ =	shalt  }
0x62: {  	_ =	shalt  }
0x63: {  	_ =	shalt  }
0x64: {  	_ =	shalt  }
0x65: {  	_ =	shalt  }
0x66: {  	_ =	shalt  }
0x67: {  	_ =	shalt  }
0x68: {  	_ =	shalt  }
0x69: {  	_ =	shalt  }
0x6a: {  	_ =	shalt  }
0x6b: {  	_ =	shalt  }
0x6c: {  	_ =	shalt  }
0x6d: {  	_ =	shalt  }
0x6e: {  	_ =	shalt  }
0x6f: {  	_ =	shalt  }
0x70: {  	_ =	shalt  }
0x71: {  	_ =	shalt  }
0x72: {  	_ =	shalt  }
0x73: {  	_ =	shalt  }
0x74: {  	_ =	shalt  }
0x75: {  	_ =	shalt  }
0x76: {  	_ =	shalt  }
0x77: {  	_ =	shalt  }
0x78: {  	_ =	shalt  }
0x79: {  	_ =	shalt  }
0x7a: {  	_ =	shalt  }
0x7b: {  	_ =	shalt  }
0x7c: {  	_ =	shalt  }
0x7d: {  	_ =	shalt  }
0x7e: {  	_ =	shalt  }
0x7f: {  	_ =	shalt  }
0x80: {  	_ =	shalt  }
0x81: {  	_ =	shalt  }
0x82: {  	_ =	shalt  }
0x83: {  	_ =	shalt  }
0x84: {  	_ =	shalt  }
0x85: {  	_ =	shalt  }
0x86: {  	_ =	shalt  }
0x87: {  	_ =	shalt  }
.Lfunc_end0:
.L_simem_size_0:
called_computation.1_lowered:
.L_overlay_start_0:
0x88: {  	s2 =	sld [smem:$0x3FD9]  }
0x89: {  	s3 =	sld [smem:$0x3FFE];
	_ =	sdelay $0x1  }
0x8a: {  	s1 =	srdreg.scid  }
0x8b: {  	s0 =	sand.u32 $0x1, s1  }
0x8c: {  	s16 =	sshll.u32 s0, $0xA;
	s2 =	sadd.s32 s3, s2  }
0x8d: {  	s2 =	sadd.s32 s2, s16  }
0x8e: {  	[smem:$0x3FB2] =	sst s2  }
0x8f: {  	_ = 	snop  }
0x90: {  	(tm) =	ssettm $0x1  }
0x91: {  	s17 =	sld [smem:$0x3FFB];
	_ =	sdelay $0x3  }
0x92: {  	_ =	strace s17  }
0x93: {  	s2 =	sld [smem:$0x3FFC];
	_ =	sdelay $0x3  }
0x94: {  	_ =	strace s2  }
0x95: {  	s2 =	sld [smem:$0x3FFD];
	_ =	sdelay $0x3  }
0x96: {  	_ =	strace s2  }
0x97: {  	_ =	strace $0x8FFFFFFF  }
0x98: {  	s18 =	sld [smem:$0x3FDB];
	_ =	sdelay $0x1  }
0x99: {  	s19 =	simm.s32 $_scs_section_size  }
0x9a: {  	s4 =	simm.s32 $_size__tile_overlayer_lowered;
	s5 =	simm.s32 $_tile_overlayer_lowered  }
0x9b: {  	s22 =	simm.s32 $0x1BFF;
	s21 =	sshll.u32 s5, $0x1;
	s2 =	sadd.s32 s19, s18  }
0x9c: {  	s6 =	simm.s32 $0x0;
	s20 =	sshll.u32 s4, $0x1;
	s4 =	sadd.s32 s21, s2  }
0x9d: {  	[timem:s6], [sflag:s22] =	dma.local [hbm:s4], s20  }
0x9e: {  	_ =	swait.ge [sflag:s22], s20  }
0x9f: {  	s3 =	ssub.s32 $0x0, s20;
	[sflag:s22] =	ssyncset.done $0x0  }
0xa0: {  	[sflag:s22] =	ssyncadd.s32 s3;
	_ =	sdelay $0x1  }
0xa1: {  	s23 =	simm.s32 $0x1B8B  }
0xa2: {  	_ =	swait.ge [sflag:s23], $0x1  }
0xa3: {  	[sflag:s23] =	ssyncset.done $0x0  }
0xa4: {  	s25 =	simm.s32 $0x1B8E;
	s24 =	sld [smem:$0x3FFE];
	[sflag:s23] =	ssyncadd.s32 $0xFFFFFFFF  }
0xa5: {  	s26 =	simm.s32 $execute0_lowered;
	[smem:$0x3FD2] =	sst s25  }
0xa6: {  	s4 =	sshll.u32 s26, $0x1;
	_ =	strace $0x80000049;
	[dreg:$0x1] =	wrdreg $0xFFFFFFFF  }
0xa7: {  	s28 =	simm.s32 $_size_execute0_lowered;
	s2 =	sadd.s32 s2, s4;
	[dreg:$0x0] =	wrdreg $0x0  }
0xa8: {  	s4 =	sshll.u32 s28, $0x1;
	[dreg:$0x2] =	wrdreg s2  }
0xa9: {  	[dreg:$0x3] =	wrdreg s4  }
0xaa: {  	[dreg:$0x4] =	wrdreg $0xC0  }
0xab: {  	_ =	task [dreg:s6], $0x5FFFF  }
0xac: {  	[dreg:$0x1] =	wrdreg $0xFFFFFFFF  }
0xad: {  	[dreg:$0x0] =	wrdreg $0x60  }
0xae: {  	[dreg:$0x2] =	wrdreg s24  }
0xaf: {  	[dreg:$0x3] =	wrdreg $0xF0000  }
0xb0: {  	[dreg:$0x4] =	wrdreg $0x13E400  }
0xb1: {  	[dreg:$0x5] =	wrdreg $0x9  }
0xb2: {  	_ =	task.clear_ibuf [dreg:s6], $0x6FFFF;
	_ =	strace $0x90000049  }
0xb3: {  	s29 =	simm.s32 $0x9;
	_ =	strace $0x8000004B  }
0xb4: {  	_ =	swait.ge [sflag:s29], $0x1  }
0xb5: {  	[sflag:s29] =	ssyncadd.s32 $0xFFFFFFFF  }
0xb6: {  	_ =	strace $0x9000004B  }
0xb7: {  	_ =	sfence  }
0xb8: {  	s30 =	sld [smem:$0x0];
	_ =	sdelay $0x2  }
0xb9: {  	s31 =	sshll.u32 s1, $0xD;
	s1 =	sshrl.u32 s1, $0x2  }
0xba: {  	s3 =	sand.u32 $0x4000, s31;
	s1 =	sadd.s32 s1, s30  }
0xbb: {  	s0 =	sor.u32 s3, s0;
	s1 =	sshll.u32 s1, $0x11  }
0xbc: {  	s0 =	sor.u32 s1, s0  }
0xbd: {  	s0 =	sadd.s32 $0x8F2B, s0  }
0xbe: {  	[sflag:s0] =	ssyncadd.remote.s32 $0x1  }
0xbf: {  	_ =	sfence.sel $0xFFFF  }
0xc0: {  	[dreg:$0x0] =	wrdreg $0xFFFFFFFF;
	(pc) =	sbr.abs _section_cstart, $3  }
0xc1: {  	[dreg:$0x1] =	wrdreg $0xFFFFFFFF  }
0xc2: {  	_ =	task.clear_ibuf [dreg:s6], $0x2FFFF;
	_ =	strace $0x9FFFFFFF  }
0xc3: {  	(tm) =	ssettm $0x7FFFFFFF  }
tec
execute0_lowered:
.L_overlay_start_1:
0x0: {  	(tag) =	ssettag $0x1  }
0x1: {  	s0 =	rddreg [dreg:$0x0]  }
0x2: {  	s1 =	rddreg [dreg:$0x1]  }
0x3: {  	s3 =	rddreg [dreg:$0x2];
	s4 =	simm.s32 $0x0  }
0x4: {  	s2 =	srdreg.scid;
	s11 =	stileid.u32;
	s28 =	simm.s32 $0x1  }
0x5: {  	s29 =	simm.s32 $0x5;
	s13 =	simm.s32 $0xD;
	s14 =	simm.s32 $0x8  }
0x6: {  	s15 =	simm.s32 $0xE;
	s16 =	simm.s32 $0xF;
	s30 =	simm.s32 $0x1  }
0x7: {  	s31 =	simm.s32 $0x5;
	[smem:$0x7FF] =	sst s4;
	s2 =	sand.u32 $0x1, s2  }
0x8: {  	s18 =	smul.u32 $0x4E40, s11;
	s5 =	sadd.s32 $0xF000, s0;
	s6 =	sadd.s32 $0x5200, s0  }
0x9: {  	s8 =	sadd.s32 $0x40600, s0;
	s9 =	sshll.u32 s11, $0x1;
	s10 =	sadd.s32 $0x2C600, s0  }
0xa: {  	s12 =	sadd.s32 $0x18E00, s0;
	s20 =	sshll.u32 s11, $0x6;
	s11 =	simm.s32 $0x6  }
0xb: {  	_ =	strace $0x8000004A;
	s7 =	smul.u32 $0x4E400, s2;
	s9 =	sor.u32 s2, s9  }
0xc: {  	s2 =	ssub.s32 $0x2, s2;
	[dreg:$0x4] =	wrdreg s12;
	s17 =	sor.u32 $0x1C11, s20  }
0xd: {  	s12 =	simm.s32 $0x7;
	s20 =	simm.s32 $0x4;
	s9 =	smul.u32 $0x2800, s9  }
0xe: {  	s19 =	sshrl.u32 s2, $0x1;
	s21 =	sadd.s32 s18, s1;
	s4 =	sadd.s32 s18, s3  }
0xf: {  	[dreg:$0x5] =	wrdreg s17;
	s7 =	sadd.s32 s18, s7;
	s2 =	ssub.s32 s2, s19  }
0x10: {  	s19 =	simm.s32 $0x9;
	s9 =	sshrl.u32 s9, $0x3;
	s26 =	smax.u32 s2, $0x1  }
0x11: {  	s18 =	simm.s32 $0xC;
	s23 =	sadd.s32 s8, s9;
	[dreg:$0xc] =	wrdreg s26  }
0x12: {  	s7 =	sshrl.u32 s7, $0x3;
	s24 =	sadd.s32 s10, s9;
	[dreg:$0x6] =	wrdreg s23  }
0x13: {  	s22 =	sadd.s32 $0xA000, s9;
	s9 =	sshrl.u32 s21, $0x3;
	[dreg:$0x8] =	wrdreg s24  }
0x14: {  	s2 =	simm.s32 $0x2;
	s8 =	sadd.s32 s8, s22;
	[dreg:$0xd] =	wrdreg s9  }
0x15: {  	s0 =	sadd.s32 s7, s0;
	s7 =	sadd.s32 s10, s22;
	[dreg:$0x7] =	wrdreg s8  }
0x16: {  	s21 =	simm.s32 $0xA;
	s25 =	sadd.s32 $0x54600, s0;
	[dreg:$0x9] =	wrdreg s7  }
0x17: {  	s0 =	sadd.s32 $0x68000, s0;
	s10 =	sshrl.u32 s4, $0x3;
	[dreg:$0xa] =	wrdreg s25  }
0x18: {  	s22 =	simm.s32 $0x50;
	s4 =	simm.s32 $0x10;
	[dreg:$0xb] =	wrdreg s0  }
0x19: {  	s7 =	simm.s32 $0xB;
	s0 =	simm.s32 $0x0;
	[dreg:$0xe] =	wrdreg s10  }
.LBB2_1:
0x1a: {  	[dreg:$0xf] =	wrdreg s0  }
0x1b: {  	s23 =	simm.s32 $0x11;
	s8 =	rddreg [dreg:$0x4]  }
0x1c: {  	[spmem:s9], [sflag:s17] =	dma.local [hbm:s8], $0x9C8  }
0x1d: {  	_ =	swait.ge [sflag:s23], $0x9C8  }
0x1e: {  	[sflag:s23] =	ssyncset.done $0x0  }
0x1f: {  	[sflag:s23] =	ssyncadd.s32 $0xFFFFF638  }
0x20: {  	[spmem:s10], [sflag:s17] =	dma.local [hbm:s8], $0x9C8  }
0x21: {  	_ =	swait.ge [sflag:s23], $0x9C8  }
0x22: {  	[sflag:s23] =	ssyncset.done $0x0  }
0x23: {  	s8 =	simm.s32 $0x0;
	s10 =	rddreg [dreg:$0x6];
	[sflag:s23] =	ssyncadd.s32 $0xFFFFF638  }
0x24: {  	[tilespmem:s8], [sflag:$0x11] =	stream.linear.gather [hbm4b:s10+s8], $0x2800, $0x38;
	[tilespmem:$0x18C80] =	vst v63  }
0x25: {  	_ =	swait.ge [sflag:s23], $0x2800  }
0x26: {  	[sflag:s23] =	ssyncset.done $0x0  }
0x27: {  	s9 =	simm.s32 $0x2800;
	s24 =	rddreg [dreg:$0x7];
	[sflag:s23] =	ssyncadd.s32 $0xFFFFD800  }
0x28: {  	[tilespmem:s9], [sflag:$0x11] =	stream.linear.gather [hbm4b:s24+s8], $0x2800, $0x38;
	[tilespmem:$0x18C80] =	vst v63  }
0x29: {  	_ =	swait.ge [sflag:s23], $0x2800  }
0x2a: {  	[sflag:s23] =	ssyncset.done $0x0  }
0x2b: {  	s0 =	simm.s32 $0x5000;
	s25 =	rddreg [dreg:$0x8];
	[sflag:s23] =	ssyncadd.s32 $0xFFFFD800  }
0x2c: {  	[tilespmem:s0], [sflag:$0x11] =	stream.linear.gather [hbm4b:s25+s8], $0x2800, $0x38;
	[tilespmem:$0x18C80] =	vst v63  }
0x2d: {  	_ =	swait.ge [sflag:s23], $0x2800  }
0x2e: {  	[sflag:s23] =	ssyncset.done $0x0  }
0x2f: {  	s10 =	simm.s32 $0x7800;
	s26 =	rddreg [dreg:$0x9];
	[sflag:s23] =	ssyncadd.s32 $0xFFFFD800  }
0x30: {  	[tilespmem:s10], [sflag:$0x11] =	stream.linear.gather [hbm4b:s26+s8], $0x2800, $0x38;
	[tilespmem:$0x18C80] =	vst v63  }
0x31: {  	_ =	swait.ge [sflag:s23], $0x2800  }
0x32: {  	[sflag:s23] =	ssyncset.done $0x0  }
0x33: {  	[sflag:s23] =	ssyncadd.s32 $0xFFFFD800  }
0x34: {  	s24 =	simm.s32 $0xA000;
	[bflag:$0x0] =	sbarrier.arrive $0xFFFF  }
0x35: {  	[tilespmem:s24], [sflag:$0x1] =	stream.indirect.gather [hbm4b:s5+s22], $0x20, s8, s22, $0xb8;
	[tilespmem:$0x18C80] =	vst v63  }
0x36: {  	s25 =	simm.s32 $0xC800  }
0x37: {  	[tilespmem:s25], [sflag:$0x5] =	stream.indirect.gather [hbm4b:s6+s22], $0x20, s0, s22, $0xb8;
	[tilespmem:$0x18C80] =	vst v63  }
0x38: {  	s26 =	simm.s32 $0xAA00  }
0x39: {  	[tilespmem:s26], [sflag:$0x2] =	stream.indirect.gather [hbm4b:s5+s22], $0x20, s22, s22, $0xb8;
	[tilespmem:$0x18C80] =	vst v63  }
0x3a: {  	s23 =	simm.s32 $0x5050;
	s0 =	simm.s32 $0xD200  }
0x3b: {  	[tilespmem:s0], [sflag:$0x6] =	stream.indirect.gather [hbm4b:s6+s22], $0x20, s23, s22, $0xb8;
	[tilespmem:$0x18C80] =	vst v63  }
0x3c: {  	_ =	swait.ge [sflag:s28], $0xA00  }
0x3d: {  	[sflag:s28] =	ssyncset.done $0x0  }
0x3e: {  	[sflag:s28] =	ssyncadd.s32 $0xFFFFF600  }
0x3f: {  	_ =	swait.ge [sflag:s29], $0xA00  }
0x40: {  	[sflag:s29] =	ssyncset.done $0x0  }
0x41: {  	[sflag:s29] =	ssyncadd.s32 $0xFFFFF600  }
0x42: {  	[spmem:s1] =	stream.indirect.scatter.add.f32 [tilespmem:s24], [sflag:$0x9], $0x20, s9, s22, $0xb8;
	[tilespmem:$0x18C80] =	vst v63  }
0x43: {  	_ = 	snop  }
0x44: {  	[spmem:s3] =	stream.indirect.scatter.add.f32 [tilespmem:s25], [sflag:$0xD], $0x20, s10, s22, $0xb8;
	[tilespmem:$0x18C80] =	vst v63  }
0x45: {  	s17 =	simm.s32 $0xB400;
	s9 =	simm.s32 $0xA0  }
0x46: {  	[tilespmem:s17], [sflag:$0x3] =	stream.indirect.gather [hbm4b:s5+s22], $0x20, s9, s22, $0xb8;
	[tilespmem:$0x18C80] =	vst v63  }
0x47: {  	s10 =	simm.s32 $0x50A0;
	s9 =	simm.s32 $0xDC00  }
0x48: {  	[tilespmem:s9], [sflag:$0x7] =	stream.indirect.gather [hbm4b:s6+s22], $0x20, s10, s22, $0xb8;
	[tilespmem:$0x18C80] =	vst v63  }
0x49: {  	_ =	swait.ge [sflag:s2], $0xA00  }
0x4a: {  	[sflag:s2] =	ssyncset.done $0x0  }
0x4b: {  	[sflag:s2] =	ssyncadd.s32 $0xFFFFF600  }
0x4c: {  	_ =	swait.ge [sflag:s11], $0xA00  }
0x4d: {  	[sflag:s11] =	ssyncset.done $0x0  }
0x4e: {  	s23 =	simm.s32 $0x2850;
	[sflag:s11] =	ssyncadd.s32 $0xFFFFF600  }
0x4f: {  	[spmem:s1] =	stream.indirect.scatter.add.f32 [tilespmem:s26], [sflag:$0xA], $0x20, s23, s22, $0xb8;
	[tilespmem:$0x18C80] =	vst v63  }
0x50: {  	s10 =	simm.s32 $0x7850  }
0x51: {  	[spmem:s3] =	stream.indirect.scatter.add.f32 [tilespmem:s0], [sflag:$0xE], $0x20, s10, s22, $0xb8;
	[tilespmem:$0x18C80] =	vst v63  }
0x52: {  	s23 =	simm.s32 $0xF0;
	s10 =	simm.s32 $0xBE00  }
0x53: {  	[tilespmem:s10], [sflag:$0x4] =	stream.indirect.gather [hbm4b:s5+s22], $0x20, s23, s22, $0xb8;
	[tilespmem:$0x18C80] =	vst v63  }
0x54: {  	s8 =	simm.s32 $0x50F0;
	s23 =	simm.s32 $0xE600  }
0x55: {  	[tilespmem:s23], [sflag:$0x8] =	stream.indirect.gather [hbm4b:s6+s22], $0x20, s8, s22, $0xb8;
	[tilespmem:$0x18C80] =	vst v63  }
0x56: {  	s8 =	simm.s32 $0x3  }
0x57: {  	_ =	swait.ge [sflag:s8], $0xA00  }
0x58: {  	[sflag:s8] =	ssyncset.done $0x0  }
0x59: {  	[sflag:s8] =	ssyncadd.s32 $0xFFFFF600  }
0x5a: {  	_ =	swait.ge [sflag:s12], $0xA00  }
0x5b: {  	[sflag:s12] =	ssyncset.done $0x0  }
0x5c: {  	s8 =	simm.s32 $0x28A0;
	[sflag:s12] =	ssyncadd.s32 $0xFFFFF600  }
0x5d: {  	[spmem:s1] =	stream.indirect.scatter.add.f32 [tilespmem:s17], [sflag:$0xB], $0x20, s8, s22, $0xb8;
	[tilespmem:$0x18C80] =	vst v63  }
0x5e: {  	s8 =	simm.s32 $0x78A0  }
0x5f: {  	[spmem:s3] =	stream.indirect.scatter.add.f32 [tilespmem:s9], [sflag:$0xF], $0x20, s8, s22, $0xb8;
	[tilespmem:$0x18C80] =	vst v63  }
0x60: {  	_ =	swait.ge [sflag:s19], $0xA00  }
0x61: {  	[sflag:s19] =	ssyncset.done $0x0  }
0x62: {  	[sflag:s19] =	ssyncadd.s32 $0xFFFFF600  }
0x63: {  	_ =	swait.ge [sflag:s13], $0xA00  }
0x64: {  	[sflag:s13] =	ssyncset.done $0x0  }
0x65: {  	s8 =	simm.s32 $0x140;
	[sflag:s13] =	ssyncadd.s32 $0xFFFFF600  }
0x66: {  	[tilespmem:s24], [sflag:$0x1] =	stream.indirect.gather [hbm4b:s5+s22], $0x20, s8, s22, $0xb8;
	[tilespmem:$0x18C80] =	vst v63  }
0x67: {  	s8 =	simm.s32 $0x5140  }
0x68: {  	[tilespmem:s25], [sflag:$0x5] =	stream.indirect.gather [hbm4b:s6+s22], $0x20, s8, s22, $0xb8;
	[tilespmem:$0x18C80] =	vst v63  }
0x69: {  	_ =	swait.ge [sflag:s20], $0xA00  }
0x6a: {  	[sflag:s20] =	ssyncset.done $0x0  }
0x6b: {  	[sflag:s20] =	ssyncadd.s32 $0xFFFFF600  }
0x6c: {  	_ =	swait.ge [sflag:s14], $0xA00  }
0x6d: {  	[sflag:s14] =	ssyncset.done $0x0  }
0x6e: {  	s8 =	simm.s32 $0x28F0;
	[sflag:s14] =	ssyncadd.s32 $0xFFFFF600  }
0x6f: {  	[spmem:s1] =	stream.indirect.scatter.add.f32 [tilespmem:s10], [sflag:$0xC], $0x20, s8, s22, $0xb8;
	[tilespmem:$0x18C80] =	vst v63  }
0x70: {  	s8 =	simm.s32 $0x78F0  }
0x71: {  	[spmem:s3] =	stream.indirect.scatter.add.f32 [tilespmem:s23], [sflag:$0x10], $0x20, s8, s22, $0xb8;
	[tilespmem:$0x18C80] =	vst v63  }
0x72: {  	_ =	swait.ge [sflag:s21], $0xA00  }
0x73: {  	[sflag:s21] =	ssyncset.done $0x0  }
0x74: {  	[sflag:s21] =	ssyncadd.s32 $0xFFFFF600  }
0x75: {  	_ =	swait.ge [sflag:s15], $0xA00  }
0x76: {  	[sflag:s15] =	ssyncset.done $0x0  }
0x77: {  	s23 =	simm.s32 $0x190;
	[sflag:s15] =	ssyncadd.s32 $0xFFFFF600  }
0x78: {  	[tilespmem:s26], [sflag:$0x2] =	stream.indirect.gather [hbm4b:s5+s22], $0x20, s23, s22, $0xb8;
	[tilespmem:$0x18C80] =	vst v63  }
0x79: {  	s23 =	simm.s32 $0x5190  }
0x7a: {  	[tilespmem:s0], [sflag:$0x6] =	stream.indirect.gather [hbm4b:s6+s22], $0x20, s23, s22, $0xb8;
	[tilespmem:$0x18C80] =	vst v63  }
0x7b: {  	_ =	swait.ge [sflag:s28], $0xA00  }
0x7c: {  	[sflag:s28] =	ssyncset.done $0x0  }
0x7d: {  	[sflag:s28] =	ssyncadd.s32 $0xFFFFF600  }
0x7e: {  	_ =	swait.ge [sflag:s29], $0xA00  }
0x7f: {  	[sflag:s29] =	ssyncset.done $0x0  }
0x80: {  	s28 =	simm.s32 $0x2940;
	[sflag:s29] =	ssyncadd.s32 $0xFFFFF600  }
0x81: {  	[spmem:s1] =	stream.indirect.scatter.add.f32 [tilespmem:s24], [sflag:$0x9], $0x20, s28, s22, $0xb8;
	[tilespmem:$0x18C80] =	vst v63  }
0x82: {  	s29 =	simm.s32 $0x7940  }
0x83: {  	[spmem:s3] =	stream.indirect.scatter.add.f32 [tilespmem:s25], [sflag:$0xD], $0x20, s29, s22, $0xb8;
	[tilespmem:$0x18C80] =	vst v63  }
0x84: {  	_ =	swait.ge [sflag:s7], $0xA00  }
0x85: {  	[sflag:s7] =	ssyncset.done $0x0  }
0x86: {  	[sflag:s7] =	ssyncadd.s32 $0xFFFFF600  }
0x87: {  	_ =	swait.ge [sflag:s16], $0xA00  }
0x88: {  	[sflag:s16] =	ssyncset.done $0x0  }
0x89: {  	s23 =	simm.s32 $0x1E0;
	[sflag:s16] =	ssyncadd.s32 $0xFFFFF600  }
0x8a: {  	[tilespmem:s17], [sflag:$0x3] =	stream.indirect.gather [hbm4b:s5+s22], $0x20, s23, s22, $0xb8;
	[tilespmem:$0x18C80] =	vst v63  }
0x8b: {  	s24 =	simm.s32 $0x51E0  }
0x8c: {  	[tilespmem:s9], [sflag:$0x7] =	stream.indirect.gather [hbm4b:s6+s22], $0x20, s24, s22, $0xb8;
	[tilespmem:$0x18C80] =	vst v63  }
0x8d: {  	_ =	swait.ge [sflag:s2], $0xA00  }
0x8e: {  	[sflag:s2] =	ssyncset.done $0x0  }
0x8f: {  	[sflag:s2] =	ssyncadd.s32 $0xFFFFF600  }
0x90: {  	_ =	swait.ge [sflag:s11], $0xA00  }
0x91: {  	[sflag:s11] =	ssyncset.done $0x0  }
0x92: {  	s25 =	simm.s32 $0x2990;
	[sflag:s11] =	ssyncadd.s32 $0xFFFFF600  }
0x93: {  	[spmem:s1] =	stream.indirect.scatter.add.f32 [tilespmem:s26], [sflag:$0xA], $0x20, s25, s22, $0xb8;
	[tilespmem:$0x18C80] =	vst v63  }
0x94: {  	s28 =	simm.s32 $0x7990  }
0x95: {  	[spmem:s3] =	stream.indirect.scatter.add.f32 [tilespmem:s0], [sflag:$0xE], $0x20, s28, s22, $0xb8;
	[tilespmem:$0x18C80] =	vst v63  }
0x96: {  	_ =	swait.ge [sflag:s18], $0xA00  }
0x97: {  	[sflag:s18] =	ssyncset.done $0x0  }
0x98: {  	[sflag:s18] =	ssyncadd.s32 $0xFFFFF600  }
0x99: {  	s8 =	simm.s32 $0x500;
	_ =	swait.ge [sflag:s4], $0xA00  }
0x9a: {  	s29 =	simm.s32 $0x230;
	s17 =	simm.s32 $0x5230;
	[sflag:s4] =	ssyncset.done $0x0  }
0x9b: {  	s2 =	simm.s32 $0x2;
	s11 =	simm.s32 $0x6;
	[sflag:s4] =	ssyncadd.s32 $0xFFFFF600  }
0x9c: {  	[tilespmem:s10], [sflag:$0x4] =	stream.indirect.gather [hbm4b:s5+s22], $0x20, s29, s22, $0xb8;
	[tilespmem:$0x18C80] =	vst v63  }
.LBB2_2:
0x9d: {  	s9 =	simm.s32 $0xE600  }
0x9e: {  	[tilespmem:s9], [sflag:$0x8] =	stream.indirect.gather [hbm4b:s6+s22], $0x20, s17, s22, $0xb8;
	[tilespmem:$0x18C80] =	vst v63  }
0x9f: {  	s0 =	simm.s32 $0x3;
	s17 =	smov.u32 s8  }
0xa0: {  	p0 =	sne.s32 s8, $0x9600;
	s8 =	sadd.s32 $0x500, s8;
	_ =	swait.ge [sflag:s0], $0xA00  }
0xa1: {  	[sflag:s0] =	ssyncset.done $0x0  }
0xa2: {  	[sflag:s0] =	ssyncadd.s32 $0xFFFFF600  }
0xa3: {  	_ =	swait.ge [sflag:s12], $0xA00  }
0xa4: {  	s17 =	sshra.s32 s17, $0x2;
	[sflag:s12] =	ssyncset.done $0x0  }
0xa5: {  	s26 =	simm.s32 $0xB400;
	s23 =	sadd.s32 $0x28A0, s17;
	[sflag:s12] =	ssyncadd.s32 $0xFFFFF600  }
0xa6: {  	[spmem:s1] =	stream.indirect.scatter.add.f32 [tilespmem:s26], [sflag:$0xB], $0x20, s23, s22, $0xb8;
	[tilespmem:$0x18C80] =	vst v63  }
0xa7: {  	s10 =	simm.s32 $0xDC00;
	s23 =	sadd.s32 $0x78A0, s17  }
0xa8: {  	[spmem:s3] =	stream.indirect.scatter.add.f32 [tilespmem:s10], [sflag:$0xF], $0x20, s23, s22, $0xb8;
	[tilespmem:$0x18C80] =	vst v63  }
0xa9: {  	_ =	swait.ge [sflag:s19], $0xA00  }
0xaa: {  	[sflag:s19] =	ssyncset.done $0x0  }
0xab: {  	[sflag:s19] =	ssyncadd.s32 $0xFFFFF600  }
0xac: {  	_ =	swait.ge [sflag:s13], $0xA00  }
0xad: {  	[sflag:s13] =	ssyncset.done $0x0  }
0xae: {  	s25 =	simm.s32 $0xA000;
	s23 =	sadd.s32 $0x140, s17;
	[sflag:s13] =	ssyncadd.s32 $0xFFFFF600  }
0xaf: {  	[tilespmem:s25], [sflag:$0x1] =	stream.indirect.gather [hbm4b:s5+s22], $0x20, s23, s22, $0xb8;
	[tilespmem:$0x18C80] =	vst v63  }
0xb0: {  	s28 =	simm.s32 $0xC800;
	s23 =	sadd.s32 $0x5140, s17  }
0xb1: {  	[tilespmem:s28], [sflag:$0x5] =	stream.indirect.gather [hbm4b:s6+s22], $0x20, s23, s22, $0xb8;
	[tilespmem:$0x18C80] =	vst v63  }
0xb2: {  	_ =	swait.ge [sflag:s20], $0xA00  }
0xb3: {  	[sflag:s20] =	ssyncset.done $0x0  }
0xb4: {  	[sflag:s20] =	ssyncadd.s32 $0xFFFFF600  }
0xb5: {  	_ =	swait.ge [sflag:s14], $0xA00  }
0xb6: {  	[sflag:s14] =	ssyncset.done $0x0  }
0xb7: {  	s24 =	simm.s32 $0xBE00;
	s23 =	sadd.s32 $0x28F0, s17;
	[sflag:s14] =	ssyncadd.s32 $0xFFFFF600  }
0xb8: {  	[spmem:s1] =	stream.indirect.scatter.add.f32 [tilespmem:s24], [sflag:$0xC], $0x20, s23, s22, $0xb8;
	[tilespmem:$0x18C80] =	vst v63  }
0xb9: {  	s23 =	sadd.s32 $0x78F0, s17  }
0xba: {  	[spmem:s3] =	stream.indirect.scatter.add.f32 [tilespmem:s9], [sflag:$0x10], $0x20, s23, s22, $0xb8;
	[tilespmem:$0x18C80] =	vst v63  }
0xbb: {  	_ =	swait.ge [sflag:s21], $0xA00  }
0xbc: {  	[sflag:s21] =	ssyncset.done $0x0  }
0xbd: {  	[sflag:s21] =	ssyncadd.s32 $0xFFFFF600  }
0xbe: {  	_ =	swait.ge [sflag:s15], $0xA00  }
0xbf: {  	[sflag:s15] =	ssyncset.done $0x0  }
0xc0: {  	s0 =	simm.s32 $0xAA00;
	s23 =	sadd.s32 $0x190, s17;
	[sflag:s15] =	ssyncadd.s32 $0xFFFFF600  }
0xc1: {  	[tilespmem:s0], [sflag:$0x2] =	stream.indirect.gather [hbm4b:s5+s22], $0x20, s23, s22, $0xb8;
	[tilespmem:$0x18C80] =	vst v63  }
0xc2: {  	s29 =	simm.s32 $0xD200;
	s23 =	sadd.s32 $0x5190, s17  }
0xc3: {  	[tilespmem:s29], [sflag:$0x6] =	stream.indirect.gather [hbm4b:s6+s22], $0x20, s23, s22, $0xb8;
	[tilespmem:$0x18C80] =	vst v63  }
0xc4: {  	_ =	swait.ge [sflag:s30], $0xA00  }
0xc5: {  	[sflag:s30] =	ssyncset.done $0x0  }
0xc6: {  	[sflag:s30] =	ssyncadd.s32 $0xFFFFF600  }
0xc7: {  	_ =	swait.ge [sflag:s31], $0xA00  }
0xc8: {  	[sflag:s31] =	ssyncset.done $0x0  }
0xc9: {  	s23 =	sadd.s32 $0x2940, s17;
	[sflag:s31] =	ssyncadd.s32 $0xFFFFF600  }
0xca: {  	[spmem:s1] =	stream.indirect.scatter.add.f32 [tilespmem:s25], [sflag:$0x9], $0x20, s23, s22, $0xb8;
	[tilespmem:$0x18C80] =	vst v63  }
0xcb: {  	s23 =	sadd.s32 $0x7940, s17  }
0xcc: {  	[spmem:s3] =	stream.indirect.scatter.add.f32 [tilespmem:s28], [sflag:$0xD], $0x20, s23, s22, $0xb8;
	[tilespmem:$0x18C80] =	vst v63  }
0xcd: {  	_ =	swait.ge [sflag:s7], $0xA00  }
0xce: {  	[sflag:s7] =	ssyncset.done $0x0  }
0xcf: {  	[sflag:s7] =	ssyncadd.s32 $0xFFFFF600  }
0xd0: {  	_ =	swait.ge [sflag:s16], $0xA00  }
0xd1: {  	[sflag:s16] =	ssyncset.done $0x0  }
0xd2: {  	s9 =	simm.s32 $0xB400;
	s23 =	sadd.s32 $0x1E0, s17;
	[sflag:s16] =	ssyncadd.s32 $0xFFFFF600  }
0xd3: {  	[tilespmem:s26], [sflag:$0x3] =	stream.indirect.gather [hbm4b:s5+s22], $0x20, s23, s22, $0xb8;
	[tilespmem:$0x18C80] =	vst v63  }
0xd4: {  	s23 =	sadd.s32 $0x51E0, s17;
	s26 =	simm.s32 $0xDC00  }
0xd5: {  	[tilespmem:s10], [sflag:$0x7] =	stream.indirect.gather [hbm4b:s6+s22], $0x20, s23, s22, $0xb8;
	[tilespmem:$0x18C80] =	vst v63  }
0xd6: {  	_ =	swait.ge [sflag:s2], $0xA00  }
0xd7: {  	[sflag:s2] =	ssyncset.done $0x0  }
0xd8: {  	[sflag:s2] =	ssyncadd.s32 $0xFFFFF600  }
0xd9: {  	_ =	swait.ge [sflag:s11], $0xA00  }
0xda: {  	[sflag:s11] =	ssyncset.done $0x0  }
0xdb: {  	s23 =	sadd.s32 $0x2990, s17;
	[sflag:s11] =	ssyncadd.s32 $0xFFFFF600  }
0xdc: {  	[spmem:s1] =	stream.indirect.scatter.add.f32 [tilespmem:s0], [sflag:$0xA], $0x20, s23, s22, $0xb8;
	[tilespmem:$0x18C80] =	vst v63  }
0xdd: {  	s23 =	sadd.s32 $0x7990, s17  }
0xde: {  	[spmem:s3] =	stream.indirect.scatter.add.f32 [tilespmem:s29], [sflag:$0xE], $0x20, s23, s22, $0xb8;
	[tilespmem:$0x18C80] =	vst v63  }
0xdf: {  	_ =	swait.ge [sflag:s18], $0xA00  }
0xe0: {  	[sflag:s18] =	ssyncset.done $0x0  }
0xe1: {  	[sflag:s18] =	ssyncadd.s32 $0xFFFFF600  }
.Ltmp0:
0xe2: {  	_ =	swait.ge [sflag:s4], $0xA00;
	(pc) =	sbr.rel @p0 .LBB2_2-.Ltmp0, $4  }
0xe3: {  	[sflag:s4] =	ssyncset.done $0x0  }
0xe4: {  	s10 =	simm.s32 $0xBE00;
	s23 =	sadd.s32 $0x230, s17;
	[sflag:s4] =	ssyncadd.s32 $0xFFFFF600  }
0xe5: {  	[tilespmem:s24], [sflag:$0x4] =	stream.indirect.gather [hbm4b:s5+s22], $0x20, s23, s22, $0xb8;
	[tilespmem:$0x18C80] =	vst v63  }
0xe6: {  	s17 =	sadd.s32 $0x5230, s17  }
0xe7: {  	s0 =	simm.s32 $0xE600;
	s2 =	simm.s32 $0x3  }
0xe8: {  	[tilespmem:s0], [sflag:$0x8] =	stream.indirect.gather [hbm4b:s6+s22], $0x20, s17, s22, $0xb8;
	[tilespmem:$0x18C80] =	vst v63  }
0xe9: {  	_ =	swait.ge [sflag:s2], $0xA00  }
0xea: {  	[sflag:s2] =	ssyncset.done $0x0  }
0xeb: {  	[sflag:s2] =	ssyncadd.s32 $0xFFFFF600  }
0xec: {  	_ =	swait.ge [sflag:s12], $0xA00  }
0xed: {  	[sflag:s12] =	ssyncset.done $0x0  }
0xee: {  	s8 =	simm.s32 $0x4F60;
	[sflag:s12] =	ssyncadd.s32 $0xFFFFF600  }
0xef: {  	[spmem:s1] =	stream.indirect.scatter.add.f32 [tilespmem:s9], [sflag:$0xB], $0x20, s8, s22, $0xb8;
	[tilespmem:$0x18C80] =	vst v63  }
0xf0: {  	s25 =	simm.s32 $0x9F60  }
0xf1: {  	[spmem:s3] =	stream.indirect.scatter.add.f32 [tilespmem:s26], [sflag:$0xF], $0x20, s25, s22, $0xb8;
	[tilespmem:$0x18C80] =	vst v63  }
0xf2: {  	_ =	swait.ge [sflag:s19], $0xA00  }
0xf3: {  	[sflag:s19] =	ssyncset.done $0x0  }
0xf4: {  	[sflag:s19] =	ssyncadd.s32 $0xFFFFF600  }
0xf5: {  	_ =	swait.ge [sflag:s13], $0xA00  }
0xf6: {  	[sflag:s13] =	ssyncset.done $0x0  }
0xf7: {  	[sflag:s13] =	ssyncadd.s32 $0xFFFFF600  }
0xf8: {  	_ =	swait.ge [sflag:s20], $0xA00  }
0xf9: {  	[sflag:s20] =	ssyncset.done $0x0  }
0xfa: {  	[sflag:s20] =	ssyncadd.s32 $0xFFFFF600  }
0xfb: {  	_ =	swait.ge [sflag:s14], $0xA00  }
0xfc: {  	[sflag:s14] =	ssyncset.done $0x0  }
0xfd: {  	s2 =	simm.s32 $0x4FB0;
	[sflag:s14] =	ssyncadd.s32 $0xFFFFF600  }
0xfe: {  	[spmem:s1] =	stream.indirect.scatter.add.f32 [tilespmem:s10], [sflag:$0xC], $0x20, s2, s22, $0xb8;
	[tilespmem:$0x18C80] =	vst v63  }
0xff: {  	s9 =	simm.s32 $0x9FB0  }
0x100: {  	[spmem:s3] =	stream.indirect.scatter.add.f32 [tilespmem:s0], [sflag:$0x10], $0x20, s9, s22, $0xb8;
	[tilespmem:$0x18C80] =	vst v63  }
0x101: {  	_ =	swait.ge [sflag:s21], $0xA00  }
0x102: {  	[sflag:s21] =	ssyncset.done $0x0  }
0x103: {  	[sflag:s21] =	ssyncadd.s32 $0xFFFFF600  }
0x104: {  	_ =	swait.ge [sflag:s15], $0xA00  }
0x105: {  	[sflag:s15] =	ssyncset.done $0x0  }
0x106: {  	[sflag:s15] =	ssyncadd.s32 $0xFFFFF600  }
0x107: {  	_ =	swait.ge [sflag:s7], $0xA00  }
0x108: {  	[sflag:s7] =	ssyncset.done $0x0  }
0x109: {  	[sflag:s7] =	ssyncadd.s32 $0xFFFFF600  }
0x10a: {  	_ =	swait.ge [sflag:s16], $0xA00  }
0x10b: {  	[sflag:s16] =	ssyncset.done $0x0  }
0x10c: {  	[sflag:s16] =	ssyncadd.s32 $0xFFFFF600  }
0x10d: {  	_ =	swait.ge [sflag:s18], $0xA00  }
0x10e: {  	[sflag:s18] =	ssyncset.done $0x0  }
0x10f: {  	[sflag:s18] =	ssyncadd.s32 $0xFFFFF600  }
0x110: {  	_ =	swait.ge [sflag:s4], $0xA00  }
0x111: {  	[sflag:s4] =	ssyncset.done $0x0  }
0x112: {  	[sflag:s4] =	ssyncadd.s32 $0xFFFFF600  }
0x113: {  	[bflag:$0x0] =	sbarrier.arrive $0xFFFF  }
0x114: {  	s17 =	rddreg [dreg:$0x5]  }
0x115: {  	s10 =	rddreg [dreg:$0xa]  }
0x116: {  	s23 =	simm.s32 $0x11;
	s9 =	rddreg [dreg:$0xd]  }
0x117: {  	[hbm:s10], [sflag:s17] =	dma.local [spmem:s9], $0x9C8  }
0x118: {  	_ =	swait.ge [sflag:s23], $0x9C8  }
0x119: {  	[sflag:s23] =	ssyncset.done $0x0;
	s11 =	rddreg [dreg:$0xb]  }
0x11a: {  	s10 =	rddreg [dreg:$0xe];
	[sflag:s23] =	ssyncadd.s32 $0xFFFFF638  }
0x11b: {  	[hbm:s11], [sflag:s17] =	dma.local [spmem:s10], $0x9C8  }
0x11c: {  	_ =	swait.ge [sflag:s23], $0x9C8  }
0x11d: {  	s24 =	rddreg [dreg:$0xf]  }
0x11e: {  	s25 =	rddreg [dreg:$0xc];
	s0 =	sadd.s32 $0x1, s24  }
0x11f: {  	p0 =	sne.s32 s0, s25  }
.Ltmp1:
0x120: {  	_ = 	snop;
	(pc) =	sbr.rel @p0 .LBB2_1-.Ltmp1, $4  }
0x121: {  	_ = 	snop  }
0x122: {  	s28 =	simm.s32 $0x1  }
0x123: {  	s29 =	simm.s32 $0x5;
	s26 =	simm.s32 $0x11;
	[sflag:s23] =	ssyncset.done $0x0  }
0x124: {  	s2 =	simm.s32 $0x2;
	s11 =	simm.s32 $0x6;
	[sflag:s26] =	ssyncadd.s32 $0xFFFFF638  }
0x125: {  	_ =	sfence.sel $0x180000  }
0x126: {  	[bflag:$0x0] =	sbarrier.arrive $0xFFFF  }
0x127: {  	_ =	strace $0x9000004A  }
0x128: {  	s0 =	stileid.u32;
	[bflag:$0x2] =	sbarrier.arrive $0xFFFF  }
0x129: {  	p0 =	sne.s32 s0, $0x0;
	s0 =	rddreg [dreg:$0x3]  }
0x12a: {  	s0 =	sadd.s32 @!p0 $0x100000, s0  }
0x12b: {  	[sflag:s0] =	ssyncadd.tile.s32 @!p0 $0x1;
	_ =	shalt  }
.Lfunc_end2:
_tile_overlayer_lowered:
.L_overlay_start_2:
0x12c: {  	(tag) =	ssettag $0x2  }
0x12d: {  	s0 =	rddreg [dreg:$0x0];
	s2 =	stileid.u32  }
0x12e: {  	s1 =	rddreg [dreg:$0x1];
	p0 =	sne.s32 s2, $0x0  }
0x12f: {  	s3 =	rddreg [dreg:$0x2];
	[bflag:$0x3] =	sbarrier.arrive $0xFFFF;
	s2 =	simm.s32 @!p0 $0x1C11  }
0x130: {  	[timem:s3], [sflag:s2] =	dma.local @!p0 [hbm:s0], s1  }
0x131: {  	s0 =	simm.s32 @!p0 $0x11  }
0x132: {  	_ =	swait.ge @!p0 [sflag:s0], s1  }
0x133: {  	s1 =	ssub.s32 @!p0 $0x0, s1;
	[sflag:s0] =	ssyncset.done @!p0 $0x0  }
0x134: {  	[sflag:s0] =	ssyncadd.s32 @!p0 s1  }
0x135: {  	[bflag:$0x3] =	sbarrier.arrive $0xFFFF  }
0x136: {  	_ =	shalt  }

// kernel: kernel.14.cloned.1.call-start
scs
__scs_entry_jumppad:
0x0: {  	(pc) =	sbr.rel $0x88, $3  }
0x1: {  	(tag) =	ssettag $0x0;
	lr =	simm.s32 $0x1  }
0x2: {  	[smem:$0x3F8B] =	sst lr;
	_ =	strace $0xD0000000  }
0x3: {  	_ = 	snop  }
0x4: {  	_ = 	snop  }
0x5: {  	_ = 	snop  }
0x6: {  	_ = 	snop  }
0x7: {  	_ = 	snop  }
__scs_overlays_trampoline_lowered:
0x8: {  	[smem:$0x3F9A] =	sst s0  }
0x9: {  	[smem:$0x3F9B] =	sst s1  }
0xa: {  	[smem:$0x3F9C] =	sst s2  }
0xb: {  	[smem:$0x3F9D] =	sst s3  }
0xc: {  	[smem:$0x3F9E] =	sst s4  }
0xd: {  	[smem:$0x3F9F] =	sst s5  }
0xe: {  	[smem:$0x3FA0] =	sst s6  }
0xf: {  	[smem:$0x3FA1] =	sst s7  }
0x10: {  	[smem:$0x3FA2] =	sst s8  }
0x11: {  	[smem:$0x3FA3] =	sst s9;
	s0 =	simm.s32 @!p0 $0x0  }
0x12: {  	s1 =	sld [smem:$0x3F89];
	s0 =	simm.s32 @p0 $0x1  }
0x13: {  	[smem:$0x3FA4] =	sst s0;
	s0 =	simm.s32 @!p1 $0x0  }
0x14: {  	s2 =	sld [smem:$0x3F88];
	s0 =	simm.s32 @p1 $0x1  }
0x15: {  	[smem:$0x3FA5] =	sst s0;
	s0 =	simm.s32 @!p2 $0x0  }
0x16: {  	s3 =	sld [smem:$0x3FDB];
	s0 =	simm.s32 @p2 $0x1  }
0x17: {  	s4 =	simm.s32 $0x1BF5;
	[smem:$0x3FA7] =	sst s0  }
0x18: {  	s0 =	sld [smem:$0x3F8A];
	_ =	swait.ge [sflag:s4], $0x0  }
0x19: {  	s7 =	sld [smem:$0x3F8B]  }
0x1a: {  	s8 =	sadd.s32 $0xFFFFE003, lr  }
0x1b: {  	s9 =	sadd.s32 $0xFFFFFEF7, lr;
	s5 =	simm.s32 $0xFFFFFFFF;
	p2 =	slt.u32 s8, $0xFFFFF086  }
0x1c: {  	p1 =	slt.u32 s9, $0xF7A;
	s5 =	simm.s32 @!p2 $0x0  }
0x1d: {  	s5 =	simm.s32 @p1 $0x1;
	p0 =	seq.s32 s7, s2  }
0x1e: {  	s7 =	smul.u32 @!p0 $0xF7A, s2;
	p2 =	seq.s32 @!p0 s5, $0x0  }
0x1f: {  	s9 =	smul.u32 $0xF7A, s1;
	s8 =	simm.s32 @!p0 $0x1BF5;
	p2 =	por !p2, p0  }
0x20: {  	[sflag:s8] =	ssyncset.s32 @!p0 $0xFFFFF086;
	s6 =	sadd.s32 @!p0 s3, s7;
	s7 =	simm.s32 @!p0 $0x108  }
0x21: {  	s3 =	sadd.s32 s3, s9;
	s6 =	sadd.s32 @!p0 $0x88, s6;
	s7 =	simm.s32 @p2 $0x1082  }
0x22: {  	[simem:s7], [sflag:s8] =	dma.local @!p0 [hbm:s6], $0xF7A  }
0x23: {  	s9 =	sor.u32 $0xD0000000, s2;
	s6 =	simm.s32 $0x108;
	_ =	swait.ge @!p0 [sflag:s8], $0x0  }
0x24: {  	s3 =	sadd.s32 $0x88, s3;
	s6 =	simm.s32 @!p1 $0x1082;
	[sflag:s4] =	ssyncset.s32 $0xFFFFF086  }
0x25: {  	[simem:s6], [sflag:s4] =	dma.local [hbm:s3], $0xF7A  }
0x26: {  	[smem:$0x3F8B] =	sst s1;
	(tag) =	ssettag s2;
	_ =	strace s9  }
0x27: {  	s1 =	sld [smem:$0x3F9B]  }
0x28: {  	s2 =	sld [smem:$0x3F9C]  }
0x29: {  	s4 =	sld [smem:$0x3F9E]  }
0x2a: {  	p0 =	seq.s32 s5, $0x0;
	s5 =	sld [smem:$0x3F9F]  }
0x2b: {  	s6 =	sld [smem:$0x3FA0]  }
0x2c: {  	s7 =	sld [smem:$0x3FA1]  }
0x2d: {  	s3 =	simm.s32 $0x108;
	s8 =	sld [smem:$0x3FA2]  }
0x2e: {  	s3 =	simm.s32 @!p0 $0x1082;
	s9 =	sld [smem:$0x3FA3]  }
0x2f: {  	lr =	sadd.s32 s0, s3;
	s0 =	sld [smem:$0x3F9A]  }
0x30: {  	s3 =	sld [smem:$0x3F9D]  }
0x31: {  	[smem:$0x3FA6] =	sst s10  }
0x32: {  	s10 =	sld [smem:$0x3FA4];
	_ =	sdelay $0x3  }
0x33: {  	p0 =	seq.s32 s10, $0x1;
	s10 =	sld [smem:$0x3FA6];
	_ =	sdelay $0x3  }
0x34: {  	[smem:$0x3FA6] =	sst s10  }
0x35: {  	s10 =	sld [smem:$0x3FA5];
	_ =	sdelay $0x3  }
0x36: {  	p1 =	seq.s32 s10, $0x1;
	s10 =	sld [smem:$0x3FA6];
	_ =	sdelay $0x3  }
0x37: {  	[smem:$0x3FA6] =	sst s10  }
0x38: {  	s10 =	sld [smem:$0x3FA7]  }
0x39: {  	_ = 	snop;
	(pc) =	sbr.ind lr, $3  }
0x3a: {  	_ = 	snop  }
0x3b: {  	_ = 	snop  }
0x3c: {  	p2 =	seq.s32 s10, $0x1;
	s10 =	sld [smem:$0x3FA6]  }
0x3d: {  	_ =	shalt  }
0x3e: {  	_ =	shalt  }
0x3f: {  	_ =	shalt  }
0x40: {  	_ =	shalt  }
0x41: {  	_ =	shalt  }
0x42: {  	_ =	shalt  }
0x43: {  	_ =	shalt  }
0x44: {  	_ =	shalt  }
0x45: {  	_ =	shalt  }
0x46: {  	_ =	shalt  }
0x47: {  	_ =	shalt  }
0x48: {  	_ =	shalt  }
0x49: {  	_ =	shalt  }
0x4a: {  	_ =	shalt  }
0x4b: {  	_ =	shalt  }
0x4c: {  	_ =	shalt  }
0x4d: {  	_ =	shalt  }
0x4e: {  	_ =	shalt  }
0x4f: {  	_ =	shalt  }
0x50: {  	_ =	shalt  }
0x51: {  	_ =	shalt  }
0x52: {  	_ =	shalt  }
0x53: {  	_ =	shalt  }
0x54: {  	_ =	shalt  }
0x55: {  	_ =	shalt  }
0x56: {  	_ =	shalt  }
0x57: {  	_ =	shalt  }
0x58: {  	_ =	shalt  }
0x59: {  	_ =	shalt  }
0x5a: {  	_ =	shalt  }
0x5b: {  	_ =	shalt  }
0x5c: {  	_ =	shalt  }
0x5d: {  	_ =	shalt  }
0x5e: {  	_ =	shalt  }
0x5f: {  	_ =	shalt  }
0x60: {  	_ =	shalt  }
0x61: {  	_ =	shalt  }
0x62: {  	_ =	shalt  }
0x63: {  	_ =	shalt  }
0x64: {  	_ =	shalt  }
0x65: {  	_ =	shalt  }
0x66: {  	_ =	shalt  }
0x67: {  	_ =	shalt  }
0x68: {  	_ =	shalt  }
0x69: {  	_ =	shalt  }
0x6a: {  	_ =	shalt  }
0x6b: {  	_ =	shalt  }
0x6c: {  	_ =	shalt  }
0x6d: {  	_ =	shalt  }
0x6e: {  	_ =	shalt  }
0x6f: {  	_ =	shalt  }
0x70: {  	_ =	shalt  }
0x71: {  	_ =	shalt  }
0x72: {  	_ =	shalt  }
0x73: {  	_ =	shalt  }
0x74: {  	_ =	shalt  }
0x75: {  	_ =	shalt  }
0x76: {  	_ =	shalt  }
0x77: {  	_ =	shalt  }
0x78: {  	_ =	shalt  }
0x79: {  	_ =	shalt  }
0x7a: {  	_ =	shalt  }
0x7b: {  	_ =	shalt  }
0x7c: {  	_ =	shalt  }
0x7d: {  	_ =	shalt  }
0x7e: {  	_ =	shalt  }
0x7f: {  	_ =	shalt  }
0x80: {  	_ =	shalt  }
0x81: {  	_ =	shalt  }
0x82: {  	_ =	shalt  }
0x83: {  	_ =	shalt  }
0x84: {  	_ =	shalt  }
0x85: {  	_ =	shalt  }
0x86: {  	_ =	shalt  }
0x87: {  	_ =	shalt  }
.Lfunc_end0:
.L_simem_size_0:
called_computation.2_lowered:
.L_overlay_start_0:
0x88: {  	s2 =	sld [smem:$0x3FD9]  }
0x89: {  	s3 =	sld [smem:$0x3FFE];
	_ =	sdelay $0x1  }
0x8a: {  	s1 =	srdreg.scid  }
0x8b: {  	s0 =	sand.u32 $0x1, s1  }
0x8c: {  	s16 =	sshll.u32 s0, $0xA;
	s2 =	sadd.s32 s3, s2  }
0x8d: {  	s2 =	sadd.s32 s2, s16  }
0x8e: {  	[smem:$0x3FB2] =	sst s2  }
0x8f: {  	_ = 	snop  }
0x90: {  	(tm) =	ssettm $0x1  }
0x91: {  	s17 =	sld [smem:$0x3FFB];
	_ =	sdelay $0x3  }
0x92: {  	_ =	strace s17  }
0x93: {  	s2 =	sld [smem:$0x3FFC];
	_ =	sdelay $0x3  }
0x94: {  	_ =	strace s2  }
0x95: {  	s2 =	sld [smem:$0x3FFD];
	_ =	sdelay $0x3  }
0x96: {  	_ =	strace s2  }
0x97: {  	_ =	strace $0x8FFFFFFF  }
0x98: {  	s18 =	sld [smem:$0x3FDB];
	_ =	sdelay $0x1  }
0x99: {  	s19 =	simm.s32 $_scs_section_size  }
0x9a: {  	s4 =	simm.s32 $_size__tile_overlayer_lowered;
	s5 =	simm.s32 $_tile_overlayer_lowered  }
0x9b: {  	s22 =	simm.s32 $0x1BFF;
	s21 =	sshll.u32 s5, $0x1;
	s2 =	sadd.s32 s19, s18  }
0x9c: {  	s6 =	simm.s32 $0x0;
	s20 =	sshll.u32 s4, $0x1;
	s4 =	sadd.s32 s21, s2  }
0x9d: {  	[timem:s6], [sflag:s22] =	dma.local [hbm:s4], s20  }
0x9e: {  	_ =	swait.ge [sflag:s22], s20  }
0x9f: {  	s3 =	ssub.s32 $0x0, s20;
	[sflag:s22] =	ssyncset.done $0x0  }
0xa0: {  	[sflag:s22] =	ssyncadd.s32 s3;
	_ =	sdelay $0x1  }
0xa1: {  	s23 =	simm.s32 $0x1B8B  }
0xa2: {  	_ =	swait.ge [sflag:s23], $0x1  }
0xa3: {  	[sflag:s23] =	ssyncset.done $0x0  }
0xa4: {  	s25 =	simm.s32 $0x1B8E;
	s24 =	sld [smem:$0x3FFE];
	[sflag:s23] =	ssyncadd.s32 $0xFFFFFFFF  }
0xa5: {  	s26 =	simm.s32 $execute0_lowered;
	[smem:$0x3FD2] =	sst s25  }
0xa6: {  	s4 =	sshll.u32 s26, $0x1;
	_ =	strace $0x8000004C;
	[dreg:$0x1] =	wrdreg $0xFFFFFFFF  }
0xa7: {  	s28 =	simm.s32 $_size_execute0_lowered;
	s2 =	sadd.s32 s2, s4;
	[dreg:$0x0] =	wrdreg $0x0  }
0xa8: {  	s4 =	sshll.u32 s28, $0x1;
	[dreg:$0x2] =	wrdreg s2  }
0xa9: {  	[dreg:$0x3] =	wrdreg s4  }
0xaa: {  	[dreg:$0x4] =	wrdreg $0xC0  }
0xab: {  	_ =	task [dreg:s6], $0x5FFFF  }
0xac: {  	[dreg:$0x1] =	wrdreg $0xFFFFFFFF  }
0xad: {  	[dreg:$0x0] =	wrdreg $0x60  }
0xae: {  	[dreg:$0x2] =	wrdreg s24  }
0xaf: {  	[dreg:$0x3] =	wrdreg $0xF0000  }
0xb0: {  	[dreg:$0x4] =	wrdreg $0x13E400  }
0xb1: {  	[dreg:$0x5] =	wrdreg $0x9  }
0xb2: {  	_ =	task.clear_ibuf [dreg:s6], $0x6FFFF;
	_ =	strace $0x9000004C  }
0xb3: {  	s29 =	simm.s32 $0x9;
	_ =	strace $0x8000004E  }
0xb4: {  	_ =	swait.ge [sflag:s29], $0x1  }
0xb5: {  	[sflag:s29] =	ssyncadd.s32 $0xFFFFFFFF  }
0xb6: {  	_ =	strace $0x9000004E  }
0xb7: {  	_ =	sfence  }
0xb8: {  	s30 =	sld [smem:$0x0];
	_ =	sdelay $0x2  }
0xb9: {  	s31 =	sshll.u32 s1, $0xD;
	s1 =	sshrl.u32 s1, $0x2  }
0xba: {  	s3 =	sand.u32 $0x4000, s31;
	s1 =	sadd.s32 s1, s30  }
0xbb: {  	s0 =	sor.u32 s3, s0;
	s1 =	sshll.u32 s1, $0x11  }
0xbc: {  	s0 =	sor.u32 s1, s0  }
0xbd: {  	s0 =	sadd.s32 $0x8F2B, s0  }
0xbe: {  	[sflag:s0] =	ssyncadd.remote.s32 $0x1  }
0xbf: {  	_ =	sfence.sel $0xFFFF  }
0xc0: {  	[dreg:$0x0] =	wrdreg $0xFFFFFFFF;
	(pc) =	sbr.abs _section_cstart, $3  }
0xc1: {  	[dreg:$0x1] =	wrdreg $0xFFFFFFFF  }
0xc2: {  	_ =	task.clear_ibuf [dreg:s6], $0x2FFFF;
	_ =	strace $0x9FFFFFFF  }
0xc3: {  	(tm) =	ssettm $0x7FFFFFFF  }
tec
execute0_lowered:
.L_overlay_start_1:
0x0: {  	(tag) =	ssettag $0x1  }
0x1: {  	s0 =	rddreg [dreg:$0x0]  }
0x2: {  	s1 =	rddreg [dreg:$0x1]  }
0x3: {  	s3 =	rddreg [dreg:$0x2];
	s4 =	simm.s32 $0x0  }
0x4: {  	s2 =	srdreg.scid;
	s11 =	stileid.u32;
	s28 =	simm.s32 $0x1  }
0x5: {  	s29 =	simm.s32 $0x5;
	s13 =	simm.s32 $0xD;
	s14 =	simm.s32 $0x8  }
0x6: {  	s15 =	simm.s32 $0xE;
	s16 =	simm.s32 $0xF;
	s30 =	simm.s32 $0x1  }
0x7: {  	s31 =	simm.s32 $0x5;
	[smem:$0x7FF] =	sst s4;
	s2 =	sand.u32 $0x1, s2  }
0x8: {  	s18 =	smul.u32 $0x4E40, s11;
	s5 =	sadd.s32 $0x5200, s0;
	s6 =	sadd.s32 $0x19800, s0  }
0x9: {  	s8 =	sadd.s32 $0x40600, s0;
	s9 =	sshll.u32 s11, $0x1;
	s10 =	sadd.s32 $0x2C600, s0  }
0xa: {  	s12 =	sadd.s32 $0x18E00, s0;
	s20 =	sshll.u32 s11, $0x6;
	s11 =	simm.s32 $0x6  }
0xb: {  	_ =	strace $0x8000004D;
	s7 =	smul.u32 $0x4E400, s2;
	s9 =	sor.u32 s2, s9  }
0xc: {  	s2 =	ssub.s32 $0x2, s2;
	[dreg:$0x4] =	wrdreg s12;
	s17 =	sor.u32 $0x1C11, s20  }
0xd: {  	s12 =	simm.s32 $0x7;
	s20 =	simm.s32 $0x4;
	s9 =	smul.u32 $0x2800, s9  }
0xe: {  	s19 =	sshrl.u32 s2, $0x1;
	s21 =	sadd.s32 s18, s1;
	s4 =	sadd.s32 s18, s3  }
0xf: {  	[dreg:$0x5] =	wrdreg s17;
	s7 =	sadd.s32 s18, s7;
	s2 =	ssub.s32 s2, s19  }
0x10: {  	s19 =	simm.s32 $0x9;
	s9 =	sshrl.u32 s9, $0x3;
	s26 =	smax.u32 s2, $0x1  }
0x11: {  	s18 =	simm.s32 $0xC;
	s23 =	sadd.s32 s8, s9;
	[dreg:$0xc] =	wrdreg s26  }
0x12: {  	s7 =	sshrl.u32 s7, $0x3;
	s24 =	sadd.s32 s10, s9;
	[dreg:$0x6] =	wrdreg s23  }
0x13: {  	s22 =	sadd.s32 $0xA000, s9;
	s9 =	sshrl.u32 s21, $0x3;
	[dreg:$0x8] =	wrdreg s24  }
0x14: {  	s2 =	simm.s32 $0x2;
	s8 =	sadd.s32 s8, s22;
	[dreg:$0xd] =	wrdreg s9  }
0x15: {  	s0 =	sadd.s32 s7, s0;
	s7 =	sadd.s32 s10, s22;
	[dreg:$0x7] =	wrdreg s8  }
0x16: {  	s21 =	simm.s32 $0xA;
	s25 =	sadd.s32 $0x54600, s0;
	[dreg:$0x9] =	wrdreg s7  }
0x17: {  	s0 =	sadd.s32 $0x68000, s0;
	s10 =	sshrl.u32 s4, $0x3;
	[dreg:$0xa] =	wrdreg s25  }
0x18: {  	s22 =	simm.s32 $0x50;
	s4 =	simm.s32 $0x10;
	[dreg:$0xb] =	wrdreg s0  }
0x19: {  	s7 =	simm.s32 $0xB;
	s0 =	simm.s32 $0x0;
	[dreg:$0xe] =	wrdreg s10  }
.LBB2_1:
0x1a: {  	[dreg:$0xf] =	wrdreg s0  }
0x1b: {  	s23 =	simm.s32 $0x11;
	s8 =	rddreg [dreg:$0x4]  }
0x1c: {  	[spmem:s9], [sflag:s17] =	dma.local [hbm:s8], $0x9C8  }
0x1d: {  	_ =	swait.ge [sflag:s23], $0x9C8  }
0x1e: {  	[sflag:s23] =	ssyncset.done $0x0  }
0x1f: {  	[sflag:s23] =	ssyncadd.s32 $0xFFFFF638  }
0x20: {  	[spmem:s10], [sflag:s17] =	dma.local [hbm:s8], $0x9C8  }
0x21: {  	_ =	swait.ge [sflag:s23], $0x9C8  }
0x22: {  	[sflag:s23] =	ssyncset.done $0x0  }
0x23: {  	s8 =	simm.s32 $0x0;
	s10 =	rddreg [dreg:$0x6];
	[sflag:s23] =	ssyncadd.s32 $0xFFFFF638  }
0x24: {  	[tilespmem:s8], [sflag:$0x11] =	stream.linear.gather [hbm4b:s10+s8], $0x2800, $0x38;
	[tilespmem:$0x18C80] =	vst v63  }
0x25: {  	_ =	swait.ge [sflag:s23], $0x2800  }
0x26: {  	[sflag:s23] =	ssyncset.done $0x0  }
0x27: {  	s9 =	simm.s32 $0x2800;
	s24 =	rddreg [dreg:$0x7];
	[sflag:s23] =	ssyncadd.s32 $0xFFFFD800  }
0x28: {  	[tilespmem:s9], [sflag:$0x11] =	stream.linear.gather [hbm4b:s24+s8], $0x2800, $0x38;
	[tilespmem:$0x18C80] =	vst v63  }
0x29: {  	_ =	swait.ge [sflag:s23], $0x2800  }
0x2a: {  	[sflag:s23] =	ssyncset.done $0x0  }
0x2b: {  	s0 =	simm.s32 $0x5000;
	s25 =	rddreg [dreg:$0x8];
	[sflag:s23] =	ssyncadd.s32 $0xFFFFD800  }
0x2c: {  	[tilespmem:s0], [sflag:$0x11] =	stream.linear.gather [hbm4b:s25+s8], $0x2800, $0x38;
	[tilespmem:$0x18C80] =	vst v63  }
0x2d: {  	_ =	swait.ge [sflag:s23], $0x2800  }
0x2e: {  	[sflag:s23] =	ssyncset.done $0x0  }
0x2f: {  	s10 =	simm.s32 $0x7800;
	s26 =	rddreg [dreg:$0x9];
	[sflag:s23] =	ssyncadd.s32 $0xFFFFD800  }
0x30: {  	[tilespmem:s10], [sflag:$0x11] =	stream.linear.gather [hbm4b:s26+s8], $0x2800, $0x38;
	[tilespmem:$0x18C80] =	vst v63  }
0x31: {  	_ =	swait.ge [sflag:s23], $0x2800  }
0x32: {  	[sflag:s23] =	ssyncset.done $0x0  }
0x33: {  	[sflag:s23] =	ssyncadd.s32 $0xFFFFD800  }
0x34: {  	s24 =	simm.s32 $0xA000;
	[bflag:$0x0] =	sbarrier.arrive $0xFFFF  }
0x35: {  	[tilespmem:s24], [sflag:$0x1] =	stream.indirect.gather [hbm4b:s5+s22], $0x20, s8, s22, $0xb8;
	[tilespmem:$0x18C80] =	vst v63  }
0x36: {  	s25 =	simm.s32 $0xC800  }
0x37: {  	[tilespmem:s25], [sflag:$0x5] =	stream.indirect.gather [hbm4b:s6+s22], $0x20, s0, s22, $0xb8;
	[tilespmem:$0x18C80] =	vst v63  }
0x38: {  	s26 =	simm.s32 $0xAA00  }
0x39: {  	[tilespmem:s26], [sflag:$0x2] =	stream.indirect.gather [hbm4b:s5+s22], $0x20, s22, s22, $0xb8;
	[tilespmem:$0x18C80] =	vst v63  }
0x3a: {  	s23 =	simm.s32 $0x5050;
	s0 =	simm.s32 $0xD200  }
0x3b: {  	[tilespmem:s0], [sflag:$0x6] =	stream.indirect.gather [hbm4b:s6+s22], $0x20, s23, s22, $0xb8;
	[tilespmem:$0x18C80] =	vst v63  }
0x3c: {  	_ =	swait.ge [sflag:s28], $0xA00  }
0x3d: {  	[sflag:s28] =	ssyncset.done $0x0  }
0x3e: {  	[sflag:s28] =	ssyncadd.s32 $0xFFFFF600  }
0x3f: {  	_ =	swait.ge [sflag:s29], $0xA00  }
0x40: {  	[sflag:s29] =	ssyncset.done $0x0  }
0x41: {  	[sflag:s29] =	ssyncadd.s32 $0xFFFFF600  }
0x42: {  	[spmem:s1] =	stream.indirect.scatter.add.f32 [tilespmem:s24], [sflag:$0x9], $0x20, s9, s22, $0xb8;
	[tilespmem:$0x18C80] =	vst v63  }
0x43: {  	_ = 	snop  }
0x44: {  	[spmem:s3] =	stream.indirect.scatter.add.f32 [tilespmem:s25], [sflag:$0xD], $0x20, s10, s22, $0xb8;
	[tilespmem:$0x18C80] =	vst v63  }
0x45: {  	s17 =	simm.s32 $0xB400;
	s9 =	simm.s32 $0xA0  }
0x46: {  	[tilespmem:s17], [sflag:$0x3] =	stream.indirect.gather [hbm4b:s5+s22], $0x20, s9, s22, $0xb8;
	[tilespmem:$0x18C80] =	vst v63  }
0x47: {  	s10 =	simm.s32 $0x50A0;
	s9 =	simm.s32 $0xDC00  }
0x48: {  	[tilespmem:s9], [sflag:$0x7] =	stream.indirect.gather [hbm4b:s6+s22], $0x20, s10, s22, $0xb8;
	[tilespmem:$0x18C80] =	vst v63  }
0x49: {  	_ =	swait.ge [sflag:s2], $0xA00  }
0x4a: {  	[sflag:s2] =	ssyncset.done $0x0  }
0x4b: {  	[sflag:s2] =	ssyncadd.s32 $0xFFFFF600  }
0x4c: {  	_ =	swait.ge [sflag:s11], $0xA00  }
0x4d: {  	[sflag:s11] =	ssyncset.done $0x0  }
0x4e: {  	s23 =	simm.s32 $0x2850;
	[sflag:s11] =	ssyncadd.s32 $0xFFFFF600  }
0x4f: {  	[spmem:s1] =	stream.indirect.scatter.add.f32 [tilespmem:s26], [sflag:$0xA], $0x20, s23, s22, $0xb8;
	[tilespmem:$0x18C80] =	vst v63  }
0x50: {  	s10 =	simm.s32 $0x7850  }
0x51: {  	[spmem:s3] =	stream.indirect.scatter.add.f32 [tilespmem:s0], [sflag:$0xE], $0x20, s10, s22, $0xb8;
	[tilespmem:$0x18C80] =	vst v63  }
0x52: {  	s23 =	simm.s32 $0xF0;
	s10 =	simm.s32 $0xBE00  }
0x53: {  	[tilespmem:s10], [sflag:$0x4] =	stream.indirect.gather [hbm4b:s5+s22], $0x20, s23, s22, $0xb8;
	[tilespmem:$0x18C80] =	vst v63  }
0x54: {  	s8 =	simm.s32 $0x50F0;
	s23 =	simm.s32 $0xE600  }
0x55: {  	[tilespmem:s23], [sflag:$0x8] =	stream.indirect.gather [hbm4b:s6+s22], $0x20, s8, s22, $0xb8;
	[tilespmem:$0x18C80] =	vst v63  }
0x56: {  	s8 =	simm.s32 $0x3  }
0x57: {  	_ =	swait.ge [sflag:s8], $0xA00  }
0x58: {  	[sflag:s8] =	ssyncset.done $0x0  }
0x59: {  	[sflag:s8] =	ssyncadd.s32 $0xFFFFF600  }
0x5a: {  	_ =	swait.ge [sflag:s12], $0xA00  }
0x5b: {  	[sflag:s12] =	ssyncset.done $0x0  }
0x5c: {  	s8 =	simm.s32 $0x28A0;
	[sflag:s12] =	ssyncadd.s32 $0xFFFFF600  }
0x5d: {  	[spmem:s1] =	stream.indirect.scatter.add.f32 [tilespmem:s17], [sflag:$0xB], $0x20, s8, s22, $0xb8;
	[tilespmem:$0x18C80] =	vst v63  }
0x5e: {  	s8 =	simm.s32 $0x78A0  }
0x5f: {  	[spmem:s3] =	stream.indirect.scatter.add.f32 [tilespmem:s9], [sflag:$0xF], $0x20, s8, s22, $0xb8;
	[tilespmem:$0x18C80] =	vst v63  }
0x60: {  	_ =	swait.ge [sflag:s19], $0xA00  }
0x61: {  	[sflag:s19] =	ssyncset.done $0x0  }
0x62: {  	[sflag:s19] =	ssyncadd.s32 $0xFFFFF600  }
0x63: {  	_ =	swait.ge [sflag:s13], $0xA00  }
0x64: {  	[sflag:s13] =	ssyncset.done $0x0  }
0x65: {  	s8 =	simm.s32 $0x140;
	[sflag:s13] =	ssyncadd.s32 $0xFFFFF600  }
0x66: {  	[tilespmem:s24], [sflag:$0x1] =	stream.indirect.gather [hbm4b:s5+s22], $0x20, s8, s22, $0xb8;
	[tilespmem:$0x18C80] =	vst v63  }
0x67: {  	s8 =	simm.s32 $0x5140  }
0x68: {  	[tilespmem:s25], [sflag:$0x5] =	stream.indirect.gather [hbm4b:s6+s22], $0x20, s8, s22, $0xb8;
	[tilespmem:$0x18C80] =	vst v63  }
0x69: {  	_ =	swait.ge [sflag:s20], $0xA00  }
0x6a: {  	[sflag:s20] =	ssyncset.done $0x0  }
0x6b: {  	[sflag:s20] =	ssyncadd.s32 $0xFFFFF600  }
0x6c: {  	_ =	swait.ge [sflag:s14], $0xA00  }
0x6d: {  	[sflag:s14] =	ssyncset.done $0x0  }
0x6e: {  	s8 =	simm.s32 $0x28F0;
	[sflag:s14] =	ssyncadd.s32 $0xFFFFF600  }
0x6f: {  	[spmem:s1] =	stream.indirect.scatter.add.f32 [tilespmem:s10], [sflag:$0xC], $0x20, s8, s22, $0xb8;
	[tilespmem:$0x18C80] =	vst v63  }
0x70: {  	s8 =	simm.s32 $0x78F0  }
0x71: {  	[spmem:s3] =	stream.indirect.scatter.add.f32 [tilespmem:s23], [sflag:$0x10], $0x20, s8, s22, $0xb8;
	[tilespmem:$0x18C80] =	vst v63  }
0x72: {  	_ =	swait.ge [sflag:s21], $0xA00  }
0x73: {  	[sflag:s21] =	ssyncset.done $0x0  }
0x74: {  	[sflag:s21] =	ssyncadd.s32 $0xFFFFF600  }
0x75: {  	_ =	swait.ge [sflag:s15], $0xA00  }
0x76: {  	[sflag:s15] =	ssyncset.done $0x0  }
0x77: {  	s23 =	simm.s32 $0x190;
	[sflag:s15] =	ssyncadd.s32 $0xFFFFF600  }
0x78: {  	[tilespmem:s26], [sflag:$0x2] =	stream.indirect.gather [hbm4b:s5+s22], $0x20, s23, s22, $0xb8;
	[tilespmem:$0x18C80] =	vst v63  }
0x79: {  	s23 =	simm.s32 $0x5190  }
0x7a: {  	[tilespmem:s0], [sflag:$0x6] =	stream.indirect.gather [hbm4b:s6+s22], $0x20, s23, s22, $0xb8;
	[tilespmem:$0x18C80] =	vst v63  }
0x7b: {  	_ =	swait.ge [sflag:s28], $0xA00  }
0x7c: {  	[sflag:s28] =	ssyncset.done $0x0  }
0x7d: {  	[sflag:s28] =	ssyncadd.s32 $0xFFFFF600  }
0x7e: {  	_ =	swait.ge [sflag:s29], $0xA00  }
0x7f: {  	[sflag:s29] =	ssyncset.done $0x0  }
0x80: {  	s28 =	simm.s32 $0x2940;
	[sflag:s29] =	ssyncadd.s32 $0xFFFFF600  }
0x81: {  	[spmem:s1] =	stream.indirect.scatter.add.f32 [tilespmem:s24], [sflag:$0x9], $0x20, s28, s22, $0xb8;
	[tilespmem:$0x18C80] =	vst v63  }
0x82: {  	s29 =	simm.s32 $0x7940  }
0x83: {  	[spmem:s3] =	stream.indirect.scatter.add.f32 [tilespmem:s25], [sflag:$0xD], $0x20, s29, s22, $0xb8;
	[tilespmem:$0x18C80] =	vst v63  }
0x84: {  	_ =	swait.ge [sflag:s7], $0xA00  }
0x85: {  	[sflag:s7] =	ssyncset.done $0x0  }
0x86: {  	[sflag:s7] =	ssyncadd.s32 $0xFFFFF600  }
0x87: {  	_ =	swait.ge [sflag:s16], $0xA00  }
0x88: {  	[sflag:s16] =	ssyncset.done $0x0  }
0x89: {  	s23 =	simm.s32 $0x1E0;
	[sflag:s16] =	ssyncadd.s32 $0xFFFFF600  }
0x8a: {  	[tilespmem:s17], [sflag:$0x3] =	stream.indirect.gather [hbm4b:s5+s22], $0x20, s23, s22, $0xb8;
	[tilespmem:$0x18C80] =	vst v63  }
0x8b: {  	s24 =	simm.s32 $0x51E0  }
0x8c: {  	[tilespmem:s9], [sflag:$0x7] =	stream.indirect.gather [hbm4b:s6+s22], $0x20, s24, s22, $0xb8;
	[tilespmem:$0x18C80] =	vst v63  }
0x8d: {  	_ =	swait.ge [sflag:s2], $0xA00  }
0x8e: {  	[sflag:s2] =	ssyncset.done $0x0  }
0x8f: {  	[sflag:s2] =	ssyncadd.s32 $0xFFFFF600  }
0x90: {  	_ =	swait.ge [sflag:s11], $0xA00  }
0x91: {  	[sflag:s11] =	ssyncset.done $0x0  }
0x92: {  	s25 =	simm.s32 $0x2990;
	[sflag:s11] =	ssyncadd.s32 $0xFFFFF600  }
0x93: {  	[spmem:s1] =	stream.indirect.scatter.add.f32 [tilespmem:s26], [sflag:$0xA], $0x20, s25, s22, $0xb8;
	[tilespmem:$0x18C80] =	vst v63  }
0x94: {  	s28 =	simm.s32 $0x7990  }
0x95: {  	[spmem:s3] =	stream.indirect.scatter.add.f32 [tilespmem:s0], [sflag:$0xE], $0x20, s28, s22, $0xb8;
	[tilespmem:$0x18C80] =	vst v63  }
0x96: {  	_ =	swait.ge [sflag:s18], $0xA00  }
0x97: {  	[sflag:s18] =	ssyncset.done $0x0  }
0x98: {  	[sflag:s18] =	ssyncadd.s32 $0xFFFFF600  }
0x99: {  	s8 =	simm.s32 $0x500;
	_ =	swait.ge [sflag:s4], $0xA00  }
0x9a: {  	s29 =	simm.s32 $0x230;
	s17 =	simm.s32 $0x5230;
	[sflag:s4] =	ssyncset.done $0x0  }
0x9b: {  	s2 =	simm.s32 $0x2;
	s11 =	simm.s32 $0x6;
	[sflag:s4] =	ssyncadd.s32 $0xFFFFF600  }
0x9c: {  	[tilespmem:s10], [sflag:$0x4] =	stream.indirect.gather [hbm4b:s5+s22], $0x20, s29, s22, $0xb8;
	[tilespmem:$0x18C80] =	vst v63  }
.LBB2_2:
0x9d: {  	s9 =	simm.s32 $0xE600  }
0x9e: {  	[tilespmem:s9], [sflag:$0x8] =	stream.indirect.gather [hbm4b:s6+s22], $0x20, s17, s22, $0xb8;
	[tilespmem:$0x18C80] =	vst v63  }
0x9f: {  	s0 =	simm.s32 $0x3;
	s17 =	smov.u32 s8  }
0xa0: {  	p0 =	sne.s32 s8, $0x9600;
	s8 =	sadd.s32 $0x500, s8;
	_ =	swait.ge [sflag:s0], $0xA00  }
0xa1: {  	[sflag:s0] =	ssyncset.done $0x0  }
0xa2: {  	[sflag:s0] =	ssyncadd.s32 $0xFFFFF600  }
0xa3: {  	_ =	swait.ge [sflag:s12], $0xA00  }
0xa4: {  	s17 =	sshra.s32 s17, $0x2;
	[sflag:s12] =	ssyncset.done $0x0  }
0xa5: {  	s26 =	simm.s32 $0xB400;
	s23 =	sadd.s32 $0x28A0, s17;
	[sflag:s12] =	ssyncadd.s32 $0xFFFFF600  }
0xa6: {  	[spmem:s1] =	stream.indirect.scatter.add.f32 [tilespmem:s26], [sflag:$0xB], $0x20, s23, s22, $0xb8;
	[tilespmem:$0x18C80] =	vst v63  }
0xa7: {  	s10 =	simm.s32 $0xDC00;
	s23 =	sadd.s32 $0x78A0, s17  }
0xa8: {  	[spmem:s3] =	stream.indirect.scatter.add.f32 [tilespmem:s10], [sflag:$0xF], $0x20, s23, s22, $0xb8;
	[tilespmem:$0x18C80] =	vst v63  }
0xa9: {  	_ =	swait.ge [sflag:s19], $0xA00  }
0xaa: {  	[sflag:s19] =	ssyncset.done $0x0  }
0xab: {  	[sflag:s19] =	ssyncadd.s32 $0xFFFFF600  }
0xac: {  	_ =	swait.ge [sflag:s13], $0xA00  }
0xad: {  	[sflag:s13] =	ssyncset.done $0x0  }
0xae: {  	s25 =	simm.s32 $0xA000;
	s23 =	sadd.s32 $0x140, s17;
	[sflag:s13] =	ssyncadd.s32 $0xFFFFF600  }
0xaf: {  	[tilespmem:s25], [sflag:$0x1] =	stream.indirect.gather [hbm4b:s5+s22], $0x20, s23, s22, $0xb8;
	[tilespmem:$0x18C80] =	vst v63  }
0xb0: {  	s28 =	simm.s32 $0xC800;
	s23 =	sadd.s32 $0x5140, s17  }
0xb1: {  	[tilespmem:s28], [sflag:$0x5] =	stream.indirect.gather [hbm4b:s6+s22], $0x20, s23, s22, $0xb8;
	[tilespmem:$0x18C80] =	vst v63  }
0xb2: {  	_ =	swait.ge [sflag:s20], $0xA00  }
0xb3: {  	[sflag:s20] =	ssyncset.done $0x0  }
0xb4: {  	[sflag:s20] =	ssyncadd.s32 $0xFFFFF600  }
0xb5: {  	_ =	swait.ge [sflag:s14], $0xA00  }
0xb6: {  	[sflag:s14] =	ssyncset.done $0x0  }
0xb7: {  	s24 =	simm.s32 $0xBE00;
	s23 =	sadd.s32 $0x28F0, s17;
	[sflag:s14] =	ssyncadd.s32 $0xFFFFF600  }
0xb8: {  	[spmem:s1] =	stream.indirect.scatter.add.f32 [tilespmem:s24], [sflag:$0xC], $0x20, s23, s22, $0xb8;
	[tilespmem:$0x18C80] =	vst v63  }
0xb9: {  	s23 =	sadd.s32 $0x78F0, s17  }
0xba: {  	[spmem:s3] =	stream.indirect.scatter.add.f32 [tilespmem:s9], [sflag:$0x10], $0x20, s23, s22, $0xb8;
	[tilespmem:$0x18C80] =	vst v63  }
0xbb: {  	_ =	swait.ge [sflag:s21], $0xA00  }
0xbc: {  	[sflag:s21] =	ssyncset.done $0x0  }
0xbd: {  	[sflag:s21] =	ssyncadd.s32 $0xFFFFF600  }
0xbe: {  	_ =	swait.ge [sflag:s15], $0xA00  }
0xbf: {  	[sflag:s15] =	ssyncset.done $0x0  }
0xc0: {  	s0 =	simm.s32 $0xAA00;
	s23 =	sadd.s32 $0x190, s17;
	[sflag:s15] =	ssyncadd.s32 $0xFFFFF600  }
0xc1: {  	[tilespmem:s0], [sflag:$0x2] =	stream.indirect.gather [hbm4b:s5+s22], $0x20, s23, s22, $0xb8;
	[tilespmem:$0x18C80] =	vst v63  }
0xc2: {  	s29 =	simm.s32 $0xD200;
	s23 =	sadd.s32 $0x5190, s17  }
0xc3: {  	[tilespmem:s29], [sflag:$0x6] =	stream.indirect.gather [hbm4b:s6+s22], $0x20, s23, s22, $0xb8;
	[tilespmem:$0x18C80] =	vst v63  }
0xc4: {  	_ =	swait.ge [sflag:s30], $0xA00  }
0xc5: {  	[sflag:s30] =	ssyncset.done $0x0  }
0xc6: {  	[sflag:s30] =	ssyncadd.s32 $0xFFFFF600  }
0xc7: {  	_ =	swait.ge [sflag:s31], $0xA00  }
0xc8: {  	[sflag:s31] =	ssyncset.done $0x0  }
0xc9: {  	s23 =	sadd.s32 $0x2940, s17;
	[sflag:s31] =	ssyncadd.s32 $0xFFFFF600  }
0xca: {  	[spmem:s1] =	stream.indirect.scatter.add.f32 [tilespmem:s25], [sflag:$0x9], $0x20, s23, s22, $0xb8;
	[tilespmem:$0x18C80] =	vst v63  }
0xcb: {  	s23 =	sadd.s32 $0x7940, s17  }
0xcc: {  	[spmem:s3] =	stream.indirect.scatter.add.f32 [tilespmem:s28], [sflag:$0xD], $0x20, s23, s22, $0xb8;
	[tilespmem:$0x18C80] =	vst v63  }
0xcd: {  	_ =	swait.ge [sflag:s7], $0xA00  }
0xce: {  	[sflag:s7] =	ssyncset.done $0x0  }
0xcf: {  	[sflag:s7] =	ssyncadd.s32 $0xFFFFF600  }
0xd0: {  	_ =	swait.ge [sflag:s16], $0xA00  }
0xd1: {  	[sflag:s16] =	ssyncset.done $0x0  }
0xd2: {  	s9 =	simm.s32 $0xB400;
	s23 =	sadd.s32 $0x1E0, s17;
	[sflag:s16] =	ssyncadd.s32 $0xFFFFF600  }
0xd3: {  	[tilespmem:s26], [sflag:$0x3] =	stream.indirect.gather [hbm4b:s5+s22], $0x20, s23, s22, $0xb8;
	[tilespmem:$0x18C80] =	vst v63  }
0xd4: {  	s23 =	sadd.s32 $0x51E0, s17;
	s26 =	simm.s32 $0xDC00  }
0xd5: {  	[tilespmem:s10], [sflag:$0x7] =	stream.indirect.gather [hbm4b:s6+s22], $0x20, s23, s22, $0xb8;
	[tilespmem:$0x18C80] =	vst v63  }
0xd6: {  	_ =	swait.ge [sflag:s2], $0xA00  }
0xd7: {  	[sflag:s2] =	ssyncset.done $0x0  }
0xd8: {  	[sflag:s2] =	ssyncadd.s32 $0xFFFFF600  }
0xd9: {  	_ =	swait.ge [sflag:s11], $0xA00  }
0xda: {  	[sflag:s11] =	ssyncset.done $0x0  }
0xdb: {  	s23 =	sadd.s32 $0x2990, s17;
	[sflag:s11] =	ssyncadd.s32 $0xFFFFF600  }
0xdc: {  	[spmem:s1] =	stream.indirect.scatter.add.f32 [tilespmem:s0], [sflag:$0xA], $0x20, s23, s22, $0xb8;
	[tilespmem:$0x18C80] =	vst v63  }
0xdd: {  	s23 =	sadd.s32 $0x7990, s17  }
0xde: {  	[spmem:s3] =	stream.indirect.scatter.add.f32 [tilespmem:s29], [sflag:$0xE], $0x20, s23, s22, $0xb8;
	[tilespmem:$0x18C80] =	vst v63  }
0xdf: {  	_ =	swait.ge [sflag:s18], $0xA00  }
0xe0: {  	[sflag:s18] =	ssyncset.done $0x0  }
0xe1: {  	[sflag:s18] =	ssyncadd.s32 $0xFFFFF600  }
.Ltmp0:
0xe2: {  	_ =	swait.ge [sflag:s4], $0xA00;
	(pc) =	sbr.rel @p0 .LBB2_2-.Ltmp0, $4  }
0xe3: {  	[sflag:s4] =	ssyncset.done $0x0  }
0xe4: {  	s10 =	simm.s32 $0xBE00;
	s23 =	sadd.s32 $0x230, s17;
	[sflag:s4] =	ssyncadd.s32 $0xFFFFF600  }
0xe5: {  	[tilespmem:s24], [sflag:$0x4] =	stream.indirect.gather [hbm4b:s5+s22], $0x20, s23, s22, $0xb8;
	[tilespmem:$0x18C80] =	vst v63  }
0xe6: {  	s17 =	sadd.s32 $0x5230, s17  }
0xe7: {  	s0 =	simm.s32 $0xE600;
	s2 =	simm.s32 $0x3  }
0xe8: {  	[tilespmem:s0], [sflag:$0x8] =	stream.indirect.gather [hbm4b:s6+s22], $0x20, s17, s22, $0xb8;
	[tilespmem:$0x18C80] =	vst v63  }
0xe9: {  	_ =	swait.ge [sflag:s2], $0xA00  }
0xea: {  	[sflag:s2] =	ssyncset.done $0x0  }
0xeb: {  	[sflag:s2] =	ssyncadd.s32 $0xFFFFF600  }
0xec: {  	_ =	swait.ge [sflag:s12], $0xA00  }
0xed: {  	[sflag:s12] =	ssyncset.done $0x0  }
0xee: {  	s8 =	simm.s32 $0x4F60;
	[sflag:s12] =	ssyncadd.s32 $0xFFFFF600  }
0xef: {  	[spmem:s1] =	stream.indirect.scatter.add.f32 [tilespmem:s9], [sflag:$0xB], $0x20, s8, s22, $0xb8;
	[tilespmem:$0x18C80] =	vst v63  }
0xf0: {  	s25 =	simm.s32 $0x9F60  }
0xf1: {  	[spmem:s3] =	stream.indirect.scatter.add.f32 [tilespmem:s26], [sflag:$0xF], $0x20, s25, s22, $0xb8;
	[tilespmem:$0x18C80] =	vst v63  }
0xf2: {  	_ =	swait.ge [sflag:s19], $0xA00  }
0xf3: {  	[sflag:s19] =	ssyncset.done $0x0  }
0xf4: {  	[sflag:s19] =	ssyncadd.s32 $0xFFFFF600  }
0xf5: {  	_ =	swait.ge [sflag:s13], $0xA00  }
0xf6: {  	[sflag:s13] =	ssyncset.done $0x0  }
0xf7: {  	[sflag:s13] =	ssyncadd.s32 $0xFFFFF600  }
0xf8: {  	_ =	swait.ge [sflag:s20], $0xA00  }
0xf9: {  	[sflag:s20] =	ssyncset.done $0x0  }
0xfa: {  	[sflag:s20] =	ssyncadd.s32 $0xFFFFF600  }
0xfb: {  	_ =	swait.ge [sflag:s14], $0xA00  }
0xfc: {  	[sflag:s14] =	ssyncset.done $0x0  }
0xfd: {  	s2 =	simm.s32 $0x4FB0;
	[sflag:s14] =	ssyncadd.s32 $0xFFFFF600  }
0xfe: {  	[spmem:s1] =	stream.indirect.scatter.add.f32 [tilespmem:s10], [sflag:$0xC], $0x20, s2, s22, $0xb8;
	[tilespmem:$0x18C80] =	vst v63  }
0xff: {  	s9 =	simm.s32 $0x9FB0  }
0x100: {  	[spmem:s3] =	stream.indirect.scatter.add.f32 [tilespmem:s0], [sflag:$0x10], $0x20, s9, s22, $0xb8;
	[tilespmem:$0x18C80] =	vst v63  }
0x101: {  	_ =	swait.ge [sflag:s21], $0xA00  }
0x102: {  	[sflag:s21] =	ssyncset.done $0x0  }
0x103: {  	[sflag:s21] =	ssyncadd.s32 $0xFFFFF600  }
0x104: {  	_ =	swait.ge [sflag:s15], $0xA00  }
0x105: {  	[sflag:s15] =	ssyncset.done $0x0  }
0x106: {  	[sflag:s15] =	ssyncadd.s32 $0xFFFFF600  }
0x107: {  	_ =	swait.ge [sflag:s7], $0xA00  }
0x108: {  	[sflag:s7] =	ssyncset.done $0x0  }
0x109: {  	[sflag:s7] =	ssyncadd.s32 $0xFFFFF600  }
0x10a: {  	_ =	swait.ge [sflag:s16], $0xA00  }
0x10b: {  	[sflag:s16] =	ssyncset.done $0x0  }
0x10c: {  	[sflag:s16] =	ssyncadd.s32 $0xFFFFF600  }
0x10d: {  	_ =	swait.ge [sflag:s18], $0xA00  }
0x10e: {  	[sflag:s18] =	ssyncset.done $0x0  }
0x10f: {  	[sflag:s18] =	ssyncadd.s32 $0xFFFFF600  }
0x110: {  	_ =	swait.ge [sflag:s4], $0xA00  }
0x111: {  	[sflag:s4] =	ssyncset.done $0x0  }
0x112: {  	[sflag:s4] =	ssyncadd.s32 $0xFFFFF600  }
0x113: {  	[bflag:$0x0] =	sbarrier.arrive $0xFFFF  }
0x114: {  	s17 =	rddreg [dreg:$0x5]  }
0x115: {  	s10 =	rddreg [dreg:$0xa]  }
0x116: {  	s23 =	simm.s32 $0x11;
	s9 =	rddreg [dreg:$0xd]  }
0x117: {  	[hbm:s10], [sflag:s17] =	dma.local [spmem:s9], $0x9C8  }
0x118: {  	_ =	swait.ge [sflag:s23], $0x9C8  }
0x119: {  	[sflag:s23] =	ssyncset.done $0x0;
	s11 =	rddreg [dreg:$0xb]  }
0x11a: {  	s10 =	rddreg [dreg:$0xe];
	[sflag:s23] =	ssyncadd.s32 $0xFFFFF638  }
0x11b: {  	[hbm:s11], [sflag:s17] =	dma.local [spmem:s10], $0x9C8  }
0x11c: {  	_ =	swait.ge [sflag:s23], $0x9C8  }
0x11d: {  	s24 =	rddreg [dreg:$0xf]  }
0x11e: {  	s25 =	rddreg [dreg:$0xc];
	s0 =	sadd.s32 $0x1, s24  }
0x11f: {  	p0 =	sne.s32 s0, s25  }
.Ltmp1:
0x120: {  	_ = 	snop;
	(pc) =	sbr.rel @p0 .LBB2_1-.Ltmp1, $4  }
0x121: {  	_ = 	snop  }
0x122: {  	s28 =	simm.s32 $0x1  }
0x123: {  	s29 =	simm.s32 $0x5;
	s26 =	simm.s32 $0x11;
	[sflag:s23] =	ssyncset.done $0x0  }
0x124: {  	s2 =	simm.s32 $0x2;
	s11 =	simm.s32 $0x6;
	[sflag:s26] =	ssyncadd.s32 $0xFFFFF638  }
0x125: {  	_ =	sfence.sel $0x180000  }
0x126: {  	[bflag:$0x0] =	sbarrier.arrive $0xFFFF  }
0x127: {  	_ =	strace $0x9000004D  }
0x128: {  	s0 =	stileid.u32;
	[bflag:$0x2] =	sbarrier.arrive $0xFFFF  }
0x129: {  	p0 =	sne.s32 s0, $0x0;
	s0 =	rddreg [dreg:$0x3]  }
0x12a: {  	s0 =	sadd.s32 @!p0 $0x100000, s0  }
0x12b: {  	[sflag:s0] =	ssyncadd.tile.s32 @!p0 $0x1;
	_ =	shalt  }
.Lfunc_end2:
_tile_overlayer_lowered:
.L_overlay_start_2:
0x12c: {  	(tag) =	ssettag $0x2  }
0x12d: {  	s0 =	rddreg [dreg:$0x0];
	s2 =	stileid.u32  }
0x12e: {  	s1 =	rddreg [dreg:$0x1];
	p0 =	sne.s32 s2, $0x0  }
0x12f: {  	s3 =	rddreg [dreg:$0x2];
	[bflag:$0x3] =	sbarrier.arrive $0xFFFF;
	s2 =	simm.s32 @!p0 $0x1C11  }
0x130: {  	[timem:s3], [sflag:s2] =	dma.local @!p0 [hbm:s0], s1  }
0x131: {  	s0 =	simm.s32 @!p0 $0x11  }
0x132: {  	_ =	swait.ge @!p0 [sflag:s0], s1  }
0x133: {  	s1 =	ssub.s32 @!p0 $0x0, s1;
	[sflag:s0] =	ssyncset.done @!p0 $0x0  }
0x134: {  	[sflag:s0] =	ssyncadd.s32 @!p0 s1  }
0x135: {  	[bflag:$0x3] =	sbarrier.arrive $0xFFFF  }
0x136: {  	_ =	shalt  }

// kernel: kernel.8.cloned.1.call-start
scs
__scs_entry_jumppad:
0x0: {  	(pc) =	sbr.rel $0x88, $3  }
0x1: {  	(tag) =	ssettag $0x0;
	lr =	simm.s32 $0x1  }
0x2: {  	[smem:$0x3F8B] =	sst lr;
	_ =	strace $0xD0000000  }
0x3: {  	_ = 	snop  }
0x4: {  	_ = 	snop  }
0x5: {  	_ = 	snop  }
0x6: {  	_ = 	snop  }
0x7: {  	_ = 	snop  }
__scs_overlays_trampoline_lowered:
0x8: {  	[smem:$0x3F9A] =	sst s0  }
0x9: {  	[smem:$0x3F9B] =	sst s1  }
0xa: {  	[smem:$0x3F9C] =	sst s2  }
0xb: {  	[smem:$0x3F9D] =	sst s3  }
0xc: {  	[smem:$0x3F9E] =	sst s4  }
0xd: {  	[smem:$0x3F9F] =	sst s5  }
0xe: {  	[smem:$0x3FA0] =	sst s6  }
0xf: {  	[smem:$0x3FA1] =	sst s7  }
0x10: {  	[smem:$0x3FA2] =	sst s8  }
0x11: {  	[smem:$0x3FA3] =	sst s9;
	s0 =	simm.s32 @!p0 $0x0  }
0x12: {  	s1 =	sld [smem:$0x3F89];
	s0 =	simm.s32 @p0 $0x1  }
0x13: {  	[smem:$0x3FA4] =	sst s0;
	s0 =	simm.s32 @!p1 $0x0  }
0x14: {  	s2 =	sld [smem:$0x3F88];
	s0 =	simm.s32 @p1 $0x1  }
0x15: {  	[smem:$0x3FA5] =	sst s0;
	s0 =	simm.s32 @!p2 $0x0  }
0x16: {  	s3 =	sld [smem:$0x3FDB];
	s0 =	simm.s32 @p2 $0x1  }
0x17: {  	s4 =	simm.s32 $0x1BF5;
	[smem:$0x3FA7] =	sst s0  }
0x18: {  	s0 =	sld [smem:$0x3F8A];
	_ =	swait.ge [sflag:s4], $0x0  }
0x19: {  	s7 =	sld [smem:$0x3F8B]  }
0x1a: {  	s8 =	sadd.s32 $0xFFFFE003, lr  }
0x1b: {  	s9 =	sadd.s32 $0xFFFFFEF7, lr;
	s5 =	simm.s32 $0xFFFFFFFF;
	p2 =	slt.u32 s8, $0xFFFFF086  }
0x1c: {  	p1 =	slt.u32 s9, $0xF7A;
	s5 =	simm.s32 @!p2 $0x0  }
0x1d: {  	s5 =	simm.s32 @p1 $0x1;
	p0 =	seq.s32 s7, s2  }
0x1e: {  	s7 =	smul.u32 @!p0 $0xF7A, s2;
	p2 =	seq.s32 @!p0 s5, $0x0  }
0x1f: {  	s9 =	smul.u32 $0xF7A, s1;
	s8 =	simm.s32 @!p0 $0x1BF5;
	p2 =	por !p2, p0  }
0x20: {  	[sflag:s8] =	ssyncset.s32 @!p0 $0xFFFFF086;
	s6 =	sadd.s32 @!p0 s3, s7;
	s7 =	simm.s32 @!p0 $0x108  }
0x21: {  	s3 =	sadd.s32 s3, s9;
	s6 =	sadd.s32 @!p0 $0x88, s6;
	s7 =	simm.s32 @p2 $0x1082  }
0x22: {  	[simem:s7], [sflag:s8] =	dma.local @!p0 [hbm:s6], $0xF7A  }
0x23: {  	s9 =	sor.u32 $0xD0000000, s2;
	s6 =	simm.s32 $0x108;
	_ =	swait.ge @!p0 [sflag:s8], $0x0  }
0x24: {  	s3 =	sadd.s32 $0x88, s3;
	s6 =	simm.s32 @!p1 $0x1082;
	[sflag:s4] =	ssyncset.s32 $0xFFFFF086  }
0x25: {  	[simem:s6], [sflag:s4] =	dma.local [hbm:s3], $0xF7A  }
0x26: {  	[smem:$0x3F8B] =	sst s1;
	(tag) =	ssettag s2;
	_ =	strace s9  }
0x27: {  	s1 =	sld [smem:$0x3F9B]  }
0x28: {  	s2 =	sld [smem:$0x3F9C]  }
0x29: {  	s4 =	sld [smem:$0x3F9E]  }
0x2a: {  	p0 =	seq.s32 s5, $0x0;
	s5 =	sld [smem:$0x3F9F]  }
0x2b: {  	s6 =	sld [smem:$0x3FA0]  }
0x2c: {  	s7 =	sld [smem:$0x3FA1]  }
0x2d: {  	s3 =	simm.s32 $0x108;
	s8 =	sld [smem:$0x3FA2]  }
0x2e: {  	s3 =	simm.s32 @!p0 $0x1082;
	s9 =	sld [smem:$0x3FA3]  }
0x2f: {  	lr =	sadd.s32 s0, s3;
	s0 =	sld [smem:$0x3F9A]  }
0x30: {  	s3 =	sld [smem:$0x3F9D]  }
0x31: {  	[smem:$0x3FA6] =	sst s10  }
0x32: {  	s10 =	sld [smem:$0x3FA4];
	_ =	sdelay $0x3  }
0x33: {  	p0 =	seq.s32 s10, $0x1;
	s10 =	sld [smem:$0x3FA6];
	_ =	sdelay $0x3  }
0x34: {  	[smem:$0x3FA6] =	sst s10  }
0x35: {  	s10 =	sld [smem:$0x3FA5];
	_ =	sdelay $0x3  }
0x36: {  	p1 =	seq.s32 s10, $0x1;
	s10 =	sld [smem:$0x3FA6];
	_ =	sdelay $0x3  }
0x37: {  	[smem:$0x3FA6] =	sst s10  }
0x38: {  	s10 =	sld [smem:$0x3FA7]  }
0x39: {  	_ = 	snop;
	(pc) =	sbr.ind lr, $3  }
0x3a: {  	_ = 	snop  }
0x3b: {  	_ = 	snop  }
0x3c: {  	p2 =	seq.s32 s10, $0x1;
	s10 =	sld [smem:$0x3FA6]  }
0x3d: {  	_ =	shalt  }
0x3e: {  	_ =	shalt  }
0x3f: {  	_ =	shalt  }
0x40: {  	_ =	shalt  }
0x41: {  	_ =	shalt  }
0x42: {  	_ =	shalt  }
0x43: {  	_ =	shalt  }
0x44: {  	_ =	shalt  }
0x45: {  	_ =	shalt  }
0x46: {  	_ =	shalt  }
0x47: {  	_ =	shalt  }
0x48: {  	_ =	shalt  }
0x49: {  	_ =	shalt  }
0x4a: {  	_ =	shalt  }
0x4b: {  	_ =	shalt  }
0x4c: {  	_ =	shalt  }
0x4d: {  	_ =	shalt  }
0x4e: {  	_ =	shalt  }
0x4f: {  	_ =	shalt  }
0x50: {  	_ =	shalt  }
0x51: {  	_ =	shalt  }
0x52: {  	_ =	shalt  }
0x53: {  	_ =	shalt  }
0x54: {  	_ =	shalt  }
0x55: {  	_ =	shalt  }
0x56: {  	_ =	shalt  }
0x57: {  	_ =	shalt  }
0x58: {  	_ =	shalt  }
0x59: {  	_ =	shalt  }
0x5a: {  	_ =	shalt  }
0x5b: {  	_ =	shalt  }
0x5c: {  	_ =	shalt  }
0x5d: {  	_ =	shalt  }
0x5e: {  	_ =	shalt  }
0x5f: {  	_ =	shalt  }
0x60: {  	_ =	shalt  }
0x61: {  	_ =	shalt  }
0x62: {  	_ =	shalt  }
0x63: {  	_ =	shalt  }
0x64: {  	_ =	shalt  }
0x65: {  	_ =	shalt  }
0x66: {  	_ =	shalt  }
0x67: {  	_ =	shalt  }
0x68: {  	_ =	shalt  }
0x69: {  	_ =	shalt  }
0x6a: {  	_ =	shalt  }
0x6b: {  	_ =	shalt  }
0x6c: {  	_ =	shalt  }
0x6d: {  	_ =	shalt  }
0x6e: {  	_ =	shalt  }
0x6f: {  	_ =	shalt  }
0x70: {  	_ =	shalt  }
0x71: {  	_ =	shalt  }
0x72: {  	_ =	shalt  }
0x73: {  	_ =	shalt  }
0x74: {  	_ =	shalt  }
0x75: {  	_ =	shalt  }
0x76: {  	_ =	shalt  }
0x77: {  	_ =	shalt  }
0x78: {  	_ =	shalt  }
0x79: {  	_ =	shalt  }
0x7a: {  	_ =	shalt  }
0x7b: {  	_ =	shalt  }
0x7c: {  	_ =	shalt  }
0x7d: {  	_ =	shalt  }
0x7e: {  	_ =	shalt  }
0x7f: {  	_ =	shalt  }
0x80: {  	_ =	shalt  }
0x81: {  	_ =	shalt  }
0x82: {  	_ =	shalt  }
0x83: {  	_ =	shalt  }
0x84: {  	_ =	shalt  }
0x85: {  	_ =	shalt  }
0x86: {  	_ =	shalt  }
0x87: {  	_ =	shalt  }
.Lfunc_end0:
.L_simem_size_0:
called_computation_lowered:
.L_overlay_start_0:
0x88: {  	s2 =	sld [smem:$0x3FD9]  }
0x89: {  	s3 =	sld [smem:$0x3FFE];
	_ =	sdelay $0x1  }
0x8a: {  	s1 =	srdreg.scid  }
0x8b: {  	s0 =	sand.u32 $0x1, s1  }
0x8c: {  	s16 =	sshll.u32 s0, $0xA;
	s2 =	sadd.s32 s3, s2  }
0x8d: {  	s2 =	sadd.s32 s2, s16  }
0x8e: {  	[smem:$0x3FB2] =	sst s2  }
0x8f: {  	_ = 	snop  }
0x90: {  	(tm) =	ssettm $0x1  }
0x91: {  	s17 =	sld [smem:$0x3FFB];
	_ =	sdelay $0x3  }
0x92: {  	_ =	strace s17  }
0x93: {  	s2 =	sld [smem:$0x3FFC];
	_ =	sdelay $0x3  }
0x94: {  	_ =	strace s2  }
0x95: {  	s2 =	sld [smem:$0x3FFD];
	_ =	sdelay $0x3  }
0x96: {  	_ =	strace s2  }
0x97: {  	_ =	strace $0x8FFFFFFF  }
0x98: {  	s18 =	sld [smem:$0x3FDB];
	_ =	sdelay $0x1  }
0x99: {  	s19 =	simm.s32 $_scs_section_size  }
0x9a: {  	s4 =	simm.s32 $_size__tile_overlayer_lowered;
	s5 =	simm.s32 $_tile_overlayer_lowered  }
0x9b: {  	s22 =	simm.s32 $0x1BFF;
	s21 =	sshll.u32 s5, $0x1;
	s2 =	sadd.s32 s19, s18  }
0x9c: {  	s6 =	simm.s32 $0x0;
	s20 =	sshll.u32 s4, $0x1;
	s4 =	sadd.s32 s21, s2  }
0x9d: {  	[timem:s6], [sflag:s22] =	dma.local [hbm:s4], s20  }
0x9e: {  	_ =	swait.ge [sflag:s22], s20  }
0x9f: {  	s3 =	ssub.s32 $0x0, s20;
	[sflag:s22] =	ssyncset.done $0x0  }
0xa0: {  	[sflag:s22] =	ssyncadd.s32 s3;
	_ =	sdelay $0x1  }
0xa1: {  	s23 =	simm.s32 $0x1B8B  }
0xa2: {  	_ =	swait.ge [sflag:s23], $0x1  }
0xa3: {  	[sflag:s23] =	ssyncset.done $0x0  }
0xa4: {  	s25 =	simm.s32 $0x1B8E;
	s24 =	sld [smem:$0x3FFE];
	[sflag:s23] =	ssyncadd.s32 $0xFFFFFFFF  }
0xa5: {  	s26 =	simm.s32 $execute0_lowered;
	[smem:$0x3FD2] =	sst s25  }
0xa6: {  	s4 =	sshll.u32 s26, $0x1;
	_ =	strace $0x80000046;
	[dreg:$0x1] =	wrdreg $0xFFFFFFFF  }
0xa7: {  	s28 =	simm.s32 $_size_execute0_lowered;
	s2 =	sadd.s32 s2, s4;
	[dreg:$0x0] =	wrdreg $0x0  }
0xa8: {  	s4 =	sshll.u32 s28, $0x1;
	[dreg:$0x2] =	wrdreg s2  }
0xa9: {  	[dreg:$0x3] =	wrdreg s4  }
0xaa: {  	[dreg:$0x4] =	wrdreg $0xC0  }
0xab: {  	_ =	task [dreg:s6], $0x5FFFF  }
0xac: {  	[dreg:$0x1] =	wrdreg $0xFFFFFFFF  }
0xad: {  	[dreg:$0x0] =	wrdreg $0x60  }
0xae: {  	[dreg:$0x2] =	wrdreg s24  }
0xaf: {  	[dreg:$0x3] =	wrdreg $0x9  }
0xb0: {  	_ =	task.clear_ibuf [dreg:s6], $0x4FFFF;
	_ =	strace $0x90000046  }
0xb1: {  	s29 =	simm.s32 $0x9;
	_ =	strace $0x80000048  }
0xb2: {  	_ =	swait.ge [sflag:s29], $0x1  }
0xb3: {  	[sflag:s29] =	ssyncadd.s32 $0xFFFFFFFF  }
0xb4: {  	_ =	strace $0x90000048  }
0xb5: {  	_ =	sfence  }
0xb6: {  	s30 =	sld [smem:$0x0];
	_ =	sdelay $0x2  }
0xb7: {  	s31 =	sshll.u32 s1, $0xD;
	s1 =	sshrl.u32 s1, $0x2  }
0xb8: {  	s3 =	sand.u32 $0x4000, s31;
	s1 =	sadd.s32 s1, s30  }
0xb9: {  	s0 =	sor.u32 s3, s0;
	s1 =	sshll.u32 s1, $0x11  }
0xba: {  	s0 =	sor.u32 s1, s0  }
0xbb: {  	s0 =	sadd.s32 $0x8F2B, s0  }
0xbc: {  	[sflag:s0] =	ssyncadd.remote.s32 $0x1  }
0xbd: {  	_ =	sfence.sel $0xFFFF  }
0xbe: {  	[dreg:$0x0] =	wrdreg $0xFFFFFFFF;
	(pc) =	sbr.abs _section_cstart, $3  }
0xbf: {  	[dreg:$0x1] =	wrdreg $0xFFFFFFFF  }
0xc0: {  	_ =	task.clear_ibuf [dreg:s6], $0x2FFFF;
	_ =	strace $0x9FFFFFFF  }
0xc1: {  	(tm) =	ssettm $0x7FFFFFFF  }
tec
execute0_lowered:
.L_overlay_start_1:
0x0: {  	(tag) =	ssettag $0x1  }
0x1: {  	s1 =	srdreg.scid;
	s0 =	stileid.u32  }
0x2: {  	s3 =	rddreg [dreg:$0x0];
	s4 =	sand.u32 $0x1, s1;
	s5 =	sshll.u32 s0, $0x1  }
0x3: {  	s2 =	simm.s32 $0x0;
	s10 =	simm.s32 $0x0;
	s5 =	sor.u32 s4, s5  }
0x4: {  	s1 =	rddreg [dreg:$0x1];
	s4 =	ssub.s32 $0x2, s4;
	s5 =	smul.u32 $0x2710, s5  }
0x5: {  	[smem:$0x7FF] =	sst s2;
	s6 =	sadd.s32 $0x5200, s3;
	s7 =	sshrl.u32 s4, $0x1  }
0x6: {  	s8 =	sadd.s32 $0x18C00, s3;
	s7 =	ssub.s32 s4, s7;
	s5 =	sshrl.u32 s5, $0x3  }
0x7: {  	_ =	strace $0x80000047;
	s7 =	smax.u32 s7, $0x1;
	s9 =	sadd.s32 $0x9C40, s5  }
0x8: {  	s3 =	sadd.s32 s6, s5;
	s4 =	sadd.s32 s8, s5;
	s5 =	sadd.s32 s6, s9  }
0x9: {  	v0 =	vimm.f32 $0.0e+00;
	v1 =	vimm.f32 $1.000000000e+00;
	s6 =	sadd.s32 s8, s9;
	s8 =	simm.s32 $0x1;
	s9 =	simm.s32 $0x2710  }
.LBB2_1:
0xa: {  	[tilespmem:s2], [sflag:$0x1] =	stream.linear.gather [hbm4b:s3+s2], $0x2710, $0x38;
	[tilespmem:$0x4E20] =	vst v63  }
0xb: {  	_ =	swait.ge [sflag:s8], $0x2710  }
0xc: {  	[sflag:s8] =	ssyncset.done $0x0  }
0xd: {  	s12 =	simm.s32 $0x140;
	s11 =	simm.s32 $0x0;
	[sflag:s8] =	ssyncadd.s32 $0xFFFFD8F0  }
.LBB2_2:
0xe: {  	p0 =	sne.s32 s12, $0x9B00;
	[tilespmem:s11+$0x2750] =	vst v0;
	s13 =	smov.u32 s12;
	s12 =	sadd.s32 $0x140, s12  }
.Ltmp0:
0xf: {  	[tilespmem:s11+$0x2740] =	vst v0;
	(pc) =	sbr.rel @p0 .LBB2_2-.Ltmp0, $4  }
0x10: {  	[tilespmem:s11+$0x2730] =	vst v0  }
0x11: {  	[tilespmem:s11+$0x2710] =	vst v0  }
0x12: {  	[tilespmem:s11+$0x2720] =	vst v0  }
0x13: {  	s11 =	sshra.s32 s13, $0x2  }
0x14: {  	[tilespmem:s11+$0x2750] =	vst v0  }
0x15: {  	[tilespmem:s11+$0x2740] =	vst v0  }
0x16: {  	[tilespmem:s11+$0x2730] =	vst v0  }
0x17: {  	[tilespmem:s11+$0x2710] =	vst v0  }
0x18: {  	[tilespmem:s11+$0x2720] =	vst v0;
	s11 =	simm.s32 $0x0  }
.LBB2_4:
0x19: {  	s12 =	sshra.s32 s11, $0x2  }
0x1a: {  	v2 =	vld [tilespmem:s12+$0x0];
	_ =	sdelay $0x7  }
0x1b: {  	[tilespmem:v2+s9+$0x0] =	vst.idx.add.f32.msk $0xffff, v1  }
0x1c: {  	v2 =	vld [tilespmem:s12+$0x10];
	_ =	sdelay $0x7  }
0x1d: {  	[tilespmem:v2+s9+$0x0] =	vst.idx.add.f32.msk $0xffff, v1  }
0x1e: {  	v2 =	vld [tilespmem:s12+$0x20];
	_ =	sdelay $0x7  }
0x1f: {  	[tilespmem:v2+s9+$0x0] =	vst.idx.add.f32.msk $0xffff, v1  }
0x20: {  	v2 =	vld [tilespmem:s12+$0x30];
	_ =	sdelay $0x7  }
0x21: {  	[tilespmem:v2+s9+$0x0] =	vst.idx.add.f32.msk $0xffff, v1  }
0x22: {  	v2 =	vld [tilespmem:s12+$0x40];
	_ =	sdelay $0x2  }
0x23: {  	p0 =	sne.s32 s11, $0x9B00  }
.Ltmp1:
0x24: {  	_ = 	snop;
	(pc) =	sbr.rel @p0 .LBB2_4-.Ltmp1, $2  }
0x25: {  	_ =	sdelay $0x2  }
0x26: {  	s11 =	sadd.s32 $0x140, s11;
	[tilespmem:v2+s9+$0x0] =	vst.idx.add.f32.msk $0xffff, v1  }
0x27: {  	s11 =	simm.s32 $0x0  }
0x28: {  	[hbm4b:s4+s11] =	stream.linear.scatter [tilespmem:s9], [sflag:$0x1], $0x2710, $0x38;
	[tilespmem:$0x4E20] =	vst v63  }
0x29: {  	_ =	swait.ge [sflag:s8], $0x2710  }
0x2a: {  	[sflag:s8] =	ssyncset.done $0x0  }
0x2b: {  	[sflag:s8] =	ssyncadd.s32 $0xFFFFD8F0  }
0x2c: {  	[tilespmem:s11], [sflag:$0x1] =	stream.linear.gather [hbm4b:s5+s11], $0x2710, $0x38;
	[tilespmem:$0x4E20] =	vst v63  }
0x2d: {  	_ =	swait.ge [sflag:s8], $0x2710  }
0x2e: {  	[sflag:s8] =	ssyncset.done $0x0  }
0x2f: {  	s13 =	simm.s32 $0x140;
	s12 =	simm.s32 $0x0;
	[sflag:s8] =	ssyncadd.s32 $0xFFFFD8F0  }
.LBB2_6:
0x30: {  	p0 =	sne.s32 s13, $0x9B00;
	[tilespmem:s12+$0x2750] =	vst v0;
	s14 =	smov.u32 s13;
	s13 =	sadd.s32 $0x140, s13  }
.Ltmp2:
0x31: {  	[tilespmem:s12+$0x2740] =	vst v0;
	(pc) =	sbr.rel @p0 .LBB2_6-.Ltmp2, $4  }
0x32: {  	[tilespmem:s12+$0x2730] =	vst v0  }
0x33: {  	[tilespmem:s12+$0x2710] =	vst v0  }
0x34: {  	[tilespmem:s12+$0x2720] =	vst v0  }
0x35: {  	s12 =	sshra.s32 s14, $0x2  }
0x36: {  	[tilespmem:s12+$0x2750] =	vst v0  }
0x37: {  	[tilespmem:s12+$0x2740] =	vst v0  }
0x38: {  	[tilespmem:s12+$0x2730] =	vst v0  }
0x39: {  	[tilespmem:s12+$0x2710] =	vst v0  }
0x3a: {  	[tilespmem:s12+$0x2720] =	vst v0  }
.LBB2_8:
0x3b: {  	s12 =	sshra.s32 s11, $0x2  }
0x3c: {  	v2 =	vld [tilespmem:s12+$0x0];
	_ =	sdelay $0x7  }
0x3d: {  	[tilespmem:v2+s9+$0x0] =	vst.idx.add.f32.msk $0xffff, v1  }
0x3e: {  	v2 =	vld [tilespmem:s12+$0x10];
	_ =	sdelay $0x7  }
0x3f: {  	[tilespmem:v2+s9+$0x0] =	vst.idx.add.f32.msk $0xffff, v1  }
0x40: {  	v2 =	vld [tilespmem:s12+$0x20];
	_ =	sdelay $0x7  }
0x41: {  	[tilespmem:v2+s9+$0x0] =	vst.idx.add.f32.msk $0xffff, v1  }
0x42: {  	v2 =	vld [tilespmem:s12+$0x30];
	_ =	sdelay $0x7  }
0x43: {  	[tilespmem:v2+s9+$0x0] =	vst.idx.add.f32.msk $0xffff, v1  }
0x44: {  	v2 =	vld [tilespmem:s12+$0x40];
	_ =	sdelay $0x2  }
0x45: {  	p0 =	sne.s32 s11, $0x9B00  }
.Ltmp3:
0x46: {  	_ = 	snop;
	(pc) =	sbr.rel @p0 .LBB2_8-.Ltmp3, $2  }
0x47: {  	_ =	sdelay $0x2  }
0x48: {  	s11 =	sadd.s32 $0x140, s11;
	[tilespmem:v2+s9+$0x0] =	vst.idx.add.f32.msk $0xffff, v1  }
0x49: {  	s10 =	sadd.s32 $0x1, s10  }
0x4a: {  	p0 =	sne.s32 s10, s7  }
.Ltmp4:
0x4b: {  	_ = 	snop;
	(pc) =	sbr.rel @p0 .LBB2_1-.Ltmp4, $4  }
0x4c: {  	[hbm4b:s6+s2] =	stream.linear.scatter [tilespmem:s9], [sflag:$0x1], $0x2710, $0x38;
	[tilespmem:$0x4E20] =	vst v63  }
0x4d: {  	_ =	swait.ge [sflag:s8], $0x2710  }
0x4e: {  	[sflag:s8] =	ssyncset.done $0x0  }
0x4f: {  	[sflag:s8] =	ssyncadd.s32 $0xFFFFD8F0  }
0x50: {  	_ =	sfence.sel $0x180000  }
0x51: {  	[bflag:$0x0] =	sbarrier.arrive $0xFFFF  }
0x52: {  	p0 =	sne.s32 s0, $0x0;
	_ =	strace $0x90000047  }
0x53: {  	s0 =	sadd.s32 @!p0 $0x100000, s1;
	[bflag:$0x2] =	sbarrier.arrive $0xFFFF  }
0x54: {  	[sflag:s0] =	ssyncadd.tile.s32 @!p0 $0x1;
	_ =	shalt  }
.Lfunc_end2:
_tile_overlayer_lowered:
.L_overlay_start_2:
0x55: {  	(tag) =	ssettag $0x2  }
0x56: {  	s0 =	rddreg [dreg:$0x0];
	s2 =	stileid.u32  }
0x57: {  	s1 =	rddreg [dreg:$0x1];
	p0 =	sne.s32 s2, $0x0  }
0x58: {  	s3 =	rddreg [dreg:$0x2];
	[bflag:$0x3] =	sbarrier.arrive $0xFFFF;
	s2 =	simm.s32 @!p0 $0x1C01  }
0x59: {  	[timem:s3], [sflag:s2] =	dma.local @!p0 [hbm:s0], s1  }
0x5a: {  	s0 =	simm.s32 @!p0 $0x1  }
0x5b: {  	_ =	swait.ge @!p0 [sflag:s0], s1  }
0x5c: {  	s1 =	ssub.s32 @!p0 $0x0, s1;
	[sflag:s0] =	ssyncset.done @!p0 $0x0  }
0x5d: {  	[sflag:s0] =	ssyncadd.s32 @!p0 s1  }
0x5e: {  	[bflag:$0x3] =	sbarrier.arrive $0xFFFF  }
0x5f: {  	_ =	shalt  }

</sc_bundles>
